<compile_context>
chip_gen: v7x
topology: tpu7x:2x2x1
jax: 0.10.2.dev20260603
libtpu: 0.0.44.dev20260713+nightly
codegen_flags: <defaults>
</compile_context>

<pallas_src>
import jax
import jax.numpy as jnp
from jax import lax
from jax.experimental import pallas as pl
from jax.experimental.pallas import tpu as pltpu
from jax.experimental.pallas import tpu_sc as plsc

NN = 10000
EE = 320000
NFEAT = 128
NHID = 8
HEADS = 8
NCLASS = 16
LBDA0 = 0.5
LBDA1 = 0.3

NC, NS = 2, 16
NW = NC * NS
CHUNK = 64
NPAD = 10240
ROWS_PER_TILE = NPAD // NS
ETOT = EE + NN
EPW = 10368
EP = EPW * NW
NCHUNKS = EPW // CHUNK
ZROWS = 64

AROW1 = 128
ROW1, BROW1, VAL1 = 80, 16, 64
ROW2, BROW2, VAL2 = 32, 16, 16


def _make_sc_edge(arow_w, row_w, brow_w, val_w, n_heads, head_w, stage_a):
  mesh = plsc.VectorSubcoreMesh(core_axis_name="c", subcore_axis_name="s")

  def body(src_hbm, dst_hbm, taba_hbm, tabb_hbm, out_hbm,
           srcb, dstb, rowsa, rowsb, scaled, zbuf, tabs_a, tabs_b, acc,
           sem_a, sem_b, sem_s):
    c = lax.axis_index("c")
    s = lax.axis_index("s")
    wid = s * NC + c

    zv = jnp.zeros((16,), jnp.float32)

    def zb_body(i, _):
      for j in range(row_w // 16):
        zbuf[i, pl.ds(j * 16, 16)] = zv
      return 0

    def zs_body(i, _):
      for j in range(row_w // 16):
        scaled[i, pl.ds(j * 16, 16)] = zv
      return 0

    lax.fori_loop(0, ZROWS, zb_body, 0)
    lax.fori_loop(0, CHUNK, zs_body, 0)
    trow = s * ROWS_PER_TILE
    if stage_a:
      pltpu.sync_copy(taba_hbm.at[pl.ds(trow, ROWS_PER_TILE)],
                      tabs_a.at[pl.ds(trow, ROWS_PER_TILE)])
    pltpu.sync_copy(tabb_hbm.at[pl.ds(trow, ROWS_PER_TILE)],
                    tabs_b.at[pl.ds(trow, ROWS_PER_TILE)])
    for i in range(ROWS_PER_TILE // ZROWS):
      pltpu.sync_copy(zbuf, acc.at[pl.ds(trow + i * ZROWS, ZROWS)])
    plsc.subcore_barrier()

    iota16 = lax.iota(jnp.int32, 16)

    def group_body(g, _):
      eids = iota16 + g * 16
      exs = []
      for h in range(n_heads):
        av = plsc.load_gather(rowsa, [eids, jnp.full((16,), val_w + h, jnp.int32)])
        bv = plsc.load_gather(rowsb, [eids, jnp.full((16,), h, jnp.int32)])
        v = av + bv
        e = jnp.exp(jnp.maximum(v, 0.2 * v))
        exs.append(e)
        plsc.store_scatter(scaled, [eids, jnp.full((16,), val_w + h, jnp.int32)], e)
      for cc in range(val_w):
        col = plsc.load_gather(rowsa, [eids, jnp.full((16,), cc, jnp.int32)])
        plsc.store_scatter(scaled, [eids, jnp.full((16,), cc, jnp.int32)],
                           col * exs[cc // head_w])
      return 0

    a_src = tabs_a if stage_a else taba_hbm

    def chunk_body(i, _):
      base = wid * EPW + i * CHUNK
      pltpu.sync_copy(src_hbm.at[pl.ds(base, CHUNK)], srcb)
      pltpu.sync_copy(dst_hbm.at[pl.ds(base, CHUNK)], dstb)
      ga = pltpu.async_copy(a_src.at[srcb], rowsa, sem_a)
      gb = pltpu.async_copy(tabs_b.at[dstb], rowsb, sem_b)
      ga.wait()
      gb.wait()
      lax.fori_loop(0, CHUNK // 16, group_body, 0)
      pltpu.async_copy(scaled, acc.at[dstb], sem_s, add=True).wait()
      return 0

    lax.fori_loop(0, NCHUNKS, chunk_body, 0)
    plsc.subcore_barrier()
    pltpu.sync_copy(acc.at[pl.ds(trow, ROWS_PER_TILE)],
                    out_hbm.at[c, pl.ds(trow, ROWS_PER_TILE)])

  scratch = [
      pltpu.VMEM((CHUNK,), jnp.int32),
      pltpu.VMEM((CHUNK,), jnp.int32),
      pltpu.VMEM((CHUNK, arow_w), jnp.float32),
      pltpu.VMEM((CHUNK, brow_w), jnp.float32),
      pltpu.VMEM((CHUNK, row_w), jnp.float32),
      pltpu.VMEM((ZROWS, row_w), jnp.float32),
      (pltpu.VMEM_SHARED((NPAD, arow_w), jnp.float32) if stage_a
       else pltpu.VMEM_SHARED((8, 8), jnp.float32)),
      pltpu.VMEM_SHARED((NPAD, brow_w), jnp.float32),
      pltpu.VMEM_SHARED((NPAD, row_w), jnp.float32),
      pltpu.SemaphoreType.DMA,
      pltpu.SemaphoreType.DMA,
      pltpu.SemaphoreType.DMA,
  ]
  return pl.kernel(
      body,
      out_type=jax.ShapeDtypeStruct((NC, NPAD, row_w), jnp.float32),
      mesh=mesh,
      compiler_params=pltpu.CompilerParams(needs_layout_passes=False),
      scratch_types=scratch,
  )


def _tc1_body(x_ref, w1_ref, bds_ref, bdd_ref, taba_ref, tabb_ref):
  h1 = jnp.dot(x_ref[...], w1_ref[...], preferred_element_type=jnp.float32)
  asrc = jnp.dot(h1, bds_ref[...], preferred_element_type=jnp.float32)
  adst = jnp.dot(h1, bdd_ref[...], preferred_element_type=jnp.float32)
  z8 = jnp.zeros_like(asrc)
  zpad = jnp.zeros((h1.shape[0], AROW1 - VAL1 - HEADS), jnp.float32)
  taba_ref[...] = jnp.concatenate([h1, asrc, zpad], axis=1)
  tabb_ref[...] = jnp.concatenate([adst, z8], axis=1)


def _tc2_body(acc_ref, x_ref, fc1_ref, cvec_ref, rep8_ref, w2_ref, att2_ref,
              fc2_ref, taba2_ref, tabb2_ref, side2_ref):
  num = acc_ref[0, :, 0:VAL1] + acc_ref[1, :, 0:VAL1]
  den = acc_ref[0, :, VAL1:VAL1 + HEADS] + acc_ref[1, :, VAL1:VAL1 + HEADS]
  denx = jnp.dot(den, rep8_ref[...], preferred_element_type=jnp.float32)
  out1 = num / (denx + 1e-16)
  side1 = jnp.dot(x_ref[...], fc1_ref[...], preferred_element_type=jnp.float32)
  v = out1 + cvec_ref[0:1, :] - LBDA0 * side1
  h = jnp.where(v > 0, v, jnp.exp(jnp.minimum(v, 0.0)) - 1.0)
  h2 = jnp.dot(h, w2_ref[...], preferred_element_type=jnp.float32)
  asrc2 = jnp.sum(h2 * att2_ref[0:1, :], axis=1, keepdims=True)
  adst2 = jnp.sum(h2 * att2_ref[1:2, :], axis=1, keepdims=True)
  zpad2 = jnp.zeros((h2.shape[0], AROW1 - VAL2 - 1), jnp.float32)
  z15 = jnp.zeros((h2.shape[0], BROW2 - 1), jnp.float32)
  taba2_ref[...] = jnp.concatenate([h2, asrc2, zpad2], axis=1)
  tabb2_ref[...] = jnp.concatenate([adst2, z15], axis=1)
  side2_ref[...] = jnp.dot(h, fc2_ref[...], preferred_element_type=jnp.float32)


def _tc3_body(acc_ref, side_ref, c2_ref, out_ref):
  num = acc_ref[0, :, 0:VAL2] + acc_ref[1, :, 0:VAL2]
  den = acc_ref[0, :, VAL2:VAL2 + 1] + acc_ref[1, :, VAL2:VAL2 + 1]
  z = num / (den + 1e-16) + c2_ref[0:1, :] - LBDA1 * side_ref[...]
  m = jnp.max(z, axis=1, keepdims=True)
  zs = z - m
  lse = jnp.log(jnp.sum(jnp.exp(zs), axis=1, keepdims=True))
  out_ref[...] = zs - lse


def kernel(x, edge_index, W1, att_src1, att_dst1, b1, W2, att_src2, att_dst2,
           b2, fc1_w, fc1_b, fc2_w, fc2_b):
  f32 = jnp.float32
  xp = jnp.pad(x, ((0, NPAD - NN), (0, 0)))
  eye8 = jnp.eye(8, dtype=f32)
  bds = (eye8[:, None, :] * att_src1.reshape(HEADS, NHID)[:, :, None]).reshape(HEADS * NHID, HEADS)
  bdd = (eye8[:, None, :] * att_dst1.reshape(HEADS, NHID)[:, :, None]).reshape(HEADS * NHID, HEADS)
  rep8 = jnp.repeat(eye8, NHID, axis=1)
  fc1t = jnp.tile(fc1_w.T, (1, HEADS))
  cvec = jnp.broadcast_to(b1 - LBDA0 * jnp.tile(fc1_b, HEADS), (8, HEADS * NHID))
  att2 = jnp.concatenate([att_src2.reshape(1, NCLASS), att_dst2.reshape(1, NCLASS),
                          jnp.zeros((6, NCLASS), f32)], axis=0)
  fc2t = fc2_w.T
  c2vec = jnp.broadcast_to(b2 - LBDA1 * fc2_b, (8, NCLASS))

  ar = jnp.arange(NN, dtype=jnp.int32)
  padidx = NN + (jnp.arange(EP - ETOT, dtype=jnp.int32) % 64)
  src = jnp.concatenate([edge_index[0], ar, padidx])
  dst = jnp.concatenate([edge_index[1], ar, padidx])

  tab_a, tab_b = pl.pallas_call(
      _tc1_body,
      grid=(NPAD // 256,),
      in_specs=[
          pl.BlockSpec((256, NFEAT), lambda i: (i, 0)),
          pl.BlockSpec((NFEAT, HEADS * NHID), lambda i: (0, 0)),
          pl.BlockSpec((HEADS * NHID, HEADS), lambda i: (0, 0)),
          pl.BlockSpec((HEADS * NHID, HEADS), lambda i: (0, 0)),
      ],
      out_specs=[
          pl.BlockSpec((256, AROW1), lambda i: (i, 0)),
          pl.BlockSpec((256, BROW1), lambda i: (i, 0)),
      ],
      out_shape=[
          jax.ShapeDtypeStruct((NPAD, AROW1), f32),
          jax.ShapeDtypeStruct((NPAD, BROW1), f32),
      ],
  )(xp, W1, bds, bdd)

  acc1 = _make_sc_edge(AROW1, ROW1, BROW1, VAL1, HEADS, NHID,
                       stage_a=False)(src, dst, tab_a, tab_b)

  taba2, tabb2, side2 = pl.pallas_call(
      _tc2_body,
      grid=(NPAD // 256,),
      in_specs=[
          pl.BlockSpec((2, 256, ROW1), lambda i: (0, i, 0)),
          pl.BlockSpec((256, NFEAT), lambda i: (i, 0)),
          pl.BlockSpec((NFEAT, HEADS * NHID), lambda i: (0, 0)),
          pl.BlockSpec((8, HEADS * NHID), lambda i: (0, 0)),
          pl.BlockSpec((HEADS, HEADS * NHID), lambda i: (0, 0)),
          pl.BlockSpec((HEADS * NHID, NCLASS), lambda i: (0, 0)),
          pl.BlockSpec((8, NCLASS), lambda i: (0, 0)),
          pl.BlockSpec((HEADS * NHID, NCLASS), lambda i: (0, 0)),
      ],
      out_specs=[
          pl.BlockSpec((256, AROW1), lambda i: (i, 0)),
          pl.BlockSpec((256, BROW2), lambda i: (i, 0)),
          pl.BlockSpec((256, NCLASS), lambda i: (i, 0)),
      ],
      out_shape=[
          jax.ShapeDtypeStruct((NPAD, AROW1), f32),
          jax.ShapeDtypeStruct((NPAD, BROW2), f32),
          jax.ShapeDtypeStruct((NPAD, NCLASS), f32),
      ],
  )(acc1, xp, fc1t, cvec, rep8, W2, att2, fc2t)

  acc2 = _make_sc_edge(AROW1, ROW2, BROW2, VAL2, 1, NCLASS,
                       stage_a=False)(src, dst, taba2, tabb2)

  out = pl.pallas_call(
      _tc3_body,
      grid=(NN // 400,),
      in_specs=[
          pl.BlockSpec((2, 400, ROW2), lambda i: (0, i, 0)),
          pl.BlockSpec((400, NCLASS), lambda i: (i, 0)),
          pl.BlockSpec((8, NCLASS), lambda i: (0, 0)),
      ],
      out_specs=pl.BlockSpec((400, NCLASS), lambda i: (i, 0)),
      out_shape=jax.ShapeDtypeStruct((NN, NCLASS), f32),
  )(acc2, side2, c2vec)

  return out

# --- scband reference (transcript-rebuilt; emitter-appended) ---
"""Pipeline reference for scband-gat-67336497266745 (READ-ONLY COPY).

The authoritative reference and input builder live on the scoring server;
editing this copy changes nothing except your own understanding.
"""

import jax, jax.numpy as jnp
import numpy as np

N = 10000
E = 320000
NFEAT = 128
NHID = 8
HEADS = 8
NCLASS = 16
LBDA0 = 0.5
LBDA1 = 0.3


def setup_inputs(seed: int = 0):
    key = jax.random.key(seed)
    ks = jax.random.split(key, 14)
    x = jax.random.normal(ks[0], (N, NFEAT), dtype=jnp.float32)
    edge_index = jax.random.randint(ks[1], (2, E), 0, N, dtype=jnp.int32)
    W1 = jax.random.normal(ks[2], (NFEAT, HEADS * NHID), dtype=jnp.float32) * 0.1
    att_src1 = jax.random.normal(ks[3], (1, HEADS, NHID), dtype=jnp.float32) * 0.1
    att_dst1 = jax.random.normal(ks[4], (1, HEADS, NHID), dtype=jnp.float32) * 0.1
    b1 = jnp.zeros((HEADS * NHID,), dtype=jnp.float32)
    W2 = jax.random.normal(ks[5], (HEADS * NHID, NCLASS), dtype=jnp.float32) * 0.1
    att_src2 = jax.random.normal(ks[6], (1, 1, NCLASS), dtype=jnp.float32) * 0.1
    att_dst2 = jax.random.normal(ks[7], (1, 1, NCLASS), dtype=jnp.float32) * 0.1
    b2 = jnp.zeros((NCLASS,), dtype=jnp.float32)
    fc1_w = jax.random.normal(ks[8], (NHID, NFEAT), dtype=jnp.float32) * 0.1
    fc1_b = jnp.zeros((NHID,), dtype=jnp.float32)
    fc2_w = jax.random.normal(ks[9], (NCLASS, HEADS * NHID), dtype=jnp.float32) * 0.1
    fc2_b = jnp.zeros((NCLASS,), dtype=jnp.float32)
    return {"x": x, "edge_index": edge_index, "W1": W1, "att_src1": att_src1, "att_dst1": att_dst1, "b1": b1, "W2": W2, "att_src2": att_src2, "att_dst2": att_dst2, "b2": b2, "fc1_w": fc1_w, "fc1_b": fc1_b, "fc2_w": fc2_w, "fc2_b": fc2_b}


def _gat_layer(h_in, src, dst, W, a_src, a_dst, b, heads, od, concat):
    h = (h_in @ W).reshape(N, heads, od)
    asrc = (h * a_src).sum(-1)
    adst = (h * a_dst).sum(-1)
    e = jax.nn.leaky_relu(asrc[src] + adst[dst], 0.2)
    emax = jax.ops.segment_max(e, dst, num_segments=N)
    ex = jnp.exp(e - emax[dst])
    den = jax.ops.segment_sum(ex, dst, num_segments=N)
    alpha = ex / (den[dst] + 1e-16)
    out = jax.ops.segment_sum(h[src] * alpha[:, :, None], dst, num_segments=N)
    if concat:
        out = out.reshape(N, heads * od)
    else:
        out = out.mean(axis=1)
    return out + b


def reference(x, edge_index, W1, att_src1, att_dst1, b1, W2, att_src2, att_dst2, b2, fc1_w, fc1_b, fc2_w, fc2_b):
    ar = jnp.arange(N, dtype=edge_index.dtype)
    ei = jnp.concatenate([edge_index, jnp.stack([ar, ar])], axis=1)
    src, dst = ei[0], ei[1]
    out1 = _gat_layer(x, src, dst, W1, att_src1, att_dst1, b1, HEADS, NHID, True)
    side1 = jnp.concatenate([x @ fc1_w.T + fc1_b] * HEADS, axis=1)
    h = jax.nn.elu(out1 - LBDA0 * side1)
    out2 = _gat_layer(h, src, dst, W2, att_src2, att_dst2, b2, 1, NCLASS, False)
    side2 = h @ fc2_w.T + fc2_b
    z = out2 - LBDA1 * side2
    return jax.nn.log_softmax(z, axis=1)

if __name__ == "__main__":
    import jax
    _d = setup_inputs()
    print(jax.jit(kernel)(*tuple(_d.values())))

</pallas_src>

<mosaic_0001>
#map = affine_map<(d0, d1) -> (0)>
#map1 = affine_map<(d0, d1) -> (0, 0)>
#map2 = affine_map<(d0, d1) -> (0, 0, 0)>
module attributes {stable_mosaic.version = 14 : i64} {
  func.func @body(%arg0: i32, %arg1: i32, %arg2: memref<331776xi32, #tpu.memory_space<hbm>>, %arg3: memref<331776xi32, #tpu.memory_space<hbm>>, %arg4: memref<10240x128xf32, #tpu.memory_space<hbm>>, %arg5: memref<10240x16xf32, #tpu.memory_space<hbm>>, %arg6: memref<2x10240x32xf32, #tpu.memory_space<hbm>>, %arg7: memref<64xi32, #tpu.memory_space<vmem>>, %arg8: memref<64xi32, #tpu.memory_space<vmem>>, %arg9: memref<64x128xf32, #tpu.memory_space<vmem>>, %arg10: memref<64x16xf32, #tpu.memory_space<vmem>>, %arg11: memref<64x32xf32, #tpu.memory_space<vmem>>, %arg12: memref<64x32xf32, #tpu.memory_space<vmem>>, %arg13: memref<8x8xf32, #tpu.memory_space<vmem_shared>>, %arg14: memref<10240x16xf32, #tpu.memory_space<vmem_shared>>, %arg15: memref<10240x32xf32, #tpu.memory_space<vmem_shared>>, %arg16: memref<!tpu.dma_semaphore, #tpu.memory_space<semaphore_mem>>, %arg17: memref<!tpu.dma_semaphore, #tpu.memory_space<semaphore_mem>>, %arg18: memref<!tpu.dma_semaphore, #tpu.memory_space<semaphore_mem>>) attributes {dimension_semantics = [#tpu.dimension_semantics<core_parallel>, #tpu.dimension_semantics<subcore_parallel>], iteration_bounds = array<i64: 2, 16>, scalar_prefetch = 0 : i64, scratch_operands = 12 : i64, tpu.core_type = #tpu.core_type<sc_vector_subcore>, window_params = [{transform_indices = #map}, {transform_indices = #map}, {transform_indices = #map1}, {transform_indices = #map1}, {transform_indices = #map2}]} {
    %mul3A = arith.constant 2 : i32
    %mul3A_0 = arith.muli %arg1, %mul3A : i32
    %add3A = arith.addi %mul3A_0, %arg0 : i32
    %broadcast_in_dim3A = arith.constant 0.000000e+00 : f32
    %broadcast_in_dim3A_1 = vector.broadcast %broadcast_in_dim3A : f32 to vector<16xf32>
    %scan3A = arith.constant 0 : i32
    %scan3A_2 = arith.constant 0 : i32
    %scan3A_3 = arith.constant 64 : i32
    %scan3A_4 = arith.addi %scan3A_2, %scan3A_3 : i32
    %scan3A_5 = arith.constant 1 : i32
    %scan3A_6 = scf.for %scan3A_45 = %scan3A_2 to %scan3A_4 step %scan3A_5 iter_args(%scan3A_46 = %scan3A) -> (i32)  : i32 {
      %swap3A = arith.index_cast %scan3A_45 : i32 to index
      %swap3A_47 = arith.constant 0 : index
      %swap3A_48 = tpu.vector_load %arg12[%swap3A, %swap3A_47] {strides = array<i32>} : memref<64x32xf32, #tpu.memory_space<vmem>>, vector<16xf32>,
      tpu.vector_store %arg12[%swap3A, %swap3A_47], %broadcast_in_dim3A_1 {strides = array<i32>} : memref<64x32xf32, #tpu.memory_space<vmem>>, vector<16xf32>,
      %swap3A_49 = arith.index_cast %scan3A_45 : i32 to index
      %swap3A_50 = arith.constant 16 : index
      %swap3A_51 = tpu.vector_load %arg12[%swap3A_49, %swap3A_50] {strides = array<i32>} : memref<64x32xf32, #tpu.memory_space<vmem>>, vector<16xf32>,
      tpu.vector_store %arg12[%swap3A_49, %swap3A_50], %broadcast_in_dim3A_1 {strides = array<i32>} : memref<64x32xf32, #tpu.memory_space<vmem>>, vector<16xf32>,
      %scan3A_52 = arith.constant 0 : i32
      scf.yield %scan3A_52 : i32
    }
    %scan3A_7 = arith.constant 64 : i32
    %scan3A_8 = arith.constant 0 : i32
    %scan3A_9 = arith.constant 0 : i32
    %scan3A_10 = arith.constant 64 : i32
    %scan3A_11 = arith.addi %scan3A_9, %scan3A_10 : i32
    %scan3A_12 = arith.constant 1 : i32
    %scan3A_13 = scf.for %scan3A_45 = %scan3A_9 to %scan3A_11 step %scan3A_12 iter_args(%scan3A_46 = %scan3A_8) -> (i32)  : i32 {
      %swap3A = arith.index_cast %scan3A_45 : i32 to index
      %swap3A_47 = arith.constant 0 : index
      %swap3A_48 = tpu.vector_load %arg11[%swap3A, %swap3A_47] {strides = array<i32>} : memref<64x32xf32, #tpu.memory_space<vmem>>, vector<16xf32>,
      tpu.vector_store %arg11[%swap3A, %swap3A_47], %broadcast_in_dim3A_1 {strides = array<i32>} : memref<64x32xf32, #tpu.memory_space<vmem>>, vector<16xf32>,
      %swap3A_49 = arith.index_cast %scan3A_45 : i32 to index
      %swap3A_50 = arith.constant 16 : index
      %swap3A_51 = tpu.vector_load %arg11[%swap3A_49, %swap3A_50] {strides = array<i32>} : memref<64x32xf32, #tpu.memory_space<vmem>>, vector<16xf32>,
      tpu.vector_store %arg11[%swap3A_49, %swap3A_50], %broadcast_in_dim3A_1 {strides = array<i32>} : memref<64x32xf32, #tpu.memory_space<vmem>>, vector<16xf32>,
      %scan3A_52 = arith.constant 0 : i32
      scf.yield %scan3A_52 : i32
    }
    %scan3A_14 = arith.constant 64 : i32
    %mul3A_15 = arith.constant 640 : i32
    %mul3A_16 = arith.muli %arg1, %mul3A_15 : i32
    "tpu.region"() ({
      %run_scoped3A = tpu.sem_alloc : memref<!tpu.dma_semaphore, #tpu.memory_space<semaphore_mem>>
      %dma_start3A = arith.constant 0 : i32
      %dma_start3A_45 = tpu.memref_slice %arg14[%mul3A_16, %dma_start3A] : memref<10240x16xf32, #tpu.memory_space<vmem_shared>> -> memref<640x16xf32, #tpu.memory_space<vmem_shared>>
      %dma_start3A_46 = arith.constant 0 : i32
      %dma_start3A_47 = tpu.memref_slice %arg5[%mul3A_16, %dma_start3A_46] : memref<10240x16xf32, #tpu.memory_space<hbm>> -> memref<640x16xf32, #tpu.memory_space<hbm>>
      tpu.enqueue_dma source(%dma_start3A_47 : memref<640x16xf32, #tpu.memory_space<hbm>>) target(%dma_start3A_45 : memref<640x16xf32, #tpu.memory_space<vmem_shared>>) target_semaphore(%run_scoped3A : memref<!tpu.dma_semaphore, #tpu.memory_space<semaphore_mem>>)
      %dma_wait3A = arith.constant 0 : i32
      %dma_wait3A_48 = tpu.memref_slice %arg14[%mul3A_16, %dma_wait3A] : memref<10240x16xf32, #tpu.memory_space<vmem_shared>> -> memref<640x16xf32, #tpu.memory_space<vmem_shared>>
      %dma_wait3A_49 = arith.constant 0 : i32
      %dma_wait3A_50 = tpu.memref_slice %arg5[%mul3A_16, %dma_wait3A_49] : memref<10240x16xf32, #tpu.memory_space<hbm>> -> memref<640x16xf32, #tpu.memory_space<hbm>>
      tpu.wait_dma2 semaphore(%run_scoped3A : memref<!tpu.dma_semaphore, #tpu.memory_space<semaphore_mem>>) src(%dma_wait3A_50 : memref<640x16xf32, #tpu.memory_space<hbm>>) dst(%dma_wait3A_48 : memref<640x16xf32, #tpu.memory_space<vmem_shared>>)
      tpu.yield
    }) : () -> ()
    %add3A_17 = arith.constant 0 : i32
    %add3A_18 = arith.addi %mul3A_16, %add3A_17 : i32
    "tpu.region"() ({
      %run_scoped3A = tpu.sem_alloc : memref<!tpu.dma_semaphore, #tpu.memory_space<semaphore_mem>>
      %dma_start3A = arith.constant 0 : i32
      %dma_start3A_45 = tpu.memref_slice %arg15[%add3A_18, %dma_start3A] : memref<10240x32xf32, #tpu.memory_space<vmem_shared>> -> memref<64x32xf32, #tpu.memory_space<vmem_shared>>
      %dma_start3A_46 = arith.constant 0 : i32
      %dma_start3A_47 = tpu.memref_slice %arg15[%add3A_18, %dma_start3A_46] : memref<10240x32xf32, #tpu.memory_space<vmem_shared>> -> memref<64x32xf32, #tpu.memory_space<vmem_shared>>
      tpu.enqueue_dma source(%arg12 : memref<64x32xf32, #tpu.memory_space<vmem>>) target(%dma_start3A_47 : memref<64x32xf32, #tpu.memory_space<vmem_shared>>) target_semaphore(%run_scoped3A : memref<!tpu.dma_semaphore, #tpu.memory_space<semaphore_mem>>)
      %dma_wait3A = arith.constant 0 : i32
      %dma_wait3A_48 = tpu.memref_slice %arg15[%add3A_18, %dma_wait3A] : memref<10240x32xf32, #tpu.memory_space<vmem_shared>> -> memref<64x32xf32, #tpu.memory_space<vmem_shared>>
      %dma_wait3A_49 = arith.constant 0 : i32
      %dma_wait3A_50 = tpu.memref_slice %arg15[%add3A_18, %dma_wait3A_49] : memref<10240x32xf32, #tpu.memory_space<vmem_shared>> -> memref<64x32xf32, #tpu.memory_space<vmem_shared>>
      tpu.wait_dma2 semaphore(%run_scoped3A : memref<!tpu.dma_semaphore, #tpu.memory_space<semaphore_mem>>) src(%arg12 : memref<64x32xf32, #tpu.memory_space<vmem>>) dst(%dma_wait3A_50 : memref<64x32xf32, #tpu.memory_space<vmem_shared>>)
      tpu.yield
    }) : () -> ()
    %add3A_19 = arith.constant 64 : i32
    %add3A_20 = arith.addi %mul3A_16, %add3A_19 : i32
    "tpu.region"() ({
      %run_scoped3A = tpu.sem_alloc : memref<!tpu.dma_semaphore, #tpu.memory_space<semaphore_mem>>
      %dma_start3A = arith.constant 0 : i32
      %dma_start3A_45 = tpu.memref_slice %arg15[%add3A_20, %dma_start3A] : memref<10240x32xf32, #tpu.memory_space<vmem_shared>> -> memref<64x32xf32, #tpu.memory_space<vmem_shared>>
      %dma_start3A_46 = arith.constant 0 : i32
      %dma_start3A_47 = tpu.memref_slice %arg15[%add3A_20, %dma_start3A_46] : memref<10240x32xf32, #tpu.memory_space<vmem_shared>> -> memref<64x32xf32, #tpu.memory_space<vmem_shared>>
      tpu.enqueue_dma source(%arg12 : memref<64x32xf32, #tpu.memory_space<vmem>>) target(%dma_start3A_47 : memref<64x32xf32, #tpu.memory_space<vmem_shared>>) target_semaphore(%run_scoped3A : memref<!tpu.dma_semaphore, #tpu.memory_space<semaphore_mem>>)
      %dma_wait3A = arith.constant 0 : i32
      %dma_wait3A_48 = tpu.memref_slice %arg15[%add3A_20, %dma_wait3A] : memref<10240x32xf32, #tpu.memory_space<vmem_shared>> -> memref<64x32xf32, #tpu.memory_space<vmem_shared>>
      %dma_wait3A_49 = arith.constant 0 : i32
      %dma_wait3A_50 = tpu.memref_slice %arg15[%add3A_20, %dma_wait3A_49] : memref<10240x32xf32, #tpu.memory_space<vmem_shared>> -> memref<64x32xf32, #tpu.memory_space<vmem_shared>>
      tpu.wait_dma2 semaphore(%run_scoped3A : memref<!tpu.dma_semaphore, #tpu.memory_space<semaphore_mem>>) src(%arg12 : memref<64x32xf32, #tpu.memory_space<vmem>>) dst(%dma_wait3A_50 : memref<64x32xf32, #tpu.memory_space<vmem_shared>>)
      tpu.yield
    }) : () -> ()
    %add3A_21 = arith.constant 128 : i32
    %add3A_22 = arith.addi %mul3A_16, %add3A_21 : i32
    "tpu.region"() ({
      %run_scoped3A = tpu.sem_alloc : memref<!tpu.dma_semaphore, #tpu.memory_space<semaphore_mem>>
      %dma_start3A = arith.constant 0 : i32
      %dma_start3A_45 = tpu.memref_slice %arg15[%add3A_22, %dma_start3A] : memref<10240x32xf32, #tpu.memory_space<vmem_shared>> -> memref<64x32xf32, #tpu.memory_space<vmem_shared>>
      %dma_start3A_46 = arith.constant 0 : i32
      %dma_start3A_47 = tpu.memref_slice %arg15[%add3A_22, %dma_start3A_46] : memref<10240x32xf32, #tpu.memory_space<vmem_shared>> -> memref<64x32xf32, #tpu.memory_space<vmem_shared>>
      tpu.enqueue_dma source(%arg12 : memref<64x32xf32, #tpu.memory_space<vmem>>) target(%dma_start3A_47 : memref<64x32xf32, #tpu.memory_space<vmem_shared>>) target_semaphore(%run_scoped3A : memref<!tpu.dma_semaphore, #tpu.memory_space<semaphore_mem>>)
      %dma_wait3A = arith.constant 0 : i32
      %dma_wait3A_48 = tpu.memref_slice %arg15[%add3A_22, %dma_wait3A] : memref<10240x32xf32, #tpu.memory_space<vmem_shared>> -> memref<64x32xf32, #tpu.memory_space<vmem_shared>>
      %dma_wait3A_49 = arith.constant 0 : i32
      %dma_wait3A_50 = tpu.memref_slice %arg15[%add3A_22, %dma_wait3A_49] : memref<10240x32xf32, #tpu.memory_space<vmem_shared>> -> memref<64x32xf32, #tpu.memory_space<vmem_shared>>
      tpu.wait_dma2 semaphore(%run_scoped3A : memref<!tpu.dma_semaphore, #tpu.memory_space<semaphore_mem>>) src(%arg12 : memref<64x32xf32, #tpu.memory_space<vmem>>) dst(%dma_wait3A_50 : memref<64x32xf32, #tpu.memory_space<vmem_shared>>)
      tpu.yield
    }) : () -> ()
    %add3A_23 = arith.constant 192 : i32
    %add3A_24 = arith.addi %mul3A_16, %add3A_23 : i32
    "tpu.region"() ({
      %run_scoped3A = tpu.sem_alloc : memref<!tpu.dma_semaphore, #tpu.memory_space<semaphore_mem>>
      %dma_start3A = arith.constant 0 : i32
      %dma_start3A_45 = tpu.memref_slice %arg15[%add3A_24, %dma_start3A] : memref<10240x32xf32, #tpu.memory_space<vmem_shared>> -> memref<64x32xf32, #tpu.memory_space<vmem_shared>>
      %dma_start3A_46 = arith.constant 0 : i32
      %dma_start3A_47 = tpu.memref_slice %arg15[%add3A_24, %dma_start3A_46] : memref<10240x32xf32, #tpu.memory_space<vmem_shared>> -> memref<64x32xf32, #tpu.memory_space<vmem_shared>>
      tpu.enqueue_dma source(%arg12 : memref<64x32xf32, #tpu.memory_space<vmem>>) target(%dma_start3A_47 : memref<64x32xf32, #tpu.memory_space<vmem_shared>>) target_semaphore(%run_scoped3A : memref<!tpu.dma_semaphore, #tpu.memory_space<semaphore_mem>>)
      %dma_wait3A = arith.constant 0 : i32
      %dma_wait3A_48 = tpu.memref_slice %arg15[%add3A_24, %dma_wait3A] : memref<10240x32xf32, #tpu.memory_space<vmem_shared>> -> memref<64x32xf32, #tpu.memory_space<vmem_shared>>
      %dma_wait3A_49 = arith.constant 0 : i32
      %dma_wait3A_50 = tpu.memref_slice %arg15[%add3A_24, %dma_wait3A_49] : memref<10240x32xf32, #tpu.memory_space<vmem_shared>> -> memref<64x32xf32, #tpu.memory_space<vmem_shared>>
      tpu.wait_dma2 semaphore(%run_scoped3A : memref<!tpu.dma_semaphore, #tpu.memory_space<semaphore_mem>>) src(%arg12 : memref<64x32xf32, #tpu.memory_space<vmem>>) dst(%dma_wait3A_50 : memref<64x32xf32, #tpu.memory_space<vmem_shared>>)
      tpu.yield
    }) : () -> ()
    %add3A_25 = arith.constant 256 : i32
    %add3A_26 = arith.addi %mul3A_16, %add3A_25 : i32
    "tpu.region"() ({
      %run_scoped3A = tpu.sem_alloc : memref<!tpu.dma_semaphore, #tpu.memory_space<semaphore_mem>>
      %dma_start3A = arith.constant 0 : i32
      %dma_start3A_45 = tpu.memref_slice %arg15[%add3A_26, %dma_start3A] : memref<10240x32xf32, #tpu.memory_space<vmem_shared>> -> memref<64x32xf32, #tpu.memory_space<vmem_shared>>
      %dma_start3A_46 = arith.constant 0 : i32
      %dma_start3A_47 = tpu.memref_slice %arg15[%add3A_26, %dma_start3A_46] : memref<10240x32xf32, #tpu.memory_space<vmem_shared>> -> memref<64x32xf32, #tpu.memory_space<vmem_shared>>
      tpu.enqueue_dma source(%arg12 : memref<64x32xf32, #tpu.memory_space<vmem>>) target(%dma_start3A_47 : memref<64x32xf32, #tpu.memory_space<vmem_shared>>) target_semaphore(%run_scoped3A : memref<!tpu.dma_semaphore, #tpu.memory_space<semaphore_mem>>)
      %dma_wait3A = arith.constant 0 : i32
      %dma_wait3A_48 = tpu.memref_slice %arg15[%add3A_26, %dma_wait3A] : memref<10240x32xf32, #tpu.memory_space<vmem_shared>> -> memref<64x32xf32, #tpu.memory_space<vmem_shared>>
      %dma_wait3A_49 = arith.constant 0 : i32
      %dma_wait3A_50 = tpu.memref_slice %arg15[%add3A_26, %dma_wait3A_49] : memref<10240x32xf32, #tpu.memory_space<vmem_shared>> -> memref<64x32xf32, #tpu.memory_space<vmem_shared>>
      tpu.wait_dma2 semaphore(%run_scoped3A : memref<!tpu.dma_semaphore, #tpu.memory_space<semaphore_mem>>) src(%arg12 : memref<64x32xf32, #tpu.memory_space<vmem>>) dst(%dma_wait3A_50 : memref<64x32xf32, #tpu.memory_space<vmem_shared>>)
      tpu.yield
    }) : () -> ()
    %add3A_27 = arith.constant 320 : i32
    %add3A_28 = arith.addi %mul3A_16, %add3A_27 : i32
    "tpu.region"() ({
      %run_scoped3A = tpu.sem_alloc : memref<!tpu.dma_semaphore, #tpu.memory_space<semaphore_mem>>
      %dma_start3A = arith.constant 0 : i32
      %dma_start3A_45 = tpu.memref_slice %arg15[%add3A_28, %dma_start3A] : memref<10240x32xf32, #tpu.memory_space<vmem_shared>> -> memref<64x32xf32, #tpu.memory_space<vmem_shared>>
      %dma_start3A_46 = arith.constant 0 : i32
      %dma_start3A_47 = tpu.memref_slice %arg15[%add3A_28, %dma_start3A_46] : memref<10240x32xf32, #tpu.memory_space<vmem_shared>> -> memref<64x32xf32, #tpu.memory_space<vmem_shared>>
      tpu.enqueue_dma source(%arg12 : memref<64x32xf32, #tpu.memory_space<vmem>>) target(%dma_start3A_47 : memref<64x32xf32, #tpu.memory_space<vmem_shared>>) target_semaphore(%run_scoped3A : memref<!tpu.dma_semaphore, #tpu.memory_space<semaphore_mem>>)
      %dma_wait3A = arith.constant 0 : i32
      %dma_wait3A_48 = tpu.memref_slice %arg15[%add3A_28, %dma_wait3A] : memref<10240x32xf32, #tpu.memory_space<vmem_shared>> -> memref<64x32xf32, #tpu.memory_space<vmem_shared>>
      %dma_wait3A_49 = arith.constant 0 : i32
      %dma_wait3A_50 = tpu.memref_slice %arg15[%add3A_28, %dma_wait3A_49] : memref<10240x32xf32, #tpu.memory_space<vmem_shared>> -> memref<64x32xf32, #tpu.memory_space<vmem_shared>>
      tpu.wait_dma2 semaphore(%run_scoped3A : memref<!tpu.dma_semaphore, #tpu.memory_space<semaphore_mem>>) src(%arg12 : memref<64x32xf32, #tpu.memory_space<vmem>>) dst(%dma_wait3A_50 : memref<64x32xf32, #tpu.memory_space<vmem_shared>>)
      tpu.yield
    }) : () -> ()
    %add3A_29 = arith.constant 384 : i32
    %add3A_30 = arith.addi %mul3A_16, %add3A_29 : i32
    "tpu.region"() ({
      %run_scoped3A = tpu.sem_alloc : memref<!tpu.dma_semaphore, #tpu.memory_space<semaphore_mem>>
      %dma_start3A = arith.constant 0 : i32
      %dma_start3A_45 = tpu.memref_slice %arg15[%add3A_30, %dma_start3A] : memref<10240x32xf32, #tpu.memory_space<vmem_shared>> -> memref<64x32xf32, #tpu.memory_space<vmem_shared>>
      %dma_start3A_46 = arith.constant 0 : i32
      %dma_start3A_47 = tpu.memref_slice %arg15[%add3A_30, %dma_start3A_46] : memref<10240x32xf32, #tpu.memory_space<vmem_shared>> -> memref<64x32xf32, #tpu.memory_space<vmem_shared>>
      tpu.enqueue_dma source(%arg12 : memref<64x32xf32, #tpu.memory_space<vmem>>) target(%dma_start3A_47 : memref<64x32xf32, #tpu.memory_space<vmem_shared>>) target_semaphore(%run_scoped3A : memref<!tpu.dma_semaphore, #tpu.memory_space<semaphore_mem>>)
      %dma_wait3A = arith.constant 0 : i32
      %dma_wait3A_48 = tpu.memref_slice %arg15[%add3A_30, %dma_wait3A] : memref<10240x32xf32, #tpu.memory_space<vmem_shared>> -> memref<64x32xf32, #tpu.memory_space<vmem_shared>>
      %dma_wait3A_49 = arith.constant 0 : i32
      %dma_wait3A_50 = tpu.memref_slice %arg15[%add3A_30, %dma_wait3A_49] : memref<10240x32xf32, #tpu.memory_space<vmem_shared>> -> memref<64x32xf32, #tpu.memory_space<vmem_shared>>
      tpu.wait_dma2 semaphore(%run_scoped3A : memref<!tpu.dma_semaphore, #tpu.memory_space<semaphore_mem>>) src(%arg12 : memref<64x32xf32, #tpu.memory_space<vmem>>) dst(%dma_wait3A_50 : memref<64x32xf32, #tpu.memory_space<vmem_shared>>)
      tpu.yield
    }) : () -> ()
    %add3A_31 = arith.constant 448 : i32
    %add3A_32 = arith.addi %mul3A_16, %add3A_31 : i32
    "tpu.region"() ({
      %run_scoped3A = tpu.sem_alloc : memref<!tpu.dma_semaphore, #tpu.memory_space<semaphore_mem>>
      %dma_start3A = arith.constant 0 : i32
      %dma_start3A_45 = tpu.memref_slice %arg15[%add3A_32, %dma_start3A] : memref<10240x32xf32, #tpu.memory_space<vmem_shared>> -> memref<64x32xf32, #tpu.memory_space<vmem_shared>>
      %dma_start3A_46 = arith.constant 0 : i32
      %dma_start3A_47 = tpu.memref_slice %arg15[%add3A_32, %dma_start3A_46] : memref<10240x32xf32, #tpu.memory_space<vmem_shared>> -> memref<64x32xf32, #tpu.memory_space<vmem_shared>>
      tpu.enqueue_dma source(%arg12 : memref<64x32xf32, #tpu.memory_space<vmem>>) target(%dma_start3A_47 : memref<64x32xf32, #tpu.memory_space<vmem_shared>>) target_semaphore(%run_scoped3A : memref<!tpu.dma_semaphore, #tpu.memory_space<semaphore_mem>>)
      %dma_wait3A = arith.constant 0 : i32
      %dma_wait3A_48 = tpu.memref_slice %arg15[%add3A_32, %dma_wait3A] : memref<10240x32xf32, #tpu.memory_space<vmem_shared>> -> memref<64x32xf32, #tpu.memory_space<vmem_shared>>
      %dma_wait3A_49 = arith.constant 0 : i32
      %dma_wait3A_50 = tpu.memref_slice %arg15[%add3A_32, %dma_wait3A_49] : memref<10240x32xf32, #tpu.memory_space<vmem_shared>> -> memref<64x32xf32, #tpu.memory_space<vmem_shared>>
      tpu.wait_dma2 semaphore(%run_scoped3A : memref<!tpu.dma_semaphore, #tpu.memory_space<semaphore_mem>>) src(%arg12 : memref<64x32xf32, #tpu.memory_space<vmem>>) dst(%dma_wait3A_50 : memref<64x32xf32, #tpu.memory_space<vmem_shared>>)
      tpu.yield
    }) : () -> ()
    %add3A_33 = arith.constant 512 : i32
    %add3A_34 = arith.addi %mul3A_16, %add3A_33 : i32
    "tpu.region"() ({
      %run_scoped3A = tpu.sem_alloc : memref<!tpu.dma_semaphore, #tpu.memory_space<semaphore_mem>>
      %dma_start3A = arith.constant 0 : i32
      %dma_start3A_45 = tpu.memref_slice %arg15[%add3A_34, %dma_start3A] : memref<10240x32xf32, #tpu.memory_space<vmem_shared>> -> memref<64x32xf32, #tpu.memory_space<vmem_shared>>
      %dma_start3A_46 = arith.constant 0 : i32
      %dma_start3A_47 = tpu.memref_slice %arg15[%add3A_34, %dma_start3A_46] : memref<10240x32xf32, #tpu.memory_space<vmem_shared>> -> memref<64x32xf32, #tpu.memory_space<vmem_shared>>
      tpu.enqueue_dma source(%arg12 : memref<64x32xf32, #tpu.memory_space<vmem>>) target(%dma_start3A_47 : memref<64x32xf32, #tpu.memory_space<vmem_shared>>) target_semaphore(%run_scoped3A : memref<!tpu.dma_semaphore, #tpu.memory_space<semaphore_mem>>)
      %dma_wait3A = arith.constant 0 : i32
      %dma_wait3A_48 = tpu.memref_slice %arg15[%add3A_34, %dma_wait3A] : memref<10240x32xf32, #tpu.memory_space<vmem_shared>> -> memref<64x32xf32, #tpu.memory_space<vmem_shared>>
      %dma_wait3A_49 = arith.constant 0 : i32
      %dma_wait3A_50 = tpu.memref_slice %arg15[%add3A_34, %dma_wait3A_49] : memref<10240x32xf32, #tpu.memory_space<vmem_shared>> -> memref<64x32xf32, #tpu.memory_space<vmem_shared>>
      tpu.wait_dma2 semaphore(%run_scoped3A : memref<!tpu.dma_semaphore, #tpu.memory_space<semaphore_mem>>) src(%arg12 : memref<64x32xf32, #tpu.memory_space<vmem>>) dst(%dma_wait3A_50 : memref<64x32xf32, #tpu.memory_space<vmem_shared>>)
      tpu.yield
    }) : () -> ()
    %add3A_35 = arith.constant 576 : i32
    %add3A_36 = arith.addi %mul3A_16, %add3A_35 : i32
    "tpu.region"() ({
      %run_scoped3A = tpu.sem_alloc : memref<!tpu.dma_semaphore, #tpu.memory_space<semaphore_mem>>
      %dma_start3A = arith.constant 0 : i32
      %dma_start3A_45 = tpu.memref_slice %arg15[%add3A_36, %dma_start3A] : memref<10240x32xf32, #tpu.memory_space<vmem_shared>> -> memref<64x32xf32, #tpu.memory_space<vmem_shared>>
      %dma_start3A_46 = arith.constant 0 : i32
      %dma_start3A_47 = tpu.memref_slice %arg15[%add3A_36, %dma_start3A_46] : memref<10240x32xf32, #tpu.memory_space<vmem_shared>> -> memref<64x32xf32, #tpu.memory_space<vmem_shared>>
      tpu.enqueue_dma source(%arg12 : memref<64x32xf32, #tpu.memory_space<vmem>>) target(%dma_start3A_47 : memref<64x32xf32, #tpu.memory_space<vmem_shared>>) target_semaphore(%run_scoped3A : memref<!tpu.dma_semaphore, #tpu.memory_space<semaphore_mem>>)
      %dma_wait3A = arith.constant 0 : i32
      %dma_wait3A_48 = tpu.memref_slice %arg15[%add3A_36, %dma_wait3A] : memref<10240x32xf32, #tpu.memory_space<vmem_shared>> -> memref<64x32xf32, #tpu.memory_space<vmem_shared>>
      %dma_wait3A_49 = arith.constant 0 : i32
      %dma_wait3A_50 = tpu.memref_slice %arg15[%add3A_36, %dma_wait3A_49] : memref<10240x32xf32, #tpu.memory_space<vmem_shared>> -> memref<64x32xf32, #tpu.memory_space<vmem_shared>>
      tpu.wait_dma2 semaphore(%run_scoped3A : memref<!tpu.dma_semaphore, #tpu.memory_space<semaphore_mem>>) src(%arg12 : memref<64x32xf32, #tpu.memory_space<vmem>>) dst(%dma_wait3A_50 : memref<64x32xf32, #tpu.memory_space<vmem_shared>>)
      tpu.yield
    }) : () -> ()
    %barrier3A = arith.constant 0 : index
    tpu.barrier barrier_id(%barrier3A)
    %iota3A = tpu.iota {dimensions = array<i32: 0>} : vector<16xi32>
    %scan3A_37 = arith.constant 0 : i32
    %scan3A_38 = arith.constant 0 : i32
    %scan3A_39 = arith.constant 162 : i32
    %scan3A_40 = arith.addi %scan3A_38, %scan3A_39 : i32
    %scan3A_41 = arith.constant 1 : i32
    %scan3A_42 = scf.for %scan3A_45 = %scan3A_38 to %scan3A_40 step %scan3A_41 iter_args(%scan3A_46 = %scan3A_37) -> (i32)  : i32 {
      %mul3A_47 = arith.constant 10368 : i32
      %mul3A_48 = arith.muli %add3A, %mul3A_47 : i32
      %mul3A_49 = arith.constant 64 : i32
      %mul3A_50 = arith.muli %scan3A_45, %mul3A_49 : i32
      %add3A_51 = arith.addi %mul3A_48, %mul3A_50 : i32
      "tpu.region"() ({
        %run_scoped3A = tpu.sem_alloc : memref<!tpu.dma_semaphore, #tpu.memory_space<semaphore_mem>>
        %dma_start3A_76 = tpu.memref_slice %arg2[%add3A_51] : memref<331776xi32, #tpu.memory_space<hbm>> -> memref<64xi32, #tpu.memory_space<hbm>>
        %dma_start3A_77 = tpu.memref_slice %arg2[%add3A_51] : memref<331776xi32, #tpu.memory_space<hbm>> -> memref<64xi32, #tpu.memory_space<hbm>>
        tpu.enqueue_dma source(%dma_start3A_77 : memref<64xi32, #tpu.memory_space<hbm>>) target(%arg7 : memref<64xi32, #tpu.memory_space<vmem>>) target_semaphore(%run_scoped3A : memref<!tpu.dma_semaphore, #tpu.memory_space<semaphore_mem>>)
        %dma_wait3A_78 = tpu.memref_slice %arg2[%add3A_51] : memref<331776xi32, #tpu.memory_space<hbm>> -> memref<64xi32, #tpu.memory_space<hbm>>
        %dma_wait3A_79 = tpu.memref_slice %arg2[%add3A_51] : memref<331776xi32, #tpu.memory_space<hbm>> -> memref<64xi32, #tpu.memory_space<hbm>>
        tpu.wait_dma2 semaphore(%run_scoped3A : memref<!tpu.dma_semaphore, #tpu.memory_space<semaphore_mem>>) src(%dma_wait3A_79 : memref<64xi32, #tpu.memory_space<hbm>>) dst(%arg7 : memref<64xi32, #tpu.memory_space<vmem>>)
        tpu.yield
      }) : () -> ()
      "tpu.region"() ({
        %run_scoped3A = tpu.sem_alloc : memref<!tpu.dma_semaphore, #tpu.memory_space<semaphore_mem>>
        %dma_start3A_76 = tpu.memref_slice %arg3[%add3A_51] : memref<331776xi32, #tpu.memory_space<hbm>> -> memref<64xi32, #tpu.memory_space<hbm>>
        %dma_start3A_77 = tpu.memref_slice %arg3[%add3A_51] : memref<331776xi32, #tpu.memory_space<hbm>> -> memref<64xi32, #tpu.memory_space<hbm>>
        tpu.enqueue_dma source(%dma_start3A_77 : memref<64xi32, #tpu.memory_space<hbm>>) target(%arg8 : memref<64xi32, #tpu.memory_space<vmem>>) target_semaphore(%run_scoped3A : memref<!tpu.dma_semaphore, #tpu.memory_space<semaphore_mem>>)
        %dma_wait3A_78 = tpu.memref_slice %arg3[%add3A_51] : memref<331776xi32, #tpu.memory_space<hbm>> -> memref<64xi32, #tpu.memory_space<hbm>>
        %dma_wait3A_79 = tpu.memref_slice %arg3[%add3A_51] : memref<331776xi32, #tpu.memory_space<hbm>> -> memref<64xi32, #tpu.memory_space<hbm>>
        tpu.wait_dma2 semaphore(%run_scoped3A : memref<!tpu.dma_semaphore, #tpu.memory_space<semaphore_mem>>) src(%dma_wait3A_79 : memref<64xi32, #tpu.memory_space<hbm>>) dst(%arg8 : memref<64xi32, #tpu.memory_space<vmem>>)
        tpu.yield
      }) : () -> ()
      %dma_start3A = arith.constant 0 : i32
      %dma_start3A_52 = arith.constant 0 : i32
      %dma_start3A_53 = tpu.memref_slice %arg4[%dma_start3A, %dma_start3A_52] : memref<10240x128xf32, #tpu.memory_space<hbm>> -> memref<10240x128xf32, #tpu.memory_space<hbm>>
      tpu.enqueue_indirect_dma source(%dma_start3A_53 : memref<10240x128xf32, #tpu.memory_space<hbm>>) target(%arg9 : memref<64x128xf32, #tpu.memory_space<vmem>>) offsets(%arg7 : memref<64xi32, #tpu.memory_space<vmem>>) semaphore(%arg16 : memref<!tpu.dma_semaphore, #tpu.memory_space<semaphore_mem>>)
      %dma_start3A_54 = arith.constant 0 : i32
      %dma_start3A_55 = arith.constant 0 : i32
      %dma_start3A_56 = tpu.memref_slice %arg14[%dma_start3A_54, %dma_start3A_55] : memref<10240x16xf32, #tpu.memory_space<vmem_shared>> -> memref<10240x16xf32, #tpu.memory_space<vmem_shared>>
      tpu.enqueue_indirect_dma source(%dma_start3A_56 : memref<10240x16xf32, #tpu.memory_space<vmem_shared>>) target(%arg10 : memref<64x16xf32, #tpu.memory_space<vmem>>) offsets(%arg8 : memref<64xi32, #tpu.memory_space<vmem>>) semaphore(%arg17 : memref<!tpu.dma_semaphore, #tpu.memory_space<semaphore_mem>>)
      %dma_wait3A = arith.constant 0 : i32
      %dma_wait3A_57 = arith.constant 0 : i32
      %dma_wait3A_58 = tpu.memref_slice %arg4[%dma_wait3A, %dma_wait3A_57] : memref<10240x128xf32, #tpu.memory_space<hbm>> -> memref<10240x128xf32, #tpu.memory_space<hbm>>
      tpu.wait_indirect_dma semaphore(%arg16 : memref<!tpu.dma_semaphore, #tpu.memory_space<semaphore_mem>>) src(%dma_wait3A_58 : memref<10240x128xf32, #tpu.memory_space<hbm>>) dst(%arg9 : memref<64x128xf32, #tpu.memory_space<vmem>>)
      %dma_wait3A_59 = arith.constant 0 : i32
      %dma_wait3A_60 = arith.constant 0 : i32
      %dma_wait3A_61 = tpu.memref_slice %arg14[%dma_wait3A_59, %dma_wait3A_60] : memref<10240x16xf32, #tpu.memory_space<vmem_shared>> -> memref<10240x16xf32, #tpu.memory_space<vmem_shared>>
      tpu.wait_indirect_dma semaphore(%arg17 : memref<!tpu.dma_semaphore, #tpu.memory_space<semaphore_mem>>) src(%dma_wait3A_61 : memref<10240x16xf32, #tpu.memory_space<vmem_shared>>) dst(%arg10 : memref<64x16xf32, #tpu.memory_space<vmem>>)
      %scan3A_62 = arith.constant 0 : i32
      %scan3A_63 = arith.constant 0 : i32
      %scan3A_64 = arith.constant 4 : i32
      %scan3A_65 = arith.addi %scan3A_63, %scan3A_64 : i32
      %scan3A_66 = arith.constant 1 : i32
      %scan3A_67 = scf.for %scan3A_76 = %scan3A_63 to %scan3A_65 step %scan3A_66 iter_args(%scan3A_77 = %scan3A_62) -> (i32)  : i32 {
        %mul3A_78 = arith.constant 16 : i32
        %mul3A_79 = arith.muli %scan3A_76, %mul3A_78 : i32
        %add3A_80 = vector.broadcast %mul3A_79 : i32 to vector<16xi32>
        %add3A_81 = arith.addi %iota3A, %add3A_80 : vector<16xi32>
        %broadcast_in_dim3A_82 = arith.constant 16 : i32
        %broadcast_in_dim3A_83 = vector.broadcast %broadcast_in_dim3A_82 : i32 to vector<16xi32>
        %gather3A = tpu.vector_load_idx %arg9[%add3A_81, %broadcast_in_dim3A_83] : memref<64x128xf32, #tpu.memory_space<vmem>>[vector<16xi32>, vector<16xi32>], vector<16xf32>,
        %broadcast_in_dim3A_84 = arith.constant 0 : i32
        %broadcast_in_dim3A_85 = vector.broadcast %broadcast_in_dim3A_84 : i32 to vector<16xi32>
        %gather3A_86 = tpu.vector_load_idx %arg10[%add3A_81, %broadcast_in_dim3A_85] : memref<64x16xf32, #tpu.memory_space<vmem>>[vector<16xi32>, vector<16xi32>], vector<16xf32>,
        %add3A_87 = arith.addf %gather3A, %gather3A_86 : vector<16xf32>
        %mul3A_88 = arith.constant 2.000000e-01 : f32
        %mul3A_89 = vector.broadcast %mul3A_88 : f32 to vector<16xf32>
        %mul3A_90 = arith.mulf %mul3A_89, %add3A_87 : vector<16xf32>
        %max3A = arith.maximumf %add3A_87, %mul3A_90 : vector<16xf32>
        %exp3A = math.exp %max3A : vector<16xf32>
        %broadcast_in_dim3A_91 = arith.constant 16 : i32
        %broadcast_in_dim3A_92 = vector.broadcast %broadcast_in_dim3A_91 : i32 to vector<16xi32>
        tpu.vector_store_idx %arg11[%add3A_81, %broadcast_in_dim3A_92], %exp3A : memref<64x32xf32, #tpu.memory_space<vmem>>[vector<16xi32>, vector<16xi32>], vector<16xf32>,
        %broadcast_in_dim3A_93 = arith.constant 0 : i32
        %broadcast_in_dim3A_94 = vector.broadcast %broadcast_in_dim3A_93 : i32 to vector<16xi32>
        %gather3A_95 = tpu.vector_load_idx %arg9[%add3A_81, %broadcast_in_dim3A_94] : memref<64x128xf32, #tpu.memory_space<vmem>>[vector<16xi32>, vector<16xi32>], vector<16xf32>,
        %broadcast_in_dim3A_96 = arith.constant 0 : i32
        %broadcast_in_dim3A_97 = vector.broadcast %broadcast_in_dim3A_96 : i32 to vector<16xi32>
        %mul3A_98 = arith.mulf %gather3A_95, %exp3A : vector<16xf32>
        tpu.vector_store_idx %arg11[%add3A_81, %broadcast_in_dim3A_97], %mul3A_98 : memref<64x32xf32, #tpu.memory_space<vmem>>[vector<16xi32>, vector<16xi32>], vector<16xf32>,
        %broadcast_in_dim3A_99 = arith.constant 1 : i32
        %broadcast_in_dim3A_100 = vector.broadcast %broadcast_in_dim3A_99 : i32 to vector<16xi32>
        %gather3A_101 = tpu.vector_load_idx %arg9[%add3A_81, %broadcast_in_dim3A_100] : memref<64x128xf32, #tpu.memory_space<vmem>>[vector<16xi32>, vector<16xi32>], vector<16xf32>,
        %broadcast_in_dim3A_102 = arith.constant 1 : i32
        %broadcast_in_dim3A_103 = vector.broadcast %broadcast_in_dim3A_102 : i32 to vector<16xi32>
        %mul3A_104 = arith.mulf %gather3A_101, %exp3A : vector<16xf32>
        tpu.vector_store_idx %arg11[%add3A_81, %broadcast_in_dim3A_103], %mul3A_104 : memref<64x32xf32, #tpu.memory_space<vmem>>[vector<16xi32>, vector<16xi32>], vector<16xf32>,
        %broadcast_in_dim3A_105 = arith.constant 2 : i32
        %broadcast_in_dim3A_106 = vector.broadcast %broadcast_in_dim3A_105 : i32 to vector<16xi32>
        %gather3A_107 = tpu.vector_load_idx %arg9[%add3A_81, %broadcast_in_dim3A_106] : memref<64x128xf32, #tpu.memory_space<vmem>>[vector<16xi32>, vector<16xi32>], vector<16xf32>,
        %broadcast_in_dim3A_108 = arith.constant 2 : i32
        %broadcast_in_dim3A_109 = vector.broadcast %broadcast_in_dim3A_108 : i32 to vector<16xi32>
        %mul3A_110 = arith.mulf %gather3A_107, %exp3A : vector<16xf32>
        tpu.vector_store_idx %arg11[%add3A_81, %broadcast_in_dim3A_109], %mul3A_110 : memref<64x32xf32, #tpu.memory_space<vmem>>[vector<16xi32>, vector<16xi32>], vector<16xf32>,
        %broadcast_in_dim3A_111 = arith.constant 3 : i32
        %broadcast_in_dim3A_112 = vector.broadcast %broadcast_in_dim3A_111 : i32 to vector<16xi32>
        %gather3A_113 = tpu.vector_load_idx %arg9[%add3A_81, %broadcast_in_dim3A_112] : memref<64x128xf32, #tpu.memory_space<vmem>>[vector<16xi32>, vector<16xi32>], vector<16xf32>,
        %broadcast_in_dim3A_114 = arith.constant 3 : i32
        %broadcast_in_dim3A_115 = vector.broadcast %broadcast_in_dim3A_114 : i32 to vector<16xi32>
        %mul3A_116 = arith.mulf %gather3A_113, %exp3A : vector<16xf32>
        tpu.vector_store_idx %arg11[%add3A_81, %broadcast_in_dim3A_115], %mul3A_116 : memref<64x32xf32, #tpu.memory_space<vmem>>[vector<16xi32>, vector<16xi32>], vector<16xf32>,
        %broadcast_in_dim3A_117 = arith.constant 4 : i32
        %broadcast_in_dim3A_118 = vector.broadcast %broadcast_in_dim3A_117 : i32 to vector<16xi32>
        %gather3A_119 = tpu.vector_load_idx %arg9[%add3A_81, %broadcast_in_dim3A_118] : memref<64x128xf32, #tpu.memory_space<vmem>>[vector<16xi32>, vector<16xi32>], vector<16xf32>,
        %broadcast_in_dim3A_120 = arith.constant 4 : i32
        %broadcast_in_dim3A_121 = vector.broadcast %broadcast_in_dim3A_120 : i32 to vector<16xi32>
        %mul3A_122 = arith.mulf %gather3A_119, %exp3A : vector<16xf32>
        tpu.vector_store_idx %arg11[%add3A_81, %broadcast_in_dim3A_121], %mul3A_122 : memref<64x32xf32, #tpu.memory_space<vmem>>[vector<16xi32>, vector<16xi32>], vector<16xf32>,
        %broadcast_in_dim3A_123 = arith.constant 5 : i32
        %broadcast_in_dim3A_124 = vector.broadcast %broadcast_in_dim3A_123 : i32 to vector<16xi32>
        %gather3A_125 = tpu.vector_load_idx %arg9[%add3A_81, %broadcast_in_dim3A_124] : memref<64x128xf32, #tpu.memory_space<vmem>>[vector<16xi32>, vector<16xi32>], vector<16xf32>,
        %broadcast_in_dim3A_126 = arith.constant 5 : i32
        %broadcast_in_dim3A_127 = vector.broadcast %broadcast_in_dim3A_126 : i32 to vector<16xi32>
        %mul3A_128 = arith.mulf %gather3A_125, %exp3A : vector<16xf32>
        tpu.vector_store_idx %arg11[%add3A_81, %broadcast_in_dim3A_127], %mul3A_128 : memref<64x32xf32, #tpu.memory_space<vmem>>[vector<16xi32>, vector<16xi32>], vector<16xf32>,
        %broadcast_in_dim3A_129 = arith.constant 6 : i32
        %broadcast_in_dim3A_130 = vector.broadcast %broadcast_in_dim3A_129 : i32 to vector<16xi32>
        %gather3A_131 = tpu.vector_load_idx %arg9[%add3A_81, %broadcast_in_dim3A_130] : memref<64x128xf32, #tpu.memory_space<vmem>>[vector<16xi32>, vector<16xi32>], vector<16xf32>,
        %broadcast_in_dim3A_132 = arith.constant 6 : i32
        %broadcast_in_dim3A_133 = vector.broadcast %broadcast_in_dim3A_132 : i32 to vector<16xi32>
        %mul3A_134 = arith.mulf %gather3A_131, %exp3A : vector<16xf32>
        tpu.vector_store_idx %arg11[%add3A_81, %broadcast_in_dim3A_133], %mul3A_134 : memref<64x32xf32, #tpu.memory_space<vmem>>[vector<16xi32>, vector<16xi32>], vector<16xf32>,
        %broadcast_in_dim3A_135 = arith.constant 7 : i32
        %broadcast_in_dim3A_136 = vector.broadcast %broadcast_in_dim3A_135 : i32 to vector<16xi32>
        %gather3A_137 = tpu.vector_load_idx %arg9[%add3A_81, %broadcast_in_dim3A_136] : memref<64x128xf32, #tpu.memory_space<vmem>>[vector<16xi32>, vector<16xi32>], vector<16xf32>,
        %broadcast_in_dim3A_138 = arith.constant 7 : i32
        %broadcast_in_dim3A_139 = vector.broadcast %broadcast_in_dim3A_138 : i32 to vector<16xi32>
        %mul3A_140 = arith.mulf %gather3A_137, %exp3A : vector<16xf32>
        tpu.vector_store_idx %arg11[%add3A_81, %broadcast_in_dim3A_139], %mul3A_140 : memref<64x32xf32, #tpu.memory_space<vmem>>[vector<16xi32>, vector<16xi32>], vector<16xf32>,
        %broadcast_in_dim3A_141 = arith.constant 8 : i32
        %broadcast_in_dim3A_142 = vector.broadcast %broadcast_in_dim3A_141 : i32 to vector<16xi32>
        %gather3A_143 = tpu.vector_load_idx %arg9[%add3A_81, %broadcast_in_dim3A_142] : memref<64x128xf32, #tpu.memory_space<vmem>>[vector<16xi32>, vector<16xi32>], vector<16xf32>,
        %broadcast_in_dim3A_144 = arith.constant 8 : i32
        %broadcast_in_dim3A_145 = vector.broadcast %broadcast_in_dim3A_144 : i32 to vector<16xi32>
        %mul3A_146 = arith.mulf %gather3A_143, %exp3A : vector<16xf32>
        tpu.vector_store_idx %arg11[%add3A_81, %broadcast_in_dim3A_145], %mul3A_146 : memref<64x32xf32, #tpu.memory_space<vmem>>[vector<16xi32>, vector<16xi32>], vector<16xf32>,
        %broadcast_in_dim3A_147 = arith.constant 9 : i32
        %broadcast_in_dim3A_148 = vector.broadcast %broadcast_in_dim3A_147 : i32 to vector<16xi32>
        %gather3A_149 = tpu.vector_load_idx %arg9[%add3A_81, %broadcast_in_dim3A_148] : memref<64x128xf32, #tpu.memory_space<vmem>>[vector<16xi32>, vector<16xi32>], vector<16xf32>,
        %broadcast_in_dim3A_150 = arith.constant 9 : i32
        %broadcast_in_dim3A_151 = vector.broadcast %broadcast_in_dim3A_150 : i32 to vector<16xi32>
        %mul3A_152 = arith.mulf %gather3A_149, %exp3A : vector<16xf32>
        tpu.vector_store_idx %arg11[%add3A_81, %broadcast_in_dim3A_151], %mul3A_152 : memref<64x32xf32, #tpu.memory_space<vmem>>[vector<16xi32>, vector<16xi32>], vector<16xf32>,
        %broadcast_in_dim3A_153 = arith.constant 10 : i32
        %broadcast_in_dim3A_154 = vector.broadcast %broadcast_in_dim3A_153 : i32 to vector<16xi32>
        %gather3A_155 = tpu.vector_load_idx %arg9[%add3A_81, %broadcast_in_dim3A_154] : memref<64x128xf32, #tpu.memory_space<vmem>>[vector<16xi32>, vector<16xi32>], vector<16xf32>,
        %broadcast_in_dim3A_156 = arith.constant 10 : i32
        %broadcast_in_dim3A_157 = vector.broadcast %broadcast_in_dim3A_156 : i32 to vector<16xi32>
        %mul3A_158 = arith.mulf %gather3A_155, %exp3A : vector<16xf32>
        tpu.vector_store_idx %arg11[%add3A_81, %broadcast_in_dim3A_157], %mul3A_158 : memref<64x32xf32, #tpu.memory_space<vmem>>[vector<16xi32>, vector<16xi32>], vector<16xf32>,
        %broadcast_in_dim3A_159 = arith.constant 11 : i32
        %broadcast_in_dim3A_160 = vector.broadcast %broadcast_in_dim3A_159 : i32 to vector<16xi32>
        %gather3A_161 = tpu.vector_load_idx %arg9[%add3A_81, %broadcast_in_dim3A_160] : memref<64x128xf32, #tpu.memory_space<vmem>>[vector<16xi32>, vector<16xi32>], vector<16xf32>,
        %broadcast_in_dim3A_162 = arith.constant 11 : i32
        %broadcast_in_dim3A_163 = vector.broadcast %broadcast_in_dim3A_162 : i32 to vector<16xi32>
        %mul3A_164 = arith.mulf %gather3A_161, %exp3A : vector<16xf32>
        tpu.vector_store_idx %arg11[%add3A_81, %broadcast_in_dim3A_163], %mul3A_164 : memref<64x32xf32, #tpu.memory_space<vmem>>[vector<16xi32>, vector<16xi32>], vector<16xf32>,
        %broadcast_in_dim3A_165 = arith.constant 12 : i32
        %broadcast_in_dim3A_166 = vector.broadcast %broadcast_in_dim3A_165 : i32 to vector<16xi32>
        %gather3A_167 = tpu.vector_load_idx %arg9[%add3A_81, %broadcast_in_dim3A_166] : memref<64x128xf32, #tpu.memory_space<vmem>>[vector<16xi32>, vector<16xi32>], vector<16xf32>,
        %broadcast_in_dim3A_168 = arith.constant 12 : i32
        %broadcast_in_dim3A_169 = vector.broadcast %broadcast_in_dim3A_168 : i32 to vector<16xi32>
        %mul3A_170 = arith.mulf %gather3A_167, %exp3A : vector<16xf32>
        tpu.vector_store_idx %arg11[%add3A_81, %broadcast_in_dim3A_169], %mul3A_170 : memref<64x32xf32, #tpu.memory_space<vmem>>[vector<16xi32>, vector<16xi32>], vector<16xf32>,
        %broadcast_in_dim3A_171 = arith.constant 13 : i32
        %broadcast_in_dim3A_172 = vector.broadcast %broadcast_in_dim3A_171 : i32 to vector<16xi32>
        %gather3A_173 = tpu.vector_load_idx %arg9[%add3A_81, %broadcast_in_dim3A_172] : memref<64x128xf32, #tpu.memory_space<vmem>>[vector<16xi32>, vector<16xi32>], vector<16xf32>,
        %broadcast_in_dim3A_174 = arith.constant 13 : i32
        %broadcast_in_dim3A_175 = vector.broadcast %broadcast_in_dim3A_174 : i32 to vector<16xi32>
        %mul3A_176 = arith.mulf %gather3A_173, %exp3A : vector<16xf32>
        tpu.vector_store_idx %arg11[%add3A_81, %broadcast_in_dim3A_175], %mul3A_176 : memref<64x32xf32, #tpu.memory_space<vmem>>[vector<16xi32>, vector<16xi32>], vector<16xf32>,
        %broadcast_in_dim3A_177 = arith.constant 14 : i32
        %broadcast_in_dim3A_178 = vector.broadcast %broadcast_in_dim3A_177 : i32 to vector<16xi32>
        %gather3A_179 = tpu.vector_load_idx %arg9[%add3A_81, %broadcast_in_dim3A_178] : memref<64x128xf32, #tpu.memory_space<vmem>>[vector<16xi32>, vector<16xi32>], vector<16xf32>,
        %broadcast_in_dim3A_180 = arith.constant 14 : i32
        %broadcast_in_dim3A_181 = vector.broadcast %broadcast_in_dim3A_180 : i32 to vector<16xi32>
        %mul3A_182 = arith.mulf %gather3A_179, %exp3A : vector<16xf32>
        tpu.vector_store_idx %arg11[%add3A_81, %broadcast_in_dim3A_181], %mul3A_182 : memref<64x32xf32, #tpu.memory_space<vmem>>[vector<16xi32>, vector<16xi32>], vector<16xf32>,
        %broadcast_in_dim3A_183 = arith.constant 15 : i32
        %broadcast_in_dim3A_184 = vector.broadcast %broadcast_in_dim3A_183 : i32 to vector<16xi32>
        %gather3A_185 = tpu.vector_load_idx %arg9[%add3A_81, %broadcast_in_dim3A_184] : memref<64x128xf32, #tpu.memory_space<vmem>>[vector<16xi32>, vector<16xi32>], vector<16xf32>,
        %broadcast_in_dim3A_186 = arith.constant 15 : i32
        %broadcast_in_dim3A_187 = vector.broadcast %broadcast_in_dim3A_186 : i32 to vector<16xi32>
        %mul3A_188 = arith.mulf %gather3A_185, %exp3A : vector<16xf32>
        tpu.vector_store_idx %arg11[%add3A_81, %broadcast_in_dim3A_187], %mul3A_188 : memref<64x32xf32, #tpu.memory_space<vmem>>[vector<16xi32>, vector<16xi32>], vector<16xf32>,
        %scan3A_189 = arith.constant 0 : i32
        scf.yield %scan3A_189 : i32
      }
      %scan3A_68 = arith.constant 4 : i32
      %dma_start3A_69 = arith.constant 0 : i32
      %dma_start3A_70 = arith.constant 0 : i32
      %dma_start3A_71 = tpu.memref_slice %arg15[%dma_start3A_69, %dma_start3A_70] : memref<10240x32xf32, #tpu.memory_space<vmem_shared>> -> memref<10240x32xf32, #tpu.memory_space<vmem_shared>>
      tpu.enqueue_indirect_dma source(%arg11 : memref<64x32xf32, #tpu.memory_space<vmem>>) target(%dma_start3A_71 : memref<10240x32xf32, #tpu.memory_space<vmem_shared>>) offsets(%arg8 : memref<64xi32, #tpu.memory_space<vmem>>) semaphore(%arg18 : memref<!tpu.dma_semaphore, #tpu.memory_space<semaphore_mem>>) {add = true}
      %dma_wait3A_72 = arith.constant 0 : i32
      %dma_wait3A_73 = arith.constant 0 : i32
      %dma_wait3A_74 = tpu.memref_slice %arg15[%dma_wait3A_72, %dma_wait3A_73] : memref<10240x32xf32, #tpu.memory_space<vmem_shared>> -> memref<10240x32xf32, #tpu.memory_space<vmem_shared>>
      tpu.wait_indirect_dma semaphore(%arg18 : memref<!tpu.dma_semaphore, #tpu.memory_space<semaphore_mem>>) src(%arg11 : memref<64x32xf32, #tpu.memory_space<vmem>>) dst(%dma_wait3A_74 : memref<10240x32xf32, #tpu.memory_space<vmem_shared>>)
      %scan3A_75 = arith.constant 0 : i32
      scf.yield %scan3A_75 : i32
    }
    %scan3A_43 = arith.constant 162 : i32
    %barrier3A_44 = arith.constant 0 : index
    tpu.barrier barrier_id(%barrier3A_44)
    "tpu.region"() ({
      %run_scoped3A = tpu.sem_alloc : memref<!tpu.dma_semaphore, #tpu.memory_space<semaphore_mem>>
      %dma_start3A = arith.constant 0 : i32
      %dma_start3A_45 = tpu.memref_slice %arg6[%arg0, %mul3A_16, %dma_start3A] : memref<2x10240x32xf32, #tpu.memory_space<hbm>> -> memref<1x640x32xf32, #tpu.memory_space<hbm>>
      %dma_start3A_46 = tpu.memref_squeeze %dma_start3A_45 : memref<1x640x32xf32, #tpu.memory_space<hbm>> -> memref<640x32xf32, #tpu.memory_space<hbm>>
      %dma_start3A_47 = arith.constant 0 : i32
      %dma_start3A_48 = tpu.memref_slice %arg15[%mul3A_16, %dma_start3A_47] : memref<10240x32xf32, #tpu.memory_space<vmem_shared>> -> memref<640x32xf32, #tpu.memory_space<vmem_shared>>
      tpu.enqueue_dma source(%dma_start3A_48 : memref<640x32xf32, #tpu.memory_space<vmem_shared>>) target(%dma_start3A_46 : memref<640x32xf32, #tpu.memory_space<hbm>>) target_semaphore(%run_scoped3A : memref<!tpu.dma_semaphore, #tpu.memory_space<semaphore_mem>>)
      %dma_wait3A = arith.constant 0 : i32
      %dma_wait3A_49 = tpu.memref_slice %arg6[%arg0, %mul3A_16, %dma_wait3A] : memref<2x10240x32xf32, #tpu.memory_space<hbm>> -> memref<1x640x32xf32, #tpu.memory_space<hbm>>
      %dma_wait3A_50 = tpu.memref_squeeze %dma_wait3A_49 : memref<1x640x32xf32, #tpu.memory_space<hbm>> -> memref<640x32xf32, #tpu.memory_space<hbm>>
      %dma_wait3A_51 = arith.constant 0 : i32
      %dma_wait3A_52 = tpu.memref_slice %arg15[%mul3A_16, %dma_wait3A_51] : memref<10240x32xf32, #tpu.memory_space<vmem_shared>> -> memref<640x32xf32, #tpu.memory_space<vmem_shared>>
      tpu.wait_dma2 semaphore(%run_scoped3A : memref<!tpu.dma_semaphore, #tpu.memory_space<semaphore_mem>>) src(%dma_wait3A_52 : memref<640x32xf32, #tpu.memory_space<vmem_shared>>) dst(%dma_wait3A_50 : memref<640x32xf32, #tpu.memory_space<hbm>>)
      tpu.yield
    }) : () -> ()
    return
  }
}

#map = affine_map<(d0, d1) -> (0)>
#map1 = affine_map<(d0, d1) -> (0, 0)>
#map2 = affine_map<(d0, d1) -> (0, 0, 0)>
module attributes {stable_mosaic.version = 14 : i64} {
  func.func @body(%arg0: i32, %arg1: i32, %arg2: memref<331776xi32, #tpu.memory_space<hbm>>, %arg3: memref<331776xi32, #tpu.memory_space<hbm>>, %arg4: memref<10240x128xf32, #tpu.memory_space<hbm>>, %arg5: memref<10240x16xf32, #tpu.memory_space<hbm>>, %arg6: memref<2x10240x80xf32, #tpu.memory_space<hbm>>, %arg7: memref<64xi32, #tpu.memory_space<vmem>>, %arg8: memref<64xi32, #tpu.memory_space<vmem>>, %arg9: memref<64x128xf32, #tpu.memory_space<vmem>>, %arg10: memref<64x16xf32, #tpu.memory_space<vmem>>, %arg11: memref<64x80xf32, #tpu.memory_space<vmem>>, %arg12: memref<64x80xf32, #tpu.memory_space<vmem>>, %arg13: memref<8x8xf32, #tpu.memory_space<vmem_shared>>, %arg14: memref<10240x16xf32, #tpu.memory_space<vmem_shared>>, %arg15: memref<10240x80xf32, #tpu.memory_space<vmem_shared>>, %arg16: memref<!tpu.dma_semaphore, #tpu.memory_space<semaphore_mem>>, %arg17: memref<!tpu.dma_semaphore, #tpu.memory_space<semaphore_mem>>, %arg18: memref<!tpu.dma_semaphore, #tpu.memory_space<semaphore_mem>>) attributes {dimension_semantics = [#tpu.dimension_semantics<core_parallel>, #tpu.dimension_semantics<subcore_parallel>], iteration_bounds = array<i64: 2, 16>, scalar_prefetch = 0 : i64, scratch_operands = 12 : i64, tpu.core_type = #tpu.core_type<sc_vector_subcore>, window_params = [{transform_indices = #map}, {transform_indices = #map}, {transform_indices = #map1}, {transform_indices = #map1}, {transform_indices = #map2}]} {
    %mul3A = arith.constant 2 : i32
    %mul3A_0 = arith.muli %arg1, %mul3A : i32
    %add3A = arith.addi %mul3A_0, %arg0 : i32
    %broadcast_in_dim3A = arith.constant 0.000000e+00 : f32
    %broadcast_in_dim3A_1 = vector.broadcast %broadcast_in_dim3A : f32 to vector<16xf32>
    %scan3A = arith.constant 0 : i32
    %scan3A_2 = arith.constant 0 : i32
    %scan3A_3 = arith.constant 64 : i32
    %scan3A_4 = arith.addi %scan3A_2, %scan3A_3 : i32
    %scan3A_5 = arith.constant 1 : i32
    %scan3A_6 = scf.for %scan3A_45 = %scan3A_2 to %scan3A_4 step %scan3A_5 iter_args(%scan3A_46 = %scan3A) -> (i32)  : i32 {
      %swap3A = arith.index_cast %scan3A_45 : i32 to index
      %swap3A_47 = arith.constant 0 : index
      %swap3A_48 = tpu.vector_load %arg12[%swap3A, %swap3A_47] {strides = array<i32>} : memref<64x80xf32, #tpu.memory_space<vmem>>, vector<16xf32>,
      tpu.vector_store %arg12[%swap3A, %swap3A_47], %broadcast_in_dim3A_1 {strides = array<i32>} : memref<64x80xf32, #tpu.memory_space<vmem>>, vector<16xf32>,
      %swap3A_49 = arith.index_cast %scan3A_45 : i32 to index
      %swap3A_50 = arith.constant 16 : index
      %swap3A_51 = tpu.vector_load %arg12[%swap3A_49, %swap3A_50] {strides = array<i32>} : memref<64x80xf32, #tpu.memory_space<vmem>>, vector<16xf32>,
      tpu.vector_store %arg12[%swap3A_49, %swap3A_50], %broadcast_in_dim3A_1 {strides = array<i32>} : memref<64x80xf32, #tpu.memory_space<vmem>>, vector<16xf32>,
      %swap3A_52 = arith.index_cast %scan3A_45 : i32 to index
      %swap3A_53 = arith.constant 32 : index
      %swap3A_54 = tpu.vector_load %arg12[%swap3A_52, %swap3A_53] {strides = array<i32>} : memref<64x80xf32, #tpu.memory_space<vmem>>, vector<16xf32>,
      tpu.vector_store %arg12[%swap3A_52, %swap3A_53], %broadcast_in_dim3A_1 {strides = array<i32>} : memref<64x80xf32, #tpu.memory_space<vmem>>, vector<16xf32>,
      %swap3A_55 = arith.index_cast %scan3A_45 : i32 to index
      %swap3A_56 = arith.constant 48 : index
      %swap3A_57 = tpu.vector_load %arg12[%swap3A_55, %swap3A_56] {strides = array<i32>} : memref<64x80xf32, #tpu.memory_space<vmem>>, vector<16xf32>,
      tpu.vector_store %arg12[%swap3A_55, %swap3A_56], %broadcast_in_dim3A_1 {strides = array<i32>} : memref<64x80xf32, #tpu.memory_space<vmem>>, vector<16xf32>,
      %swap3A_58 = arith.index_cast %scan3A_45 : i32 to index
      %swap3A_59 = arith.constant 64 : index
      %swap3A_60 = tpu.vector_load %arg12[%swap3A_58, %swap3A_59] {strides = array<i32>} : memref<64x80xf32, #tpu.memory_space<vmem>>, vector<16xf32>,
      tpu.vector_store %arg12[%swap3A_58, %swap3A_59], %broadcast_in_dim3A_1 {strides = array<i32>} : memref<64x80xf32, #tpu.memory_space<vmem>>, vector<16xf32>,
      %scan3A_61 = arith.constant 0 : i32
      scf.yield %scan3A_61 : i32
    }
    %scan3A_7 = arith.constant 64 : i32
    %scan3A_8 = arith.constant 0 : i32
    %scan3A_9 = arith.constant 0 : i32
    %scan3A_10 = arith.constant 64 : i32
    %scan3A_11 = arith.addi %scan3A_9, %scan3A_10 : i32
    %scan3A_12 = arith.constant 1 : i32
    %scan3A_13 = scf.for %scan3A_45 = %scan3A_9 to %scan3A_11 step %scan3A_12 iter_args(%scan3A_46 = %scan3A_8) -> (i32)  : i32 {
      %swap3A = arith.index_cast %scan3A_45 : i32 to index
      %swap3A_47 = arith.constant 0 : index
      %swap3A_48 = tpu.vector_load %arg11[%swap3A, %swap3A_47] {strides = array<i32>} : memref<64x80xf32, #tpu.memory_space<vmem>>, vector<16xf32>,
      tpu.vector_store %arg11[%swap3A, %swap3A_47], %broadcast_in_dim3A_1 {strides = array<i32>} : memref<64x80xf32, #tpu.memory_space<vmem>>, vector<16xf32>,
      %swap3A_49 = arith.index_cast %scan3A_45 : i32 to index
      %swap3A_50 = arith.constant 16 : index
      %swap3A_51 = tpu.vector_load %arg11[%swap3A_49, %swap3A_50] {strides = array<i32>} : memref<64x80xf32, #tpu.memory_space<vmem>>, vector<16xf32>,
      tpu.vector_store %arg11[%swap3A_49, %swap3A_50], %broadcast_in_dim3A_1 {strides = array<i32>} : memref<64x80xf32, #tpu.memory_space<vmem>>, vector<16xf32>,
      %swap3A_52 = arith.index_cast %scan3A_45 : i32 to index
      %swap3A_53 = arith.constant 32 : index
      %swap3A_54 = tpu.vector_load %arg11[%swap3A_52, %swap3A_53] {strides = array<i32>} : memref<64x80xf32, #tpu.memory_space<vmem>>, vector<16xf32>,
      tpu.vector_store %arg11[%swap3A_52, %swap3A_53], %broadcast_in_dim3A_1 {strides = array<i32>} : memref<64x80xf32, #tpu.memory_space<vmem>>, vector<16xf32>,
      %swap3A_55 = arith.index_cast %scan3A_45 : i32 to index
      %swap3A_56 = arith.constant 48 : index
      %swap3A_57 = tpu.vector_load %arg11[%swap3A_55, %swap3A_56] {strides = array<i32>} : memref<64x80xf32, #tpu.memory_space<vmem>>, vector<16xf32>,
      tpu.vector_store %arg11[%swap3A_55, %swap3A_56], %broadcast_in_dim3A_1 {strides = array<i32>} : memref<64x80xf32, #tpu.memory_space<vmem>>, vector<16xf32>,
      %swap3A_58 = arith.index_cast %scan3A_45 : i32 to index
      %swap3A_59 = arith.constant 64 : index
      %swap3A_60 = tpu.vector_load %arg11[%swap3A_58, %swap3A_59] {strides = array<i32>} : memref<64x80xf32, #tpu.memory_space<vmem>>, vector<16xf32>,
      tpu.vector_store %arg11[%swap3A_58, %swap3A_59], %broadcast_in_dim3A_1 {strides = array<i32>} : memref<64x80xf32, #tpu.memory_space<vmem>>, vector<16xf32>,
      %scan3A_61 = arith.constant 0 : i32
      scf.yield %scan3A_61 : i32
    }
    %scan3A_14 = arith.constant 64 : i32
    %mul3A_15 = arith.constant 640 : i32
    %mul3A_16 = arith.muli %arg1, %mul3A_15 : i32
    "tpu.region"() ({
      %run_scoped3A = tpu.sem_alloc : memref<!tpu.dma_semaphore, #tpu.memory_space<semaphore_mem>>
      %dma_start3A = arith.constant 0 : i32
      %dma_start3A_45 = tpu.memref_slice %arg14[%mul3A_16, %dma_start3A] : memref<10240x16xf32, #tpu.memory_space<vmem_shared>> -> memref<640x16xf32, #tpu.memory_space<vmem_shared>>
      %dma_start3A_46 = arith.constant 0 : i32
      %dma_start3A_47 = tpu.memref_slice %arg5[%mul3A_16, %dma_start3A_46] : memref<10240x16xf32, #tpu.memory_space<hbm>> -> memref<640x16xf32, #tpu.memory_space<hbm>>
      tpu.enqueue_dma source(%dma_start3A_47 : memref<640x16xf32, #tpu.memory_space<hbm>>) target(%dma_start3A_45 : memref<640x16xf32, #tpu.memory_space<vmem_shared>>) target_semaphore(%run_scoped3A : memref<!tpu.dma_semaphore, #tpu.memory_space<semaphore_mem>>)
      %dma_wait3A = arith.constant 0 : i32
      %dma_wait3A_48 = tpu.memref_slice %arg14[%mul3A_16, %dma_wait3A] : memref<10240x16xf32, #tpu.memory_space<vmem_shared>> -> memref<640x16xf32, #tpu.memory_space<vmem_shared>>
      %dma_wait3A_49 = arith.constant 0 : i32
      %dma_wait3A_50 = tpu.memref_slice %arg5[%mul3A_16, %dma_wait3A_49] : memref<10240x16xf32, #tpu.memory_space<hbm>> -> memref<640x16xf32, #tpu.memory_space<hbm>>
      tpu.wait_dma2 semaphore(%run_scoped3A : memref<!tpu.dma_semaphore, #tpu.memory_space<semaphore_mem>>) src(%dma_wait3A_50 : memref<640x16xf32, #tpu.memory_space<hbm>>) dst(%dma_wait3A_48 : memref<640x16xf32, #tpu.memory_space<vmem_shared>>)
      tpu.yield
    }) : () -> ()
    %add3A_17 = arith.constant 0 : i32
    %add3A_18 = arith.addi %mul3A_16, %add3A_17 : i32
    "tpu.region"() ({
      %run_scoped3A = tpu.sem_alloc : memref<!tpu.dma_semaphore, #tpu.memory_space<semaphore_mem>>
      %dma_start3A = arith.constant 0 : i32
      %dma_start3A_45 = tpu.memref_slice %arg15[%add3A_18, %dma_start3A] : memref<10240x80xf32, #tpu.memory_space<vmem_shared>> -> memref<64x80xf32, #tpu.memory_space<vmem_shared>>
      %dma_start3A_46 = arith.constant 0 : i32
      %dma_start3A_47 = tpu.memref_slice %arg15[%add3A_18, %dma_start3A_46] : memref<10240x80xf32, #tpu.memory_space<vmem_shared>> -> memref<64x80xf32, #tpu.memory_space<vmem_shared>>
      tpu.enqueue_dma source(%arg12 : memref<64x80xf32, #tpu.memory_space<vmem>>) target(%dma_start3A_47 : memref<64x80xf32, #tpu.memory_space<vmem_shared>>) target_semaphore(%run_scoped3A : memref<!tpu.dma_semaphore, #tpu.memory_space<semaphore_mem>>)
      %dma_wait3A = arith.constant 0 : i32
      %dma_wait3A_48 = tpu.memref_slice %arg15[%add3A_18, %dma_wait3A] : memref<10240x80xf32, #tpu.memory_space<vmem_shared>> -> memref<64x80xf32, #tpu.memory_space<vmem_shared>>
      %dma_wait3A_49 = arith.constant 0 : i32
      %dma_wait3A_50 = tpu.memref_slice %arg15[%add3A_18, %dma_wait3A_49] : memref<10240x80xf32, #tpu.memory_space<vmem_shared>> -> memref<64x80xf32, #tpu.memory_space<vmem_shared>>
      tpu.wait_dma2 semaphore(%run_scoped3A : memref<!tpu.dma_semaphore, #tpu.memory_space<semaphore_mem>>) src(%arg12 : memref<64x80xf32, #tpu.memory_space<vmem>>) dst(%dma_wait3A_50 : memref<64x80xf32, #tpu.memory_space<vmem_shared>>)
      tpu.yield
    }) : () -> ()
    %add3A_19 = arith.constant 64 : i32
    %add3A_20 = arith.addi %mul3A_16, %add3A_19 : i32
    "tpu.region"() ({
      %run_scoped3A = tpu.sem_alloc : memref<!tpu.dma_semaphore, #tpu.memory_space<semaphore_mem>>
      %dma_start3A = arith.constant 0 : i32
      %dma_start3A_45 = tpu.memref_slice %arg15[%add3A_20, %dma_start3A] : memref<10240x80xf32, #tpu.memory_space<vmem_shared>> -> memref<64x80xf32, #tpu.memory_space<vmem_shared>>
      %dma_start3A_46 = arith.constant 0 : i32
      %dma_start3A_47 = tpu.memref_slice %arg15[%add3A_20, %dma_start3A_46] : memref<10240x80xf32, #tpu.memory_space<vmem_shared>> -> memref<64x80xf32, #tpu.memory_space<vmem_shared>>
      tpu.enqueue_dma source(%arg12 : memref<64x80xf32, #tpu.memory_space<vmem>>) target(%dma_start3A_47 : memref<64x80xf32, #tpu.memory_space<vmem_shared>>) target_semaphore(%run_scoped3A : memref<!tpu.dma_semaphore, #tpu.memory_space<semaphore_mem>>)
      %dma_wait3A = arith.constant 0 : i32
      %dma_wait3A_48 = tpu.memref_slice %arg15[%add3A_20, %dma_wait3A] : memref<10240x80xf32, #tpu.memory_space<vmem_shared>> -> memref<64x80xf32, #tpu.memory_space<vmem_shared>>
      %dma_wait3A_49 = arith.constant 0 : i32
      %dma_wait3A_50 = tpu.memref_slice %arg15[%add3A_20, %dma_wait3A_49] : memref<10240x80xf32, #tpu.memory_space<vmem_shared>> -> memref<64x80xf32, #tpu.memory_space<vmem_shared>>
      tpu.wait_dma2 semaphore(%run_scoped3A : memref<!tpu.dma_semaphore, #tpu.memory_space<semaphore_mem>>) src(%arg12 : memref<64x80xf32, #tpu.memory_space<vmem>>) dst(%dma_wait3A_50 : memref<64x80xf32, #tpu.memory_space<vmem_shared>>)
      tpu.yield
    }) : () -> ()
    %add3A_21 = arith.constant 128 : i32
    %add3A_22 = arith.addi %mul3A_16, %add3A_21 : i32
    "tpu.region"() ({
      %run_scoped3A = tpu.sem_alloc : memref<!tpu.dma_semaphore, #tpu.memory_space<semaphore_mem>>
      %dma_start3A = arith.constant 0 : i32
      %dma_start3A_45 = tpu.memref_slice %arg15[%add3A_22, %dma_start3A] : memref<10240x80xf32, #tpu.memory_space<vmem_shared>> -> memref<64x80xf32, #tpu.memory_space<vmem_shared>>
      %dma_start3A_46 = arith.constant 0 : i32
      %dma_start3A_47 = tpu.memref_slice %arg15[%add3A_22, %dma_start3A_46] : memref<10240x80xf32, #tpu.memory_space<vmem_shared>> -> memref<64x80xf32, #tpu.memory_space<vmem_shared>>
      tpu.enqueue_dma source(%arg12 : memref<64x80xf32, #tpu.memory_space<vmem>>) target(%dma_start3A_47 : memref<64x80xf32, #tpu.memory_space<vmem_shared>>) target_semaphore(%run_scoped3A : memref<!tpu.dma_semaphore, #tpu.memory_space<semaphore_mem>>)
      %dma_wait3A = arith.constant 0 : i32
      %dma_wait3A_48 = tpu.memref_slice %arg15[%add3A_22, %dma_wait3A] : memref<10240x80xf32, #tpu.memory_space<vmem_shared>> -> memref<64x80xf32, #tpu.memory_space<vmem_shared>>
      %dma_wait3A_49 = arith.constant 0 : i32
      %dma_wait3A_50 = tpu.memref_slice %arg15[%add3A_22, %dma_wait3A_49] : memref<10240x80xf32, #tpu.memory_space<vmem_shared>> -> memref<64x80xf32, #tpu.memory_space<vmem_shared>>
      tpu.wait_dma2 semaphore(%run_scoped3A : memref<!tpu.dma_semaphore, #tpu.memory_space<semaphore_mem>>) src(%arg12 : memref<64x80xf32, #tpu.memory_space<vmem>>) dst(%dma_wait3A_50 : memref<64x80xf32, #tpu.memory_space<vmem_shared>>)
      tpu.yield
    }) : () -> ()
    %add3A_23 = arith.constant 192 : i32
    %add3A_24 = arith.addi %mul3A_16, %add3A_23 : i32
    "tpu.region"() ({
      %run_scoped3A = tpu.sem_alloc : memref<!tpu.dma_semaphore, #tpu.memory_space<semaphore_mem>>
      %dma_start3A = arith.constant 0 : i32
      %dma_start3A_45 = tpu.memref_slice %arg15[%add3A_24, %dma_start3A] : memref<10240x80xf32, #tpu.memory_space<vmem_shared>> -> memref<64x80xf32, #tpu.memory_space<vmem_shared>>
      %dma_start3A_46 = arith.constant 0 : i32
      %dma_start3A_47 = tpu.memref_slice %arg15[%add3A_24, %dma_start3A_46] : memref<10240x80xf32, #tpu.memory_space<vmem_shared>> -> memref<64x80xf32, #tpu.memory_space<vmem_shared>>
      tpu.enqueue_dma source(%arg12 : memref<64x80xf32, #tpu.memory_space<vmem>>) target(%dma_start3A_47 : memref<64x80xf32, #tpu.memory_space<vmem_shared>>) target_semaphore(%run_scoped3A : memref<!tpu.dma_semaphore, #tpu.memory_space<semaphore_mem>>)
      %dma_wait3A = arith.constant 0 : i32
      %dma_wait3A_48 = tpu.memref_slice %arg15[%add3A_24, %dma_wait3A] : memref<10240x80xf32, #tpu.memory_space<vmem_shared>> -> memref<64x80xf32, #tpu.memory_space<vmem_shared>>
      %dma_wait3A_49 = arith.constant 0 : i32
      %dma_wait3A_50 = tpu.memref_slice %arg15[%add3A_24, %dma_wait3A_49] : memref<10240x80xf32, #tpu.memory_space<vmem_shared>> -> memref<64x80xf32, #tpu.memory_space<vmem_shared>>
      tpu.wait_dma2 semaphore(%run_scoped3A : memref<!tpu.dma_semaphore, #tpu.memory_space<semaphore_mem>>) src(%arg12 : memref<64x80xf32, #tpu.memory_space<vmem>>) dst(%dma_wait3A_50 : memref<64x80xf32, #tpu.memory_space<vmem_shared>>)
      tpu.yield
    }) : () -> ()
    %add3A_25 = arith.constant 256 : i32
    %add3A_26 = arith.addi %mul3A_16, %add3A_25 : i32
    "tpu.region"() ({
      %run_scoped3A = tpu.sem_alloc : memref<!tpu.dma_semaphore, #tpu.memory_space<semaphore_mem>>
      %dma_start3A = arith.constant 0 : i32
      %dma_start3A_45 = tpu.memref_slice %arg15[%add3A_26, %dma_start3A] : memref<10240x80xf32, #tpu.memory_space<vmem_shared>> -> memref<64x80xf32, #tpu.memory_space<vmem_shared>>
      %dma_start3A_46 = arith.constant 0 : i32
      %dma_start3A_47 = tpu.memref_slice %arg15[%add3A_26, %dma_start3A_46] : memref<10240x80xf32, #tpu.memory_space<vmem_shared>> -> memref<64x80xf32, #tpu.memory_space<vmem_shared>>
      tpu.enqueue_dma source(%arg12 : memref<64x80xf32, #tpu.memory_space<vmem>>) target(%dma_start3A_47 : memref<64x80xf32, #tpu.memory_space<vmem_shared>>) target_semaphore(%run_scoped3A : memref<!tpu.dma_semaphore, #tpu.memory_space<semaphore_mem>>)
      %dma_wait3A = arith.constant 0 : i32
      %dma_wait3A_48 = tpu.memref_slice %arg15[%add3A_26, %dma_wait3A] : memref<10240x80xf32, #tpu.memory_space<vmem_shared>> -> memref<64x80xf32, #tpu.memory_space<vmem_shared>>
      %dma_wait3A_49 = arith.constant 0 : i32
      %dma_wait3A_50 = tpu.memref_slice %arg15[%add3A_26, %dma_wait3A_49] : memref<10240x80xf32, #tpu.memory_space<vmem_shared>> -> memref<64x80xf32, #tpu.memory_space<vmem_shared>>
      tpu.wait_dma2 semaphore(%run_scoped3A : memref<!tpu.dma_semaphore, #tpu.memory_space<semaphore_mem>>) src(%arg12 : memref<64x80xf32, #tpu.memory_space<vmem>>) dst(%dma_wait3A_50 : memref<64x80xf32, #tpu.memory_space<vmem_shared>>)
      tpu.yield
    }) : () -> ()
    %add3A_27 = arith.constant 320 : i32
    %add3A_28 = arith.addi %mul3A_16, %add3A_27 : i32
    "tpu.region"() ({
      %run_scoped3A = tpu.sem_alloc : memref<!tpu.dma_semaphore, #tpu.memory_space<semaphore_mem>>
      %dma_start3A = arith.constant 0 : i32
      %dma_start3A_45 = tpu.memref_slice %arg15[%add3A_28, %dma_start3A] : memref<10240x80xf32, #tpu.memory_space<vmem_shared>> -> memref<64x80xf32, #tpu.memory_space<vmem_shared>>
      %dma_start3A_46 = arith.constant 0 : i32
      %dma_start3A_47 = tpu.memref_slice %arg15[%add3A_28, %dma_start3A_46] : memref<10240x80xf32, #tpu.memory_space<vmem_shared>> -> memref<64x80xf32, #tpu.memory_space<vmem_shared>>
      tpu.enqueue_dma source(%arg12 : memref<64x80xf32, #tpu.memory_space<vmem>>) target(%dma_start3A_47 : memref<64x80xf32, #tpu.memory_space<vmem_shared>>) target_semaphore(%run_scoped3A : memref<!tpu.dma_semaphore, #tpu.memory_space<semaphore_mem>>)
      %dma_wait3A = arith.constant 0 : i32
      %dma_wait3A_48 = tpu.memref_slice %arg15[%add3A_28, %dma_wait3A] : memref<10240x80xf32, #tpu.memory_space<vmem_shared>> -> memref<64x80xf32, #tpu.memory_space<vmem_shared>>
      %dma_wait3A_49 = arith.constant 0 : i32
      %dma_wait3A_50 = tpu.memref_slice %arg15[%add3A_28, %dma_wait3A_49] : memref<10240x80xf32, #tpu.memory_space<vmem_shared>> -> memref<64x80xf32, #tpu.memory_space<vmem_shared>>
      tpu.wait_dma2 semaphore(%run_scoped3A : memref<!tpu.dma_semaphore, #tpu.memory_space<semaphore_mem>>) src(%arg12 : memref<64x80xf32, #tpu.memory_space<vmem>>) dst(%dma_wait3A_50 : memref<64x80xf32, #tpu.memory_space<vmem_shared>>)
      tpu.yield
    }) : () -> ()
    %add3A_29 = arith.constant 384 : i32
    %add3A_30 = arith.addi %mul3A_16, %add3A_29 : i32
    "tpu.region"() ({
      %run_scoped3A = tpu.sem_alloc : memref<!tpu.dma_semaphore, #tpu.memory_space<semaphore_mem>>
      %dma_start3A = arith.constant 0 : i32
      %dma_start3A_45 = tpu.memref_slice %arg15[%add3A_30, %dma_start3A] : memref<10240x80xf32, #tpu.memory_space<vmem_shared>> -> memref<64x80xf32, #tpu.memory_space<vmem_shared>>
      %dma_start3A_46 = arith.constant 0 : i32
      %dma_start3A_47 = tpu.memref_slice %arg15[%add3A_30, %dma_start3A_46] : memref<10240x80xf32, #tpu.memory_space<vmem_shared>> -> memref<64x80xf32, #tpu.memory_space<vmem_shared>>
      tpu.enqueue_dma source(%arg12 : memref<64x80xf32, #tpu.memory_space<vmem>>) target(%dma_start3A_47 : memref<64x80xf32, #tpu.memory_space<vmem_shared>>) target_semaphore(%run_scoped3A : memref<!tpu.dma_semaphore, #tpu.memory_space<semaphore_mem>>)
      %dma_wait3A = arith.constant 0 : i32
      %dma_wait3A_48 = tpu.memref_slice %arg15[%add3A_30, %dma_wait3A] : memref<10240x80xf32, #tpu.memory_space<vmem_shared>> -> memref<64x80xf32, #tpu.memory_space<vmem_shared>>
      %dma_wait3A_49 = arith.constant 0 : i32
      %dma_wait3A_50 = tpu.memref_slice %arg15[%add3A_30, %dma_wait3A_49] : memref<10240x80xf32, #tpu.memory_space<vmem_shared>> -> memref<64x80xf32, #tpu.memory_space<vmem_shared>>
      tpu.wait_dma2 semaphore(%run_scoped3A : memref<!tpu.dma_semaphore, #tpu.memory_space<semaphore_mem>>) src(%arg12 : memref<64x80xf32, #tpu.memory_space<vmem>>) dst(%dma_wait3A_50 : memref<64x80xf32, #tpu.memory_space<vmem_shared>>)
      tpu.yield
    }) : () -> ()
    %add3A_31 = arith.constant 448 : i32
    %add3A_32 = arith.addi %mul3A_16, %add3A_31 : i32
    "tpu.region"() ({
      %run_scoped3A = tpu.sem_alloc : memref<!tpu.dma_semaphore, #tpu.memory_space<semaphore_mem>>
      %dma_start3A = arith.constant 0 : i32
      %dma_start3A_45 = tpu.memref_slice %arg15[%add3A_32, %dma_start3A] : memref<10240x80xf32, #tpu.memory_space<vmem_shared>> -> memref<64x80xf32, #tpu.memory_space<vmem_shared>>
      %dma_start3A_46 = arith.constant 0 : i32
      %dma_start3A_47 = tpu.memref_slice %arg15[%add3A_32, %dma_start3A_46] : memref<10240x80xf32, #tpu.memory_space<vmem_shared>> -> memref<64x80xf32, #tpu.memory_space<vmem_shared>>
      tpu.enqueue_dma source(%arg12 : memref<64x80xf32, #tpu.memory_space<vmem>>) target(%dma_start3A_47 : memref<64x80xf32, #tpu.memory_space<vmem_shared>>) target_semaphore(%run_scoped3A : memref<!tpu.dma_semaphore, #tpu.memory_space<semaphore_mem>>)
      %dma_wait3A = arith.constant 0 : i32
      %dma_wait3A_48 = tpu.memref_slice %arg15[%add3A_32, %dma_wait3A] : memref<10240x80xf32, #tpu.memory_space<vmem_shared>> -> memref<64x80xf32, #tpu.memory_space<vmem_shared>>
      %dma_wait3A_49 = arith.constant 0 : i32
      %dma_wait3A_50 = tpu.memref_slice %arg15[%add3A_32, %dma_wait3A_49] : memref<10240x80xf32, #tpu.memory_space<vmem_shared>> -> memref<64x80xf32, #tpu.memory_space<vmem_shared>>
      tpu.wait_dma2 semaphore(%run_scoped3A : memref<!tpu.dma_semaphore, #tpu.memory_space<semaphore_mem>>) src(%arg12 : memref<64x80xf32, #tpu.memory_space<vmem>>) dst(%dma_wait3A_50 : memref<64x80xf32, #tpu.memory_space<vmem_shared>>)
      tpu.yield
    }) : () -> ()
    %add3A_33 = arith.constant 512 : i32
    %add3A_34 = arith.addi %mul3A_16, %add3A_33 : i32
    "tpu.region"() ({
      %run_scoped3A = tpu.sem_alloc : memref<!tpu.dma_semaphore, #tpu.memory_space<semaphore_mem>>
      %dma_start3A = arith.constant 0 : i32
      %dma_start3A_45 = tpu.memref_slice %arg15[%add3A_34, %dma_start3A] : memref<10240x80xf32, #tpu.memory_space<vmem_shared>> -> memref<64x80xf32, #tpu.memory_space<vmem_shared>>
      %dma_start3A_46 = arith.constant 0 : i32
      %dma_start3A_47 = tpu.memref_slice %arg15[%add3A_34, %dma_start3A_46] : memref<10240x80xf32, #tpu.memory_space<vmem_shared>> -> memref<64x80xf32, #tpu.memory_space<vmem_shared>>
      tpu.enqueue_dma source(%arg12 : memref<64x80xf32, #tpu.memory_space<vmem>>) target(%dma_start3A_47 : memref<64x80xf32, #tpu.memory_space<vmem_shared>>) target_semaphore(%run_scoped3A : memref<!tpu.dma_semaphore, #tpu.memory_space<semaphore_mem>>)
      %dma_wait3A = arith.constant 0 : i32
      %dma_wait3A_48 = tpu.memref_slice %arg15[%add3A_34, %dma_wait3A] : memref<10240x80xf32, #tpu.memory_space<vmem_shared>> -> memref<64x80xf32, #tpu.memory_space<vmem_shared>>
      %dma_wait3A_49 = arith.constant 0 : i32
      %dma_wait3A_50 = tpu.memref_slice %arg15[%add3A_34, %dma_wait3A_49] : memref<10240x80xf32, #tpu.memory_space<vmem_shared>> -> memref<64x80xf32, #tpu.memory_space<vmem_shared>>
      tpu.wait_dma2 semaphore(%run_scoped3A : memref<!tpu.dma_semaphore, #tpu.memory_space<semaphore_mem>>) src(%arg12 : memref<64x80xf32, #tpu.memory_space<vmem>>) dst(%dma_wait3A_50 : memref<64x80xf32, #tpu.memory_space<vmem_shared>>)
      tpu.yield
    }) : () -> ()
    %add3A_35 = arith.constant 576 : i32
    %add3A_36 = arith.addi %mul3A_16, %add3A_35 : i32
    "tpu.region"() ({
      %run_scoped3A = tpu.sem_alloc : memref<!tpu.dma_semaphore, #tpu.memory_space<semaphore_mem>>
      %dma_start3A = arith.constant 0 : i32
      %dma_start3A_45 = tpu.memref_slice %arg15[%add3A_36, %dma_start3A] : memref<10240x80xf32, #tpu.memory_space<vmem_shared>> -> memref<64x80xf32, #tpu.memory_space<vmem_shared>>
      %dma_start3A_46 = arith.constant 0 : i32
      %dma_start3A_47 = tpu.memref_slice %arg15[%add3A_36, %dma_start3A_46] : memref<10240x80xf32, #tpu.memory_space<vmem_shared>> -> memref<64x80xf32, #tpu.memory_space<vmem_shared>>
      tpu.enqueue_dma source(%arg12 : memref<64x80xf32, #tpu.memory_space<vmem>>) target(%dma_start3A_47 : memref<64x80xf32, #tpu.memory_space<vmem_shared>>) target_semaphore(%run_scoped3A : memref<!tpu.dma_semaphore, #tpu.memory_space<semaphore_mem>>)
      %dma_wait3A = arith.constant 0 : i32
      %dma_wait3A_48 = tpu.memref_slice %arg15[%add3A_36, %dma_wait3A] : memref<10240x80xf32, #tpu.memory_space<vmem_shared>> -> memref<64x80xf32, #tpu.memory_space<vmem_shared>>
      %dma_wait3A_49 = arith.constant 0 : i32
      %dma_wait3A_50 = tpu.memref_slice %arg15[%add3A_36, %dma_wait3A_49] : memref<10240x80xf32, #tpu.memory_space<vmem_shared>> -> memref<64x80xf32, #tpu.memory_space<vmem_shared>>
      tpu.wait_dma2 semaphore(%run_scoped3A : memref<!tpu.dma_semaphore, #tpu.memory_space<semaphore_mem>>) src(%arg12 : memref<64x80xf32, #tpu.memory_space<vmem>>) dst(%dma_wait3A_50 : memref<64x80xf32, #tpu.memory_space<vmem_shared>>)
      tpu.yield
    }) : () -> ()
    %barrier3A = arith.constant 0 : index
    tpu.barrier barrier_id(%barrier3A)
    %iota3A = tpu.iota {dimensions = array<i32: 0>} : vector<16xi32>
    %scan3A_37 = arith.constant 0 : i32
    %scan3A_38 = arith.constant 0 : i32
    %scan3A_39 = arith.constant 162 : i32
    %scan3A_40 = arith.addi %scan3A_38, %scan3A_39 : i32
    %scan3A_41 = arith.constant 1 : i32
    %scan3A_42 = scf.for %scan3A_45 = %scan3A_38 to %scan3A_40 step %scan3A_41 iter_args(%scan3A_46 = %scan3A_37) -> (i32)  : i32 {
      %mul3A_47 = arith.constant 10368 : i32
      %mul3A_48 = arith.muli %add3A, %mul3A_47 : i32
      %mul3A_49 = arith.constant 64 : i32
      %mul3A_50 = arith.muli %scan3A_45, %mul3A_49 : i32
      %add3A_51 = arith.addi %mul3A_48, %mul3A_50 : i32
      "tpu.region"() ({
        %run_scoped3A = tpu.sem_alloc : memref<!tpu.dma_semaphore, #tpu.memory_space<semaphore_mem>>
        %dma_start3A_76 = tpu.memref_slice %arg2[%add3A_51] : memref<331776xi32, #tpu.memory_space<hbm>> -> memref<64xi32, #tpu.memory_space<hbm>>
        %dma_start3A_77 = tpu.memref_slice %arg2[%add3A_51] : memref<331776xi32, #tpu.memory_space<hbm>> -> memref<64xi32, #tpu.memory_space<hbm>>
        tpu.enqueue_dma source(%dma_start3A_77 : memref<64xi32, #tpu.memory_space<hbm>>) target(%arg7 : memref<64xi32, #tpu.memory_space<vmem>>) target_semaphore(%run_scoped3A : memref<!tpu.dma_semaphore, #tpu.memory_space<semaphore_mem>>)
        %dma_wait3A_78 = tpu.memref_slice %arg2[%add3A_51] : memref<331776xi32, #tpu.memory_space<hbm>> -> memref<64xi32, #tpu.memory_space<hbm>>
        %dma_wait3A_79 = tpu.memref_slice %arg2[%add3A_51] : memref<331776xi32, #tpu.memory_space<hbm>> -> memref<64xi32, #tpu.memory_space<hbm>>
        tpu.wait_dma2 semaphore(%run_scoped3A : memref<!tpu.dma_semaphore, #tpu.memory_space<semaphore_mem>>) src(%dma_wait3A_79 : memref<64xi32, #tpu.memory_space<hbm>>) dst(%arg7 : memref<64xi32, #tpu.memory_space<vmem>>)
        tpu.yield
      }) : () -> ()
      "tpu.region"() ({
        %run_scoped3A = tpu.sem_alloc : memref<!tpu.dma_semaphore, #tpu.memory_space<semaphore_mem>>
        %dma_start3A_76 = tpu.memref_slice %arg3[%add3A_51] : memref<331776xi32, #tpu.memory_space<hbm>> -> memref<64xi32, #tpu.memory_space<hbm>>
        %dma_start3A_77 = tpu.memref_slice %arg3[%add3A_51] : memref<331776xi32, #tpu.memory_space<hbm>> -> memref<64xi32, #tpu.memory_space<hbm>>
        tpu.enqueue_dma source(%dma_start3A_77 : memref<64xi32, #tpu.memory_space<hbm>>) target(%arg8 : memref<64xi32, #tpu.memory_space<vmem>>) target_semaphore(%run_scoped3A : memref<!tpu.dma_semaphore, #tpu.memory_space<semaphore_mem>>)
        %dma_wait3A_78 = tpu.memref_slice %arg3[%add3A_51] : memref<331776xi32, #tpu.memory_space<hbm>> -> memref<64xi32, #tpu.memory_space<hbm>>
        %dma_wait3A_79 = tpu.memref_slice %arg3[%add3A_51] : memref<331776xi32, #tpu.memory_space<hbm>> -> memref<64xi32, #tpu.memory_space<hbm>>
        tpu.wait_dma2 semaphore(%run_scoped3A : memref<!tpu.dma_semaphore, #tpu.memory_space<semaphore_mem>>) src(%dma_wait3A_79 : memref<64xi32, #tpu.memory_space<hbm>>) dst(%arg8 : memref<64xi32, #tpu.memory_space<vmem>>)
        tpu.yield
      }) : () -> ()
      %dma_start3A = arith.constant 0 : i32
      %dma_start3A_52 = arith.constant 0 : i32
      %dma_start3A_53 = tpu.memref_slice %arg4[%dma_start3A, %dma_start3A_52] : memref<10240x128xf32, #tpu.memory_space<hbm>> -> memref<10240x128xf32, #tpu.memory_space<hbm>>
      tpu.enqueue_indirect_dma source(%dma_start3A_53 : memref<10240x128xf32, #tpu.memory_space<hbm>>) target(%arg9 : memref<64x128xf32, #tpu.memory_space<vmem>>) offsets(%arg7 : memref<64xi32, #tpu.memory_space<vmem>>) semaphore(%arg16 : memref<!tpu.dma_semaphore, #tpu.memory_space<semaphore_mem>>)
      %dma_start3A_54 = arith.constant 0 : i32
      %dma_start3A_55 = arith.constant 0 : i32
      %dma_start3A_56 = tpu.memref_slice %arg14[%dma_start3A_54, %dma_start3A_55] : memref<10240x16xf32, #tpu.memory_space<vmem_shared>> -> memref<10240x16xf32, #tpu.memory_space<vmem_shared>>
      tpu.enqueue_indirect_dma source(%dma_start3A_56 : memref<10240x16xf32, #tpu.memory_space<vmem_shared>>) target(%arg10 : memref<64x16xf32, #tpu.memory_space<vmem>>) offsets(%arg8 : memref<64xi32, #tpu.memory_space<vmem>>) semaphore(%arg17 : memref<!tpu.dma_semaphore, #tpu.memory_space<semaphore_mem>>)
      %dma_wait3A = arith.constant 0 : i32
      %dma_wait3A_57 = arith.constant 0 : i32
      %dma_wait3A_58 = tpu.memref_slice %arg4[%dma_wait3A, %dma_wait3A_57] : memref<10240x128xf32, #tpu.memory_space<hbm>> -> memref<10240x128xf32, #tpu.memory_space<hbm>>
      tpu.wait_indirect_dma semaphore(%arg16 : memref<!tpu.dma_semaphore, #tpu.memory_space<semaphore_mem>>) src(%dma_wait3A_58 : memref<10240x128xf32, #tpu.memory_space<hbm>>) dst(%arg9 : memref<64x128xf32, #tpu.memory_space<vmem>>)
      %dma_wait3A_59 = arith.constant 0 : i32
      %dma_wait3A_60 = arith.constant 0 : i32
      %dma_wait3A_61 = tpu.memref_slice %arg14[%dma_wait3A_59, %dma_wait3A_60] : memref<10240x16xf32, #tpu.memory_space<vmem_shared>> -> memref<10240x16xf32, #tpu.memory_space<vmem_shared>>
      tpu.wait_indirect_dma semaphore(%arg17 : memref<!tpu.dma_semaphore, #tpu.memory_space<semaphore_mem>>) src(%dma_wait3A_61 : memref<10240x16xf32, #tpu.memory_space<vmem_shared>>) dst(%arg10 : memref<64x16xf32, #tpu.memory_space<vmem>>)
      %scan3A_62 = arith.constant 0 : i32
      %scan3A_63 = arith.constant 0 : i32
      %scan3A_64 = arith.constant 4 : i32
      %scan3A_65 = arith.addi %scan3A_63, %scan3A_64 : i32
      %scan3A_66 = arith.constant 1 : i32
      %scan3A_67 = scf.for %scan3A_76 = %scan3A_63 to %scan3A_65 step %scan3A_66 iter_args(%scan3A_77 = %scan3A_62) -> (i32)  : i32 {
        %mul3A_78 = arith.constant 16 : i32
        %mul3A_79 = arith.muli %scan3A_76, %mul3A_78 : i32
        %add3A_80 = vector.broadcast %mul3A_79 : i32 to vector<16xi32>
        %add3A_81 = arith.addi %iota3A, %add3A_80 : vector<16xi32>
        %broadcast_in_dim3A_82 = arith.constant 64 : i32
        %broadcast_in_dim3A_83 = vector.broadcast %broadcast_in_dim3A_82 : i32 to vector<16xi32>
        %gather3A = tpu.vector_load_idx %arg9[%add3A_81, %broadcast_in_dim3A_83] : memref<64x128xf32, #tpu.memory_space<vmem>>[vector<16xi32>, vector<16xi32>], vector<16xf32>,
        %broadcast_in_dim3A_84 = arith.constant 0 : i32
        %broadcast_in_dim3A_85 = vector.broadcast %broadcast_in_dim3A_84 : i32 to vector<16xi32>
        %gather3A_86 = tpu.vector_load_idx %arg10[%add3A_81, %broadcast_in_dim3A_85] : memref<64x16xf32, #tpu.memory_space<vmem>>[vector<16xi32>, vector<16xi32>], vector<16xf32>,
        %add3A_87 = arith.addf %gather3A, %gather3A_86 : vector<16xf32>
        %mul3A_88 = arith.constant 2.000000e-01 : f32
        %mul3A_89 = vector.broadcast %mul3A_88 : f32 to vector<16xf32>
        %mul3A_90 = arith.mulf %mul3A_89, %add3A_87 : vector<16xf32>
        %max3A = arith.maximumf %add3A_87, %mul3A_90 : vector<16xf32>
        %exp3A = math.exp %max3A : vector<16xf32>
        %broadcast_in_dim3A_91 = arith.constant 64 : i32
        %broadcast_in_dim3A_92 = vector.broadcast %broadcast_in_dim3A_91 : i32 to vector<16xi32>
        tpu.vector_store_idx %arg11[%add3A_81, %broadcast_in_dim3A_92], %exp3A : memref<64x80xf32, #tpu.memory_space<vmem>>[vector<16xi32>, vector<16xi32>], vector<16xf32>,
        %broadcast_in_dim3A_93 = arith.constant 65 : i32
        %broadcast_in_dim3A_94 = vector.broadcast %broadcast_in_dim3A_93 : i32 to vector<16xi32>
        %gather3A_95 = tpu.vector_load_idx %arg9[%add3A_81, %broadcast_in_dim3A_94] : memref<64x128xf32, #tpu.memory_space<vmem>>[vector<16xi32>, vector<16xi32>], vector<16xf32>,
        %broadcast_in_dim3A_96 = arith.constant 1 : i32
        %broadcast_in_dim3A_97 = vector.broadcast %broadcast_in_dim3A_96 : i32 to vector<16xi32>
        %gather3A_98 = tpu.vector_load_idx %arg10[%add3A_81, %broadcast_in_dim3A_97] : memref<64x16xf32, #tpu.memory_space<vmem>>[vector<16xi32>, vector<16xi32>], vector<16xf32>,
        %add3A_99 = arith.addf %gather3A_95, %gather3A_98 : vector<16xf32>
        %mul3A_100 = arith.constant 2.000000e-01 : f32
        %mul3A_101 = vector.broadcast %mul3A_100 : f32 to vector<16xf32>
        %mul3A_102 = arith.mulf %mul3A_101, %add3A_99 : vector<16xf32>
        %max3A_103 = arith.maximumf %add3A_99, %mul3A_102 : vector<16xf32>
        %exp3A_104 = math.exp %max3A_103 : vector<16xf32>
        %broadcast_in_dim3A_105 = arith.constant 65 : i32
        %broadcast_in_dim3A_106 = vector.broadcast %broadcast_in_dim3A_105 : i32 to vector<16xi32>
        tpu.vector_store_idx %arg11[%add3A_81, %broadcast_in_dim3A_106], %exp3A_104 : memref<64x80xf32, #tpu.memory_space<vmem>>[vector<16xi32>, vector<16xi32>], vector<16xf32>,
        %broadcast_in_dim3A_107 = arith.constant 66 : i32
        %broadcast_in_dim3A_108 = vector.broadcast %broadcast_in_dim3A_107 : i32 to vector<16xi32>
        %gather3A_109 = tpu.vector_load_idx %arg9[%add3A_81, %broadcast_in_dim3A_108] : memref<64x128xf32, #tpu.memory_space<vmem>>[vector<16xi32>, vector<16xi32>], vector<16xf32>,
        %broadcast_in_dim3A_110 = arith.constant 2 : i32
        %broadcast_in_dim3A_111 = vector.broadcast %broadcast_in_dim3A_110 : i32 to vector<16xi32>
        %gather3A_112 = tpu.vector_load_idx %arg10[%add3A_81, %broadcast_in_dim3A_111] : memref<64x16xf32, #tpu.memory_space<vmem>>[vector<16xi32>, vector<16xi32>], vector<16xf32>,
        %add3A_113 = arith.addf %gather3A_109, %gather3A_112 : vector<16xf32>
        %mul3A_114 = arith.constant 2.000000e-01 : f32
        %mul3A_115 = vector.broadcast %mul3A_114 : f32 to vector<16xf32>
        %mul3A_116 = arith.mulf %mul3A_115, %add3A_113 : vector<16xf32>
        %max3A_117 = arith.maximumf %add3A_113, %mul3A_116 : vector<16xf32>
        %exp3A_118 = math.exp %max3A_117 : vector<16xf32>
        %broadcast_in_dim3A_119 = arith.constant 66 : i32
        %broadcast_in_dim3A_120 = vector.broadcast %broadcast_in_dim3A_119 : i32 to vector<16xi32>
        tpu.vector_store_idx %arg11[%add3A_81, %broadcast_in_dim3A_120], %exp3A_118 : memref<64x80xf32, #tpu.memory_space<vmem>>[vector<16xi32>, vector<16xi32>], vector<16xf32>,
        %broadcast_in_dim3A_121 = arith.constant 67 : i32
        %broadcast_in_dim3A_122 = vector.broadcast %broadcast_in_dim3A_121 : i32 to vector<16xi32>
        %gather3A_123 = tpu.vector_load_idx %arg9[%add3A_81, %broadcast_in_dim3A_122] : memref<64x128xf32, #tpu.memory_space<vmem>>[vector<16xi32>, vector<16xi32>], vector<16xf32>,
        %broadcast_in_dim3A_124 = arith.constant 3 : i32
        %broadcast_in_dim3A_125 = vector.broadcast %broadcast_in_dim3A_124 : i32 to vector<16xi32>
        %gather3A_126 = tpu.vector_load_idx %arg10[%add3A_81, %broadcast_in_dim3A_125] : memref<64x16xf32, #tpu.memory_space<vmem>>[vector<16xi32>, vector<16xi32>], vector<16xf32>,
        %add3A_127 = arith.addf %gather3A_123, %gather3A_126 : vector<16xf32>
        %mul3A_128 = arith.constant 2.000000e-01 : f32
        %mul3A_129 = vector.broadcast %mul3A_128 : f32 to vector<16xf32>
        %mul3A_130 = arith.mulf %mul3A_129, %add3A_127 : vector<16xf32>
        %max3A_131 = arith.maximumf %add3A_127, %mul3A_130 : vector<16xf32>
        %exp3A_132 = math.exp %max3A_131 : vector<16xf32>
        %broadcast_in_dim3A_133 = arith.constant 67 : i32
        %broadcast_in_dim3A_134 = vector.broadcast %broadcast_in_dim3A_133 : i32 to vector<16xi32>
        tpu.vector_store_idx %arg11[%add3A_81, %broadcast_in_dim3A_134], %exp3A_132 : memref<64x80xf32, #tpu.memory_space<vmem>>[vector<16xi32>, vector<16xi32>], vector<16xf32>,
        %broadcast_in_dim3A_135 = arith.constant 68 : i32
        %broadcast_in_dim3A_136 = vector.broadcast %broadcast_in_dim3A_135 : i32 to vector<16xi32>
        %gather3A_137 = tpu.vector_load_idx %arg9[%add3A_81, %broadcast_in_dim3A_136] : memref<64x128xf32, #tpu.memory_space<vmem>>[vector<16xi32>, vector<16xi32>], vector<16xf32>,
        %broadcast_in_dim3A_138 = arith.constant 4 : i32
        %broadcast_in_dim3A_139 = vector.broadcast %broadcast_in_dim3A_138 : i32 to vector<16xi32>
        %gather3A_140 = tpu.vector_load_idx %arg10[%add3A_81, %broadcast_in_dim3A_139] : memref<64x16xf32, #tpu.memory_space<vmem>>[vector<16xi32>, vector<16xi32>], vector<16xf32>,
        %add3A_141 = arith.addf %gather3A_137, %gather3A_140 : vector<16xf32>
        %mul3A_142 = arith.constant 2.000000e-01 : f32
        %mul3A_143 = vector.broadcast %mul3A_142 : f32 to vector<16xf32>
        %mul3A_144 = arith.mulf %mul3A_143, %add3A_141 : vector<16xf32>
        %max3A_145 = arith.maximumf %add3A_141, %mul3A_144 : vector<16xf32>
        %exp3A_146 = math.exp %max3A_145 : vector<16xf32>
        %broadcast_in_dim3A_147 = arith.constant 68 : i32
        %broadcast_in_dim3A_148 = vector.broadcast %broadcast_in_dim3A_147 : i32 to vector<16xi32>
        tpu.vector_store_idx %arg11[%add3A_81, %broadcast_in_dim3A_148], %exp3A_146 : memref<64x80xf32, #tpu.memory_space<vmem>>[vector<16xi32>, vector<16xi32>], vector<16xf32>,
        %broadcast_in_dim3A_149 = arith.constant 69 : i32
        %broadcast_in_dim3A_150 = vector.broadcast %broadcast_in_dim3A_149 : i32 to vector<16xi32>
        %gather3A_151 = tpu.vector_load_idx %arg9[%add3A_81, %broadcast_in_dim3A_150] : memref<64x128xf32, #tpu.memory_space<vmem>>[vector<16xi32>, vector<16xi32>], vector<16xf32>,
        %broadcast_in_dim3A_152 = arith.constant 5 : i32
        %broadcast_in_dim3A_153 = vector.broadcast %broadcast_in_dim3A_152 : i32 to vector<16xi32>
        %gather3A_154 = tpu.vector_load_idx %arg10[%add3A_81, %broadcast_in_dim3A_153] : memref<64x16xf32, #tpu.memory_space<vmem>>[vector<16xi32>, vector<16xi32>], vector<16xf32>,
        %add3A_155 = arith.addf %gather3A_151, %gather3A_154 : vector<16xf32>
        %mul3A_156 = arith.constant 2.000000e-01 : f32
        %mul3A_157 = vector.broadcast %mul3A_156 : f32 to vector<16xf32>
        %mul3A_158 = arith.mulf %mul3A_157, %add3A_155 : vector<16xf32>
        %max3A_159 = arith.maximumf %add3A_155, %mul3A_158 : vector<16xf32>
        %exp3A_160 = math.exp %max3A_159 : vector<16xf32>
        %broadcast_in_dim3A_161 = arith.constant 69 : i32
        %broadcast_in_dim3A_162 = vector.broadcast %broadcast_in_dim3A_161 : i32 to vector<16xi32>
        tpu.vector_store_idx %arg11[%add3A_81, %broadcast_in_dim3A_162], %exp3A_160 : memref<64x80xf32, #tpu.memory_space<vmem>>[vector<16xi32>, vector<16xi32>], vector<16xf32>,
        %broadcast_in_dim3A_163 = arith.constant 70 : i32
        %broadcast_in_dim3A_164 = vector.broadcast %broadcast_in_dim3A_163 : i32 to vector<16xi32>
        %gather3A_165 = tpu.vector_load_idx %arg9[%add3A_81, %broadcast_in_dim3A_164] : memref<64x128xf32, #tpu.memory_space<vmem>>[vector<16xi32>, vector<16xi32>], vector<16xf32>,
        %broadcast_in_dim3A_166 = arith.constant 6 : i32
        %broadcast_in_dim3A_167 = vector.broadcast %broadcast_in_dim3A_166 : i32 to vector<16xi32>
        %gather3A_168 = tpu.vector_load_idx %arg10[%add3A_81, %broadcast_in_dim3A_167] : memref<64x16xf32, #tpu.memory_space<vmem>>[vector<16xi32>, vector<16xi32>], vector<16xf32>,
        %add3A_169 = arith.addf %gather3A_165, %gather3A_168 : vector<16xf32>
        %mul3A_170 = arith.constant 2.000000e-01 : f32
        %mul3A_171 = vector.broadcast %mul3A_170 : f32 to vector<16xf32>
        %mul3A_172 = arith.mulf %mul3A_171, %add3A_169 : vector<16xf32>
        %max3A_173 = arith.maximumf %add3A_169, %mul3A_172 : vector<16xf32>
        %exp3A_174 = math.exp %max3A_173 : vector<16xf32>
        %broadcast_in_dim3A_175 = arith.constant 70 : i32
        %broadcast_in_dim3A_176 = vector.broadcast %broadcast_in_dim3A_175 : i32 to vector<16xi32>
        tpu.vector_store_idx %arg11[%add3A_81, %broadcast_in_dim3A_176], %exp3A_174 : memref<64x80xf32, #tpu.memory_space<vmem>>[vector<16xi32>, vector<16xi32>], vector<16xf32>,
        %broadcast_in_dim3A_177 = arith.constant 71 : i32
        %broadcast_in_dim3A_178 = vector.broadcast %broadcast_in_dim3A_177 : i32 to vector<16xi32>
        %gather3A_179 = tpu.vector_load_idx %arg9[%add3A_81, %broadcast_in_dim3A_178] : memref<64x128xf32, #tpu.memory_space<vmem>>[vector<16xi32>, vector<16xi32>], vector<16xf32>,
        %broadcast_in_dim3A_180 = arith.constant 7 : i32
        %broadcast_in_dim3A_181 = vector.broadcast %broadcast_in_dim3A_180 : i32 to vector<16xi32>
        %gather3A_182 = tpu.vector_load_idx %arg10[%add3A_81, %broadcast_in_dim3A_181] : memref<64x16xf32, #tpu.memory_space<vmem>>[vector<16xi32>, vector<16xi32>], vector<16xf32>,
        %add3A_183 = arith.addf %gather3A_179, %gather3A_182 : vector<16xf32>
        %mul3A_184 = arith.constant 2.000000e-01 : f32
        %mul3A_185 = vector.broadcast %mul3A_184 : f32 to vector<16xf32>
        %mul3A_186 = arith.mulf %mul3A_185, %add3A_183 : vector<16xf32>
        %max3A_187 = arith.maximumf %add3A_183, %mul3A_186 : vector<16xf32>
        %exp3A_188 = math.exp %max3A_187 : vector<16xf32>
        %broadcast_in_dim3A_189 = arith.constant 71 : i32
        %broadcast_in_dim3A_190 = vector.broadcast %broadcast_in_dim3A_189 : i32 to vector<16xi32>
        tpu.vector_store_idx %arg11[%add3A_81, %broadcast_in_dim3A_190], %exp3A_188 : memref<64x80xf32, #tpu.memory_space<vmem>>[vector<16xi32>, vector<16xi32>], vector<16xf32>,
        %broadcast_in_dim3A_191 = arith.constant 0 : i32
        %broadcast_in_dim3A_192 = vector.broadcast %broadcast_in_dim3A_191 : i32 to vector<16xi32>
        %gather3A_193 = tpu.vector_load_idx %arg9[%add3A_81, %broadcast_in_dim3A_192] : memref<64x128xf32, #tpu.memory_space<vmem>>[vector<16xi32>, vector<16xi32>], vector<16xf32>,
        %broadcast_in_dim3A_194 = arith.constant 0 : i32
        %broadcast_in_dim3A_195 = vector.broadcast %broadcast_in_dim3A_194 : i32 to vector<16xi32>
        %mul3A_196 = arith.mulf %gather3A_193, %exp3A : vector<16xf32>
        tpu.vector_store_idx %arg11[%add3A_81, %broadcast_in_dim3A_195], %mul3A_196 : memref<64x80xf32, #tpu.memory_space<vmem>>[vector<16xi32>, vector<16xi32>], vector<16xf32>,
        %broadcast_in_dim3A_197 = arith.constant 1 : i32
        %broadcast_in_dim3A_198 = vector.broadcast %broadcast_in_dim3A_197 : i32 to vector<16xi32>
        %gather3A_199 = tpu.vector_load_idx %arg9[%add3A_81, %broadcast_in_dim3A_198] : memref<64x128xf32, #tpu.memory_space<vmem>>[vector<16xi32>, vector<16xi32>], vector<16xf32>,
        %broadcast_in_dim3A_200 = arith.constant 1 : i32
        %broadcast_in_dim3A_201 = vector.broadcast %broadcast_in_dim3A_200 : i32 to vector<16xi32>
        %mul3A_202 = arith.mulf %gather3A_199, %exp3A : vector<16xf32>
        tpu.vector_store_idx %arg11[%add3A_81, %broadcast_in_dim3A_201], %mul3A_202 : memref<64x80xf32, #tpu.memory_space<vmem>>[vector<16xi32>, vector<16xi32>], vector<16xf32>,
        %broadcast_in_dim3A_203 = arith.constant 2 : i32
        %broadcast_in_dim3A_204 = vector.broadcast %broadcast_in_dim3A_203 : i32 to vector<16xi32>
        %gather3A_205 = tpu.vector_load_idx %arg9[%add3A_81, %broadcast_in_dim3A_204] : memref<64x128xf32, #tpu.memory_space<vmem>>[vector<16xi32>, vector<16xi32>], vector<16xf32>,
        %broadcast_in_dim3A_206 = arith.constant 2 : i32
        %broadcast_in_dim3A_207 = vector.broadcast %broadcast_in_dim3A_206 : i32 to vector<16xi32>
        %mul3A_208 = arith.mulf %gather3A_205, %exp3A : vector<16xf32>
        tpu.vector_store_idx %arg11[%add3A_81, %broadcast_in_dim3A_207], %mul3A_208 : memref<64x80xf32, #tpu.memory_space<vmem>>[vector<16xi32>, vector<16xi32>], vector<16xf32>,
        %broadcast_in_dim3A_209 = arith.constant 3 : i32
        %broadcast_in_dim3A_210 = vector.broadcast %broadcast_in_dim3A_209 : i32 to vector<16xi32>
        %gather3A_211 = tpu.vector_load_idx %arg9[%add3A_81, %broadcast_in_dim3A_210] : memref<64x128xf32, #tpu.memory_space<vmem>>[vector<16xi32>, vector<16xi32>], vector<16xf32>,
        %broadcast_in_dim3A_212 = arith.constant 3 : i32
        %broadcast_in_dim3A_213 = vector.broadcast %broadcast_in_dim3A_212 : i32 to vector<16xi32>
        %mul3A_214 = arith.mulf %gather3A_211, %exp3A : vector<16xf32>
        tpu.vector_store_idx %arg11[%add3A_81, %broadcast_in_dim3A_213], %mul3A_214 : memref<64x80xf32, #tpu.memory_space<vmem>>[vector<16xi32>, vector<16xi32>], vector<16xf32>,
        %broadcast_in_dim3A_215 = arith.constant 4 : i32
        %broadcast_in_dim3A_216 = vector.broadcast %broadcast_in_dim3A_215 : i32 to vector<16xi32>
        %gather3A_217 = tpu.vector_load_idx %arg9[%add3A_81, %broadcast_in_dim3A_216] : memref<64x128xf32, #tpu.memory_space<vmem>>[vector<16xi32>, vector<16xi32>], vector<16xf32>,
        %broadcast_in_dim3A_218 = arith.constant 4 : i32
        %broadcast_in_dim3A_219 = vector.broadcast %broadcast_in_dim3A_218 : i32 to vector<16xi32>
        %mul3A_220 = arith.mulf %gather3A_217, %exp3A : vector<16xf32>
        tpu.vector_store_idx %arg11[%add3A_81, %broadcast_in_dim3A_219], %mul3A_220 : memref<64x80xf32, #tpu.memory_space<vmem>>[vector<16xi32>, vector<16xi32>], vector<16xf32>,
        %broadcast_in_dim3A_221 = arith.constant 5 : i32
        %broadcast_in_dim3A_222 = vector.broadcast %broadcast_in_dim3A_221 : i32 to vector<16xi32>
        %gather3A_223 = tpu.vector_load_idx %arg9[%add3A_81, %broadcast_in_dim3A_222] : memref<64x128xf32, #tpu.memory_space<vmem>>[vector<16xi32>, vector<16xi32>], vector<16xf32>,
        %broadcast_in_dim3A_224 = arith.constant 5 : i32
        %broadcast_in_dim3A_225 = vector.broadcast %broadcast_in_dim3A_224 : i32 to vector<16xi32>
        %mul3A_226 = arith.mulf %gather3A_223, %exp3A : vector<16xf32>
        tpu.vector_store_idx %arg11[%add3A_81, %broadcast_in_dim3A_225], %mul3A_226 : memref<64x80xf32, #tpu.memory_space<vmem>>[vector<16xi32>, vector<16xi32>], vector<16xf32>,
        %broadcast_in_dim3A_227 = arith.constant 6 : i32
        %broadcast_in_dim3A_228 = vector.broadcast %broadcast_in_dim3A_227 : i32 to vector<16xi32>
        %gather3A_229 = tpu.vector_load_idx %arg9[%add3A_81, %broadcast_in_dim3A_228] : memref<64x128xf32, #tpu.memory_space<vmem>>[vector<16xi32>, vector<16xi32>], vector<16xf32>,
        %broadcast_in_dim3A_230 = arith.constant 6 : i32
        %broadcast_in_dim3A_231 = vector.broadcast %broadcast_in_dim3A_230 : i32 to vector<16xi32>
        %mul3A_232 = arith.mulf %gather3A_229, %exp3A : vector<16xf32>
        tpu.vector_store_idx %arg11[%add3A_81, %broadcast_in_dim3A_231], %mul3A_232 : memref<64x80xf32, #tpu.memory_space<vmem>>[vector<16xi32>, vector<16xi32>], vector<16xf32>,
        %broadcast_in_dim3A_233 = arith.constant 7 : i32
        %broadcast_in_dim3A_234 = vector.broadcast %broadcast_in_dim3A_233 : i32 to vector<16xi32>
        %gather3A_235 = tpu.vector_load_idx %arg9[%add3A_81, %broadcast_in_dim3A_234] : memref<64x128xf32, #tpu.memory_space<vmem>>[vector<16xi32>, vector<16xi32>], vector<16xf32>,
        %broadcast_in_dim3A_236 = arith.constant 7 : i32
        %broadcast_in_dim3A_237 = vector.broadcast %broadcast_in_dim3A_236 : i32 to vector<16xi32>
        %mul3A_238 = arith.mulf %gather3A_235, %exp3A : vector<16xf32>
        tpu.vector_store_idx %arg11[%add3A_81, %broadcast_in_dim3A_237], %mul3A_238 : memref<64x80xf32, #tpu.memory_space<vmem>>[vector<16xi32>, vector<16xi32>], vector<16xf32>,
        %broadcast_in_dim3A_239 = arith.constant 8 : i32
        %broadcast_in_dim3A_240 = vector.broadcast %broadcast_in_dim3A_239 : i32 to vector<16xi32>
        %gather3A_241 = tpu.vector_load_idx %arg9[%add3A_81, %broadcast_in_dim3A_240] : memref<64x128xf32, #tpu.memory_space<vmem>>[vector<16xi32>, vector<16xi32>], vector<16xf32>,
        %broadcast_in_dim3A_242 = arith.constant 8 : i32
        %broadcast_in_dim3A_243 = vector.broadcast %broadcast_in_dim3A_242 : i32 to vector<16xi32>
        %mul3A_244 = arith.mulf %gather3A_241, %exp3A_104 : vector<16xf32>
        tpu.vector_store_idx %arg11[%add3A_81, %broadcast_in_dim3A_243], %mul3A_244 : memref<64x80xf32, #tpu.memory_space<vmem>>[vector<16xi32>, vector<16xi32>], vector<16xf32>,
        %broadcast_in_dim3A_245 = arith.constant 9 : i32
        %broadcast_in_dim3A_246 = vector.broadcast %broadcast_in_dim3A_245 : i32 to vector<16xi32>
        %gather3A_247 = tpu.vector_load_idx %arg9[%add3A_81, %broadcast_in_dim3A_246] : memref<64x128xf32, #tpu.memory_space<vmem>>[vector<16xi32>, vector<16xi32>], vector<16xf32>,
        %broadcast_in_dim3A_248 = arith.constant 9 : i32
        %broadcast_in_dim3A_249 = vector.broadcast %broadcast_in_dim3A_248 : i32 to vector<16xi32>
        %mul3A_250 = arith.mulf %gather3A_247, %exp3A_104 : vector<16xf32>
        tpu.vector_store_idx %arg11[%add3A_81, %broadcast_in_dim3A_249], %mul3A_250 : memref<64x80xf32, #tpu.memory_space<vmem>>[vector<16xi32>, vector<16xi32>], vector<16xf32>,
        %broadcast_in_dim3A_251 = arith.constant 10 : i32
        %broadcast_in_dim3A_252 = vector.broadcast %broadcast_in_dim3A_251 : i32 to vector<16xi32>
        %gather3A_253 = tpu.vector_load_idx %arg9[%add3A_81, %broadcast_in_dim3A_252] : memref<64x128xf32, #tpu.memory_space<vmem>>[vector<16xi32>, vector<16xi32>], vector<16xf32>,
        %broadcast_in_dim3A_254 = arith.constant 10 : i32
        %broadcast_in_dim3A_255 = vector.broadcast %broadcast_in_dim3A_254 : i32 to vector<16xi32>
        %mul3A_256 = arith.mulf %gather3A_253, %exp3A_104 : vector<16xf32>
        tpu.vector_store_idx %arg11[%add3A_81, %broadcast_in_dim3A_255], %mul3A_256 : memref<64x80xf32, #tpu.memory_space<vmem>>[vector<16xi32>, vector<16xi32>], vector<16xf32>,
        %broadcast_in_dim3A_257 = arith.constant 11 : i32
        %broadcast_in_dim3A_258 = vector.broadcast %broadcast_in_dim3A_257 : i32 to vector<16xi32>
        %gather3A_259 = tpu.vector_load_idx %arg9[%add3A_81, %broadcast_in_dim3A_258] : memref<64x128xf32, #tpu.memory_space<vmem>>[vector<16xi32>, vector<16xi32>], vector<16xf32>,
        %broadcast_in_dim3A_260 = arith.constant 11 : i32
        %broadcast_in_dim3A_261 = vector.broadcast %broadcast_in_dim3A_260 : i32 to vector<16xi32>
        %mul3A_262 = arith.mulf %gather3A_259, %exp3A_104 : vector<16xf32>
        tpu.vector_store_idx %arg11[%add3A_81, %broadcast_in_dim3A_261], %mul3A_262 : memref<64x80xf32, #tpu.memory_space<vmem>>[vector<16xi32>, vector<16xi32>], vector<16xf32>,
        %broadcast_in_dim3A_263 = arith.constant 12 : i32
        %broadcast_in_dim3A_264 = vector.broadcast %broadcast_in_dim3A_263 : i32 to vector<16xi32>
        %gather3A_265 = tpu.vector_load_idx %arg9[%add3A_81, %broadcast_in_dim3A_264] : memref<64x128xf32, #tpu.memory_space<vmem>>[vector<16xi32>, vector<16xi32>], vector<16xf32>,
        %broadcast_in_dim3A_266 = arith.constant 12 : i32
        %broadcast_in_dim3A_267 = vector.broadcast %broadcast_in_dim3A_266 : i32 to vector<16xi32>
        %mul3A_268 = arith.mulf %gather3A_265, %exp3A_104 : vector<16xf32>
        tpu.vector_store_idx %arg11[%add3A_81, %broadcast_in_dim3A_267], %mul3A_268 : memref<64x80xf32, #tpu.memory_space<vmem>>[vector<16xi32>, vector<16xi32>], vector<16xf32>,
        %broadcast_in_dim3A_269 = arith.constant 13 : i32
        %broadcast_in_dim3A_270 = vector.broadcast %broadcast_in_dim3A_269 : i32 to vector<16xi32>
        %gather3A_271 = tpu.vector_load_idx %arg9[%add3A_81, %broadcast_in_dim3A_270] : memref<64x128xf32, #tpu.memory_space<vmem>>[vector<16xi32>, vector<16xi32>], vector<16xf32>,
        %broadcast_in_dim3A_272 = arith.constant 13 : i32
        %broadcast_in_dim3A_273 = vector.broadcast %broadcast_in_dim3A_272 : i32 to vector<16xi32>
        %mul3A_274 = arith.mulf %gather3A_271, %exp3A_104 : vector<16xf32>
        tpu.vector_store_idx %arg11[%add3A_81, %broadcast_in_dim3A_273], %mul3A_274 : memref<64x80xf32, #tpu.memory_space<vmem>>[vector<16xi32>, vector<16xi32>], vector<16xf32>,
        %broadcast_in_dim3A_275 = arith.constant 14 : i32
        %broadcast_in_dim3A_276 = vector.broadcast %broadcast_in_dim3A_275 : i32 to vector<16xi32>
        %gather3A_277 = tpu.vector_load_idx %arg9[%add3A_81, %broadcast_in_dim3A_276] : memref<64x128xf32, #tpu.memory_space<vmem>>[vector<16xi32>, vector<16xi32>], vector<16xf32>,
        %broadcast_in_dim3A_278 = arith.constant 14 : i32
        %broadcast_in_dim3A_279 = vector.broadcast %broadcast_in_dim3A_278 : i32 to vector<16xi32>
        %mul3A_280 = arith.mulf %gather3A_277, %exp3A_104 : vector<16xf32>
        tpu.vector_store_idx %arg11[%add3A_81, %broadcast_in_dim3A_279], %mul3A_280 : memref<64x80xf32, #tpu.memory_space<vmem>>[vector<16xi32>, vector<16xi32>], vector<16xf32>,
        %broadcast_in_dim3A_281 = arith.constant 15 : i32
        %broadcast_in_dim3A_282 = vector.broadcast %broadcast_in_dim3A_281 : i32 to vector<16xi32>
        %gather3A_283 = tpu.vector_load_idx %arg9[%add3A_81, %broadcast_in_dim3A_282] : memref<64x128xf32, #tpu.memory_space<vmem>>[vector<16xi32>, vector<16xi32>], vector<16xf32>,
        %broadcast_in_dim3A_284 = arith.constant 15 : i32
        %broadcast_in_dim3A_285 = vector.broadcast %broadcast_in_dim3A_284 : i32 to vector<16xi32>
        %mul3A_286 = arith.mulf %gather3A_283, %exp3A_104 : vector<16xf32>
        tpu.vector_store_idx %arg11[%add3A_81, %broadcast_in_dim3A_285], %mul3A_286 : memref<64x80xf32, #tpu.memory_space<vmem>>[vector<16xi32>, vector<16xi32>], vector<16xf32>,
        %broadcast_in_dim3A_287 = arith.constant 16 : i32
        %broadcast_in_dim3A_288 = vector.broadcast %broadcast_in_dim3A_287 : i32 to vector<16xi32>
        %gather3A_289 = tpu.vector_load_idx %arg9[%add3A_81, %broadcast_in_dim3A_288] : memref<64x128xf32, #tpu.memory_space<vmem>>[vector<16xi32>, vector<16xi32>], vector<16xf32>,
        %broadcast_in_dim3A_290 = arith.constant 16 : i32
        %broadcast_in_dim3A_291 = vector.broadcast %broadcast_in_dim3A_290 : i32 to vector<16xi32>
        %mul3A_292 = arith.mulf %gather3A_289, %exp3A_118 : vector<16xf32>
        tpu.vector_store_idx %arg11[%add3A_81, %broadcast_in_dim3A_291], %mul3A_292 : memref<64x80xf32, #tpu.memory_space<vmem>>[vector<16xi32>, vector<16xi32>], vector<16xf32>,
        %broadcast_in_dim3A_293 = arith.constant 17 : i32
        %broadcast_in_dim3A_294 = vector.broadcast %broadcast_in_dim3A_293 : i32 to vector<16xi32>
        %gather3A_295 = tpu.vector_load_idx %arg9[%add3A_81, %broadcast_in_dim3A_294] : memref<64x128xf32, #tpu.memory_space<vmem>>[vector<16xi32>, vector<16xi32>], vector<16xf32>,
        %broadcast_in_dim3A_296 = arith.constant 17 : i32
        %broadcast_in_dim3A_297 = vector.broadcast %broadcast_in_dim3A_296 : i32 to vector<16xi32>
        %mul3A_298 = arith.mulf %gather3A_295, %exp3A_118 : vector<16xf32>
        tpu.vector_store_idx %arg11[%add3A_81, %broadcast_in_dim3A_297], %mul3A_298 : memref<64x80xf32, #tpu.memory_space<vmem>>[vector<16xi32>, vector<16xi32>], vector<16xf32>,
        %broadcast_in_dim3A_299 = arith.constant 18 : i32
        %broadcast_in_dim3A_300 = vector.broadcast %broadcast_in_dim3A_299 : i32 to vector<16xi32>
        %gather3A_301 = tpu.vector_load_idx %arg9[%add3A_81, %broadcast_in_dim3A_300] : memref<64x128xf32, #tpu.memory_space<vmem>>[vector<16xi32>, vector<16xi32>], vector<16xf32>,
        %broadcast_in_dim3A_302 = arith.constant 18 : i32
        %broadcast_in_dim3A_303 = vector.broadcast %broadcast_in_dim3A_302 : i32 to vector<16xi32>
        %mul3A_304 = arith.mulf %gather3A_301, %exp3A_118 : vector<16xf32>
        tpu.vector_store_idx %arg11[%add3A_81, %broadcast_in_dim3A_303], %mul3A_304 : memref<64x80xf32, #tpu.memory_space<vmem>>[vector<16xi32>, vector<16xi32>], vector<16xf32>,
        %broadcast_in_dim3A_305 = arith.constant 19 : i32
        %broadcast_in_dim3A_306 = vector.broadcast %broadcast_in_dim3A_305 : i32 to vector<16xi32>
        %gather3A_307 = tpu.vector_load_idx %arg9[%add3A_81, %broadcast_in_dim3A_306] : memref<64x128xf32, #tpu.memory_space<vmem>>[vector<16xi32>, vector<16xi32>], vector<16xf32>,
        %broadcast_in_dim3A_308 = arith.constant 19 : i32
        %broadcast_in_dim3A_309 = vector.broadcast %broadcast_in_dim3A_308 : i32 to vector<16xi32>
        %mul3A_310 = arith.mulf %gather3A_307, %exp3A_118 : vector<16xf32>
        tpu.vector_store_idx %arg11[%add3A_81, %broadcast_in_dim3A_309], %mul3A_310 : memref<64x80xf32, #tpu.memory_space<vmem>>[vector<16xi32>, vector<16xi32>], vector<16xf32>,
        %broadcast_in_dim3A_311 = arith.constant 20 : i32
        %broadcast_in_dim3A_312 = vector.broadcast %broadcast_in_dim3A_311 : i32 to vector<16xi32>
        %gather3A_313 = tpu.vector_load_idx %arg9[%add3A_81, %broadcast_in_dim3A_312] : memref<64x128xf32, #tpu.memory_space<vmem>>[vector<16xi32>, vector<16xi32>], vector<16xf32>,
        %broadcast_in_dim3A_314 = arith.constant 20 : i32
        %broadcast_in_dim3A_315 = vector.broadcast %broadcast_in_dim3A_314 : i32 to vector<16xi32>
        %mul3A_316 = arith.mulf %gather3A_313, %exp3A_118 : vector<16xf32>
        tpu.vector_store_idx %arg11[%add3A_81, %broadcast_in_dim3A_315], %mul3A_316 : memref<64x80xf32, #tpu.memory_space<vmem>>[vector<16xi32>, vector<16xi32>], vector<16xf32>,
        %broadcast_in_dim3A_317 = arith.constant 21 : i32
        %broadcast_in_dim3A_318 = vector.broadcast %broadcast_in_dim3A_317 : i32 to vector<16xi32>
        %gather3A_319 = tpu.vector_load_idx %arg9[%add3A_81, %broadcast_in_dim3A_318] : memref<64x128xf32, #tpu.memory_space<vmem>>[vector<16xi32>, vector<16xi32>], vector<16xf32>,
        %broadcast_in_dim3A_320 = arith.constant 21 : i32
        %broadcast_in_dim3A_321 = vector.broadcast %broadcast_in_dim3A_320 : i32 to vector<16xi32>
        %mul3A_322 = arith.mulf %gather3A_319, %exp3A_118 : vector<16xf32>
        tpu.vector_store_idx %arg11[%add3A_81, %broadcast_in_dim3A_321], %mul3A_322 : memref<64x80xf32, #tpu.memory_space<vmem>>[vector<16xi32>, vector<16xi32>], vector<16xf32>,
        %broadcast_in_dim3A_323 = arith.constant 22 : i32
        %broadcast_in_dim3A_324 = vector.broadcast %broadcast_in_dim3A_323 : i32 to vector<16xi32>
        %gather3A_325 = tpu.vector_load_idx %arg9[%add3A_81, %broadcast_in_dim3A_324] : memref<64x128xf32, #tpu.memory_space<vmem>>[vector<16xi32>, vector<16xi32>], vector<16xf32>,
        %broadcast_in_dim3A_326 = arith.constant 22 : i32
        %broadcast_in_dim3A_327 = vector.broadcast %broadcast_in_dim3A_326 : i32 to vector<16xi32>
        %mul3A_328 = arith.mulf %gather3A_325, %exp3A_118 : vector<16xf32>
        tpu.vector_store_idx %arg11[%add3A_81, %broadcast_in_dim3A_327], %mul3A_328 : memref<64x80xf32, #tpu.memory_space<vmem>>[vector<16xi32>, vector<16xi32>], vector<16xf32>,
        %broadcast_in_dim3A_329 = arith.constant 23 : i32
        %broadcast_in_dim3A_330 = vector.broadcast %broadcast_in_dim3A_329 : i32 to vector<16xi32>
        %gather3A_331 = tpu.vector_load_idx %arg9[%add3A_81, %broadcast_in_dim3A_330] : memref<64x128xf32, #tpu.memory_space<vmem>>[vector<16xi32>, vector<16xi32>], vector<16xf32>,
        %broadcast_in_dim3A_332 = arith.constant 23 : i32
        %broadcast_in_dim3A_333 = vector.broadcast %broadcast_in_dim3A_332 : i32 to vector<16xi32>
        %mul3A_334 = arith.mulf %gather3A_331, %exp3A_118 : vector<16xf32>
        tpu.vector_store_idx %arg11[%add3A_81, %broadcast_in_dim3A_333], %mul3A_334 : memref<64x80xf32, #tpu.memory_space<vmem>>[vector<16xi32>, vector<16xi32>], vector<16xf32>,
        %broadcast_in_dim3A_335 = arith.constant 24 : i32
        %broadcast_in_dim3A_336 = vector.broadcast %broadcast_in_dim3A_335 : i32 to vector<16xi32>
        %gather3A_337 = tpu.vector_load_idx %arg9[%add3A_81, %broadcast_in_dim3A_336] : memref<64x128xf32, #tpu.memory_space<vmem>>[vector<16xi32>, vector<16xi32>], vector<16xf32>,
        %broadcast_in_dim3A_338 = arith.constant 24 : i32
        %broadcast_in_dim3A_339 = vector.broadcast %broadcast_in_dim3A_338 : i32 to vector<16xi32>
        %mul3A_340 = arith.mulf %gather3A_337, %exp3A_132 : vector<16xf32>
        tpu.vector_store_idx %arg11[%add3A_81, %broadcast_in_dim3A_339], %mul3A_340 : memref<64x80xf32, #tpu.memory_space<vmem>>[vector<16xi32>, vector<16xi32>], vector<16xf32>,
        %broadcast_in_dim3A_341 = arith.constant 25 : i32
        %broadcast_in_dim3A_342 = vector.broadcast %broadcast_in_dim3A_341 : i32 to vector<16xi32>
        %gather3A_343 = tpu.vector_load_idx %arg9[%add3A_81, %broadcast_in_dim3A_342] : memref<64x128xf32, #tpu.memory_space<vmem>>[vector<16xi32>, vector<16xi32>], vector<16xf32>,
        %broadcast_in_dim3A_344 = arith.constant 25 : i32
        %broadcast_in_dim3A_345 = vector.broadcast %broadcast_in_dim3A_344 : i32 to vector<16xi32>
        %mul3A_346 = arith.mulf %gather3A_343, %exp3A_132 : vector<16xf32>
        tpu.vector_store_idx %arg11[%add3A_81, %broadcast_in_dim3A_345], %mul3A_346 : memref<64x80xf32, #tpu.memory_space<vmem>>[vector<16xi32>, vector<16xi32>], vector<16xf32>,
        %broadcast_in_dim3A_347 = arith.constant 26 : i32
        %broadcast_in_dim3A_348 = vector.broadcast %broadcast_in_dim3A_347 : i32 to vector<16xi32>
        %gather3A_349 = tpu.vector_load_idx %arg9[%add3A_81, %broadcast_in_dim3A_348] : memref<64x128xf32, #tpu.memory_space<vmem>>[vector<16xi32>, vector<16xi32>], vector<16xf32>,
        %broadcast_in_dim3A_350 = arith.constant 26 : i32
        %broadcast_in_dim3A_351 = vector.broadcast %broadcast_in_dim3A_350 : i32 to vector<16xi32>
        %mul3A_352 = arith.mulf %gather3A_349, %exp3A_132 : vector<16xf32>
        tpu.vector_store_idx %arg11[%add3A_81, %broadcast_in_dim3A_351], %mul3A_352 : memref<64x80xf32, #tpu.memory_space<vmem>>[vector<16xi32>, vector<16xi32>], vector<16xf32>,
        %broadcast_in_dim3A_353 = arith.constant 27 : i32
        %broadcast_in_dim3A_354 = vector.broadcast %broadcast_in_dim3A_353 : i32 to vector<16xi32>
        %gather3A_355 = tpu.vector_load_idx %arg9[%add3A_81, %broadcast_in_dim3A_354] : memref<64x128xf32, #tpu.memory_space<vmem>>[vector<16xi32>, vector<16xi32>], vector<16xf32>,
        %broadcast_in_dim3A_356 = arith.constant 27 : i32
        %broadcast_in_dim3A_357 = vector.broadcast %broadcast_in_dim3A_356 : i32 to vector<16xi32>
        %mul3A_358 = arith.mulf %gather3A_355, %exp3A_132 : vector<16xf32>
        tpu.vector_store_idx %arg11[%add3A_81, %broadcast_in_dim3A_357], %mul3A_358 : memref<64x80xf32, #tpu.memory_space<vmem>>[vector<16xi32>, vector<16xi32>], vector<16xf32>,
        %broadcast_in_dim3A_359 = arith.constant 28 : i32
        %broadcast_in_dim3A_360 = vector.broadcast %broadcast_in_dim3A_359 : i32 to vector<16xi32>
        %gather3A_361 = tpu.vector_load_idx %arg9[%add3A_81, %broadcast_in_dim3A_360] : memref<64x128xf32, #tpu.memory_space<vmem>>[vector<16xi32>, vector<16xi32>], vector<16xf32>,
        %broadcast_in_dim3A_362 = arith.constant 28 : i32
        %broadcast_in_dim3A_363 = vector.broadcast %broadcast_in_dim3A_362 : i32 to vector<16xi32>
        %mul3A_364 = arith.mulf %gather3A_361, %exp3A_132 : vector<16xf32>
        tpu.vector_store_idx %arg11[%add3A_81, %broadcast_in_dim3A_363], %mul3A_364 : memref<64x80xf32, #tpu.memory_space<vmem>>[vector<16xi32>, vector<16xi32>], vector<16xf32>,
        %broadcast_in_dim3A_365 = arith.constant 29 : i32
        %broadcast_in_dim3A_366 = vector.broadcast %broadcast_in_dim3A_365 : i32 to vector<16xi32>
        %gather3A_367 = tpu.vector_load_idx %arg9[%add3A_81, %broadcast_in_dim3A_366] : memref<64x128xf32, #tpu.memory_space<vmem>>[vector<16xi32>, vector<16xi32>], vector<16xf32>,
        %broadcast_in_dim3A_368 = arith.constant 29 : i32
        %broadcast_in_dim3A_369 = vector.broadcast %broadcast_in_dim3A_368 : i32 to vector<16xi32>
        %mul3A_370 = arith.mulf %gather3A_367, %exp3A_132 : vector<16xf32>
        tpu.vector_store_idx %arg11[%add3A_81, %broadcast_in_dim3A_369], %mul3A_370 : memref<64x80xf32, #tpu.memory_space<vmem>>[vector<16xi32>, vector<16xi32>], vector<16xf32>,
        %broadcast_in_dim3A_371 = arith.constant 30 : i32
        %broadcast_in_dim3A_372 = vector.broadcast %broadcast_in_dim3A_371 : i32 to vector<16xi32>
        %gather3A_373 = tpu.vector_load_idx %arg9[%add3A_81, %broadcast_in_dim3A_372] : memref<64x128xf32, #tpu.memory_space<vmem>>[vector<16xi32>, vector<16xi32>], vector<16xf32>,
        %broadcast_in_dim3A_374 = arith.constant 30 : i32
        %broadcast_in_dim3A_375 = vector.broadcast %broadcast_in_dim3A_374 : i32 to vector<16xi32>
        %mul3A_376 = arith.mulf %gather3A_373, %exp3A_132 : vector<16xf32>
        tpu.vector_store_idx %arg11[%add3A_81, %broadcast_in_dim3A_375], %mul3A_376 : memref<64x80xf32, #tpu.memory_space<vmem>>[vector<16xi32>, vector<16xi32>], vector<16xf32>,
        %broadcast_in_dim3A_377 = arith.constant 31 : i32
        %broadcast_in_dim3A_378 = vector.broadcast %broadcast_in_dim3A_377 : i32 to vector<16xi32>
        %gather3A_379 = tpu.vector_load_idx %arg9[%add3A_81, %broadcast_in_dim3A_378] : memref<64x128xf32, #tpu.memory_space<vmem>>[vector<16xi32>, vector<16xi32>], vector<16xf32>,
        %broadcast_in_dim3A_380 = arith.constant 31 : i32
        %broadcast_in_dim3A_381 = vector.broadcast %broadcast_in_dim3A_380 : i32 to vector<16xi32>
        %mul3A_382 = arith.mulf %gather3A_379, %exp3A_132 : vector<16xf32>
        tpu.vector_store_idx %arg11[%add3A_81, %broadcast_in_dim3A_381], %mul3A_382 : memref<64x80xf32, #tpu.memory_space<vmem>>[vector<16xi32>, vector<16xi32>], vector<16xf32>,
        %broadcast_in_dim3A_383 = arith.constant 32 : i32
        %broadcast_in_dim3A_384 = vector.broadcast %broadcast_in_dim3A_383 : i32 to vector<16xi32>
        %gather3A_385 = tpu.vector_load_idx %arg9[%add3A_81, %broadcast_in_dim3A_384] : memref<64x128xf32, #tpu.memory_space<vmem>>[vector<16xi32>, vector<16xi32>], vector<16xf32>,
        %broadcast_in_dim3A_386 = arith.constant 32 : i32
        %broadcast_in_dim3A_387 = vector.broadcast %broadcast_in_dim3A_386 : i32 to vector<16xi32>
        %mul3A_388 = arith.mulf %gather3A_385, %exp3A_146 : vector<16xf32>
        tpu.vector_store_idx %arg11[%add3A_81, %broadcast_in_dim3A_387], %mul3A_388 : memref<64x80xf32, #tpu.memory_space<vmem>>[vector<16xi32>, vector<16xi32>], vector<16xf32>,
        %broadcast_in_dim3A_389 = arith.constant 33 : i32
        %broadcast_in_dim3A_390 = vector.broadcast %broadcast_in_dim3A_389 : i32 to vector<16xi32>
        %gather3A_391 = tpu.vector_load_idx %arg9[%add3A_81, %broadcast_in_dim3A_390] : memref<64x128xf32, #tpu.memory_space<vmem>>[vector<16xi32>, vector<16xi32>], vector<16xf32>,
        %broadcast_in_dim3A_392 = arith.constant 33 : i32
        %broadcast_in_dim3A_393 = vector.broadcast %broadcast_in_dim3A_392 : i32 to vector<16xi32>
        %mul3A_394 = arith.mulf %gather3A_391, %exp3A_146 : vector<16xf32>
        tpu.vector_store_idx %arg11[%add3A_81, %broadcast_in_dim3A_393], %mul3A_394 : memref<64x80xf32, #tpu.memory_space<vmem>>[vector<16xi32>, vector<16xi32>], vector<16xf32>,
        %broadcast_in_dim3A_395 = arith.constant 34 : i32
        %broadcast_in_dim3A_396 = vector.broadcast %broadcast_in_dim3A_395 : i32 to vector<16xi32>
        %gather3A_397 = tpu.vector_load_idx %arg9[%add3A_81, %broadcast_in_dim3A_396] : memref<64x128xf32, #tpu.memory_space<vmem>>[vector<16xi32>, vector<16xi32>], vector<16xf32>,
        %broadcast_in_dim3A_398 = arith.constant 34 : i32
        %broadcast_in_dim3A_399 = vector.broadcast %broadcast_in_dim3A_398 : i32 to vector<16xi32>
        %mul3A_400 = arith.mulf %gather3A_397, %exp3A_146 : vector<16xf32>
        tpu.vector_store_idx %arg11[%add3A_81, %broadcast_in_dim3A_399], %mul3A_400 : memref<64x80xf32, #tpu.memory_space<vmem>>[vector<16xi32>, vector<16xi32>], vector<16xf32>,
        %broadcast_in_dim3A_401 = arith.constant 35 : i32
        %broadcast_in_dim3A_402 = vector.broadcast %broadcast_in_dim3A_401 : i32 to vector<16xi32>
        %gather3A_403 = tpu.vector_load_idx %arg9[%add3A_81, %broadcast_in_dim3A_402] : memref<64x128xf32, #tpu.memory_space<vmem>>[vector<16xi32>, vector<16xi32>], vector<16xf32>,
        %broadcast_in_dim3A_404 = arith.constant 35 : i32
        %broadcast_in_dim3A_405 = vector.broadcast %broadcast_in_dim3A_404 : i32 to vector<16xi32>
        %mul3A_406 = arith.mulf %gather3A_403, %exp3A_146 : vector<16xf32>
        tpu.vector_store_idx %arg11[%add3A_81, %broadcast_in_dim3A_405], %mul3A_406 : memref<64x80xf32, #tpu.memory_space<vmem>>[vector<16xi32>, vector<16xi32>], vector<16xf32>,
        %broadcast_in_dim3A_407 = arith.constant 36 : i32
        %broadcast_in_dim3A_408 = vector.broadcast %broadcast_in_dim3A_407 : i32 to vector<16xi32>
        %gather3A_409 = tpu.vector_load_idx %arg9[%add3A_81, %broadcast_in_dim3A_408] : memref<64x128xf32, #tpu.memory_space<vmem>>[vector<16xi32>, vector<16xi32>], vector<16xf32>,
        %broadcast_in_dim3A_410 = arith.constant 36 : i32
        %broadcast_in_dim3A_411 = vector.broadcast %broadcast_in_dim3A_410 : i32 to vector<16xi32>
        %mul3A_412 = arith.mulf %gather3A_409, %exp3A_146 : vector<16xf32>
        tpu.vector_store_idx %arg11[%add3A_81, %broadcast_in_dim3A_411], %mul3A_412 : memref<64x80xf32, #tpu.memory_space<vmem>>[vector<16xi32>, vector<16xi32>], vector<16xf32>,
        %broadcast_in_dim3A_413 = arith.constant 37 : i32
        %broadcast_in_dim3A_414 = vector.broadcast %broadcast_in_dim3A_413 : i32 to vector<16xi32>
        %gather3A_415 = tpu.vector_load_idx %arg9[%add3A_81, %broadcast_in_dim3A_414] : memref<64x128xf32, #tpu.memory_space<vmem>>[vector<16xi32>, vector<16xi32>], vector<16xf32>,
        %broadcast_in_dim3A_416 = arith.constant 37 : i32
        %broadcast_in_dim3A_417 = vector.broadcast %broadcast_in_dim3A_416 : i32 to vector<16xi32>
        %mul3A_418 = arith.mulf %gather3A_415, %exp3A_146 : vector<16xf32>
        tpu.vector_store_idx %arg11[%add3A_81, %broadcast_in_dim3A_417], %mul3A_418 : memref<64x80xf32, #tpu.memory_space<vmem>>[vector<16xi32>, vector<16xi32>], vector<16xf32>,
        %broadcast_in_dim3A_419 = arith.constant 38 : i32
        %broadcast_in_dim3A_420 = vector.broadcast %broadcast_in_dim3A_419 : i32 to vector<16xi32>
        %gather3A_421 = tpu.vector_load_idx %arg9[%add3A_81, %broadcast_in_dim3A_420] : memref<64x128xf32, #tpu.memory_space<vmem>>[vector<16xi32>, vector<16xi32>], vector<16xf32>,
        %broadcast_in_dim3A_422 = arith.constant 38 : i32
        %broadcast_in_dim3A_423 = vector.broadcast %broadcast_in_dim3A_422 : i32 to vector<16xi32>
        %mul3A_424 = arith.mulf %gather3A_421, %exp3A_146 : vector<16xf32>
        tpu.vector_store_idx %arg11[%add3A_81, %broadcast_in_dim3A_423], %mul3A_424 : memref<64x80xf32, #tpu.memory_space<vmem>>[vector<16xi32>, vector<16xi32>], vector<16xf32>,
        %broadcast_in_dim3A_425 = arith.constant 39 : i32
        %broadcast_in_dim3A_426 = vector.broadcast %broadcast_in_dim3A_425 : i32 to vector<16xi32>
        %gather3A_427 = tpu.vector_load_idx %arg9[%add3A_81, %broadcast_in_dim3A_426] : memref<64x128xf32, #tpu.memory_space<vmem>>[vector<16xi32>, vector<16xi32>], vector<16xf32>,
        %broadcast_in_dim3A_428 = arith.constant 39 : i32
        %broadcast_in_dim3A_429 = vector.broadcast %broadcast_in_dim3A_428 : i32 to vector<16xi32>
        %mul3A_430 = arith.mulf %gather3A_427, %exp3A_146 : vector<16xf32>
        tpu.vector_store_idx %arg11[%add3A_81, %broadcast_in_dim3A_429], %mul3A_430 : memref<64x80xf32, #tpu.memory_space<vmem>>[vector<16xi32>, vector<16xi32>], vector<16xf32>,
        %broadcast_in_dim3A_431 = arith.constant 40 : i32
        %broadcast_in_dim3A_432 = vector.broadcast %broadcast_in_dim3A_431 : i32 to vector<16xi32>
        %gather3A_433 = tpu.vector_load_idx %arg9[%add3A_81, %broadcast_in_dim3A_432] : memref<64x128xf32, #tpu.memory_space<vmem>>[vector<16xi32>, vector<16xi32>], vector<16xf32>,
        %broadcast_in_dim3A_434 = arith.constant 40 : i32
        %broadcast_in_dim3A_435 = vector.broadcast %broadcast_in_dim3A_434 : i32 to vector<16xi32>
        %mul3A_436 = arith.mulf %gather3A_433, %exp3A_160 : vector<16xf32>
        tpu.vector_store_idx %arg11[%add3A_81, %broadcast_in_dim3A_435], %mul3A_436 : memref<64x80xf32, #tpu.memory_space<vmem>>[vector<16xi32>, vector<16xi32>], vector<16xf32>,
        %broadcast_in_dim3A_437 = arith.constant 41 : i32
        %broadcast_in_dim3A_438 = vector.broadcast %broadcast_in_dim3A_437 : i32 to vector<16xi32>
        %gather3A_439 = tpu.vector_load_idx %arg9[%add3A_81, %broadcast_in_dim3A_438] : memref<64x128xf32, #tpu.memory_space<vmem>>[vector<16xi32>, vector<16xi32>], vector<16xf32>,
        %broadcast_in_dim3A_440 = arith.constant 41 : i32
        %broadcast_in_dim3A_441 = vector.broadcast %broadcast_in_dim3A_440 : i32 to vector<16xi32>
        %mul3A_442 = arith.mulf %gather3A_439, %exp3A_160 : vector<16xf32>
        tpu.vector_store_idx %arg11[%add3A_81, %broadcast_in_dim3A_441], %mul3A_442 : memref<64x80xf32, #tpu.memory_space<vmem>>[vector<16xi32>, vector<16xi32>], vector<16xf32>,
        %broadcast_in_dim3A_443 = arith.constant 42 : i32
        %broadcast_in_dim3A_444 = vector.broadcast %broadcast_in_dim3A_443 : i32 to vector<16xi32>
        %gather3A_445 = tpu.vector_load_idx %arg9[%add3A_81, %broadcast_in_dim3A_444] : memref<64x128xf32, #tpu.memory_space<vmem>>[vector<16xi32>, vector<16xi32>], vector<16xf32>,
        %broadcast_in_dim3A_446 = arith.constant 42 : i32
        %broadcast_in_dim3A_447 = vector.broadcast %broadcast_in_dim3A_446 : i32 to vector<16xi32>
        %mul3A_448 = arith.mulf %gather3A_445, %exp3A_160 : vector<16xf32>
        tpu.vector_store_idx %arg11[%add3A_81, %broadcast_in_dim3A_447], %mul3A_448 : memref<64x80xf32, #tpu.memory_space<vmem>>[vector<16xi32>, vector<16xi32>], vector<16xf32>,
        %broadcast_in_dim3A_449 = arith.constant 43 : i32
        %broadcast_in_dim3A_450 = vector.broadcast %broadcast_in_dim3A_449 : i32 to vector<16xi32>
        %gather3A_451 = tpu.vector_load_idx %arg9[%add3A_81, %broadcast_in_dim3A_450] : memref<64x128xf32, #tpu.memory_space<vmem>>[vector<16xi32>, vector<16xi32>], vector<16xf32>,
        %broadcast_in_dim3A_452 = arith.constant 43 : i32
        %broadcast_in_dim3A_453 = vector.broadcast %broadcast_in_dim3A_452 : i32 to vector<16xi32>
        %mul3A_454 = arith.mulf %gather3A_451, %exp3A_160 : vector<16xf32>
        tpu.vector_store_idx %arg11[%add3A_81, %broadcast_in_dim3A_453], %mul3A_454 : memref<64x80xf32, #tpu.memory_space<vmem>>[vector<16xi32>, vector<16xi32>], vector<16xf32>,
        %broadcast_in_dim3A_455 = arith.constant 44 : i32
        %broadcast_in_dim3A_456 = vector.broadcast %broadcast_in_dim3A_455 : i32 to vector<16xi32>
        %gather3A_457 = tpu.vector_load_idx %arg9[%add3A_81, %broadcast_in_dim3A_456] : memref<64x128xf32, #tpu.memory_space<vmem>>[vector<16xi32>, vector<16xi32>], vector<16xf32>,
        %broadcast_in_dim3A_458 = arith.constant 44 : i32
        %broadcast_in_dim3A_459 = vector.broadcast %broadcast_in_dim3A_458 : i32 to vector<16xi32>
        %mul3A_460 = arith.mulf %gather3A_457, %exp3A_160 : vector<16xf32>
        tpu.vector_store_idx %arg11[%add3A_81, %broadcast_in_dim3A_459], %mul3A_460 : memref<64x80xf32, #tpu.memory_space<vmem>>[vector<16xi32>, vector<16xi32>], vector<16xf32>,
        %broadcast_in_dim3A_461 = arith.constant 45 : i32
        %broadcast_in_dim3A_462 = vector.broadcast %broadcast_in_dim3A_461 : i32 to vector<16xi32>
        %gather3A_463 = tpu.vector_load_idx %arg9[%add3A_81, %broadcast_in_dim3A_462] : memref<64x128xf32, #tpu.memory_space<vmem>>[vector<16xi32>, vector<16xi32>], vector<16xf32>,
        %broadcast_in_dim3A_464 = arith.constant 45 : i32
        %broadcast_in_dim3A_465 = vector.broadcast %broadcast_in_dim3A_464 : i32 to vector<16xi32>
        %mul3A_466 = arith.mulf %gather3A_463, %exp3A_160 : vector<16xf32>
        tpu.vector_store_idx %arg11[%add3A_81, %broadcast_in_dim3A_465], %mul3A_466 : memref<64x80xf32, #tpu.memory_space<vmem>>[vector<16xi32>, vector<16xi32>], vector<16xf32>,
        %broadcast_in_dim3A_467 = arith.constant 46 : i32
        %broadcast_in_dim3A_468 = vector.broadcast %broadcast_in_dim3A_467 : i32 to vector<16xi32>
        %gather3A_469 = tpu.vector_load_idx %arg9[%add3A_81, %broadcast_in_dim3A_468] : memref<64x128xf32, #tpu.memory_space<vmem>>[vector<16xi32>, vector<16xi32>], vector<16xf32>,
        %broadcast_in_dim3A_470 = arith.constant 46 : i32
        %broadcast_in_dim3A_471 = vector.broadcast %broadcast_in_dim3A_470 : i32 to vector<16xi32>
        %mul3A_472 = arith.mulf %gather3A_469, %exp3A_160 : vector<16xf32>
        tpu.vector_store_idx %arg11[%add3A_81, %broadcast_in_dim3A_471], %mul3A_472 : memref<64x80xf32, #tpu.memory_space<vmem>>[vector<16xi32>, vector<16xi32>], vector<16xf32>,
        %broadcast_in_dim3A_473 = arith.constant 47 : i32
        %broadcast_in_dim3A_474 = vector.broadcast %broadcast_in_dim3A_473 : i32 to vector<16xi32>
        %gather3A_475 = tpu.vector_load_idx %arg9[%add3A_81, %broadcast_in_dim3A_474] : memref<64x128xf32, #tpu.memory_space<vmem>>[vector<16xi32>, vector<16xi32>], vector<16xf32>,
        %broadcast_in_dim3A_476 = arith.constant 47 : i32
        %broadcast_in_dim3A_477 = vector.broadcast %broadcast_in_dim3A_476 : i32 to vector<16xi32>
        %mul3A_478 = arith.mulf %gather3A_475, %exp3A_160 : vector<16xf32>
        tpu.vector_store_idx %arg11[%add3A_81, %broadcast_in_dim3A_477], %mul3A_478 : memref<64x80xf32, #tpu.memory_space<vmem>>[vector<16xi32>, vector<16xi32>], vector<16xf32>,
        %broadcast_in_dim3A_479 = arith.constant 48 : i32
        %broadcast_in_dim3A_480 = vector.broadcast %broadcast_in_dim3A_479 : i32 to vector<16xi32>
        %gather3A_481 = tpu.vector_load_idx %arg9[%add3A_81, %broadcast_in_dim3A_480] : memref<64x128xf32, #tpu.memory_space<vmem>>[vector<16xi32>, vector<16xi32>], vector<16xf32>,
        %broadcast_in_dim3A_482 = arith.constant 48 : i32
        %broadcast_in_dim3A_483 = vector.broadcast %broadcast_in_dim3A_482 : i32 to vector<16xi32>
        %mul3A_484 = arith.mulf %gather3A_481, %exp3A_174 : vector<16xf32>
        tpu.vector_store_idx %arg11[%add3A_81, %broadcast_in_dim3A_483], %mul3A_484 : memref<64x80xf32, #tpu.memory_space<vmem>>[vector<16xi32>, vector<16xi32>], vector<16xf32>,
        %broadcast_in_dim3A_485 = arith.constant 49 : i32
        %broadcast_in_dim3A_486 = vector.broadcast %broadcast_in_dim3A_485 : i32 to vector<16xi32>
        %gather3A_487 = tpu.vector_load_idx %arg9[%add3A_81, %broadcast_in_dim3A_486] : memref<64x128xf32, #tpu.memory_space<vmem>>[vector<16xi32>, vector<16xi32>], vector<16xf32>,
        %broadcast_in_dim3A_488 = arith.constant 49 : i32
        %broadcast_in_dim3A_489 = vector.broadcast %broadcast_in_dim3A_488 : i32 to vector<16xi32>
        %mul3A_490 = arith.mulf %gather3A_487, %exp3A_174 : vector<16xf32>
        tpu.vector_store_idx %arg11[%add3A_81, %broadcast_in_dim3A_489], %mul3A_490 : memref<64x80xf32, #tpu.memory_space<vmem>>[vector<16xi32>, vector<16xi32>], vector<16xf32>,
        %broadcast_in_dim3A_491 = arith.constant 50 : i32
        %broadcast_in_dim3A_492 = vector.broadcast %broadcast_in_dim3A_491 : i32 to vector<16xi32>
        %gather3A_493 = tpu.vector_load_idx %arg9[%add3A_81, %broadcast_in_dim3A_492] : memref<64x128xf32, #tpu.memory_space<vmem>>[vector<16xi32>, vector<16xi32>], vector<16xf32>,
        %broadcast_in_dim3A_494 = arith.constant 50 : i32
        %broadcast_in_dim3A_495 = vector.broadcast %broadcast_in_dim3A_494 : i32 to vector<16xi32>
        %mul3A_496 = arith.mulf %gather3A_493, %exp3A_174 : vector<16xf32>
        tpu.vector_store_idx %arg11[%add3A_81, %broadcast_in_dim3A_495], %mul3A_496 : memref<64x80xf32, #tpu.memory_space<vmem>>[vector<16xi32>, vector<16xi32>], vector<16xf32>,
        %broadcast_in_dim3A_497 = arith.constant 51 : i32
        %broadcast_in_dim3A_498 = vector.broadcast %broadcast_in_dim3A_497 : i32 to vector<16xi32>
        %gather3A_499 = tpu.vector_load_idx %arg9[%add3A_81, %broadcast_in_dim3A_498] : memref<64x128xf32, #tpu.memory_space<vmem>>[vector<16xi32>, vector<16xi32>], vector<16xf32>,
        %broadcast_in_dim3A_500 = arith.constant 51 : i32
        %broadcast_in_dim3A_501 = vector.broadcast %broadcast_in_dim3A_500 : i32 to vector<16xi32>
        %mul3A_502 = arith.mulf %gather3A_499, %exp3A_174 : vector<16xf32>
        tpu.vector_store_idx %arg11[%add3A_81, %broadcast_in_dim3A_501], %mul3A_502 : memref<64x80xf32, #tpu.memory_space<vmem>>[vector<16xi32>, vector<16xi32>], vector<16xf32>,
        %broadcast_in_dim3A_503 = arith.constant 52 : i32
        %broadcast_in_dim3A_504 = vector.broadcast %broadcast_in_dim3A_503 : i32 to vector<16xi32>
        %gather3A_505 = tpu.vector_load_idx %arg9[%add3A_81, %broadcast_in_dim3A_504] : memref<64x128xf32, #tpu.memory_space<vmem>>[vector<16xi32>, vector<16xi32>], vector<16xf32>,
        %broadcast_in_dim3A_506 = arith.constant 52 : i32
        %broadcast_in_dim3A_507 = vector.broadcast %broadcast_in_dim3A_506 : i32 to vector<16xi32>
        %mul3A_508 = arith.mulf %gather3A_505, %exp3A_174 : vector<16xf32>
        tpu.vector_store_idx %arg11[%add3A_81, %broadcast_in_dim3A_507], %mul3A_508 : memref<64x80xf32, #tpu.memory_space<vmem>>[vector<16xi32>, vector<16xi32>], vector<16xf32>,
        %broadcast_in_dim3A_509 = arith.constant 53 : i32
        %broadcast_in_dim3A_510 = vector.broadcast %broadcast_in_dim3A_509 : i32 to vector<16xi32>
        %gather3A_511 = tpu.vector_load_idx %arg9[%add3A_81, %broadcast_in_dim3A_510] : memref<64x128xf32, #tpu.memory_space<vmem>>[vector<16xi32>, vector<16xi32>], vector<16xf32>,
        %broadcast_in_dim3A_512 = arith.constant 53 : i32
        %broadcast_in_dim3A_513 = vector.broadcast %broadcast_in_dim3A_512 : i32 to vector<16xi32>
        %mul3A_514 = arith.mulf %gather3A_511, %exp3A_174 : vector<16xf32>
        tpu.vector_store_idx %arg11[%add3A_81, %broadcast_in_dim3A_513], %mul3A_514 : memref<64x80xf32, #tpu.memory_space<vmem>>[vector<16xi32>, vector<16xi32>], vector<16xf32>,
        %broadcast_in_dim3A_515 = arith.constant 54 : i32
        %broadcast_in_dim3A_516 = vector.broadcast %broadcast_in_dim3A_515 : i32 to vector<16xi32>
        %gather3A_517 = tpu.vector_load_idx %arg9[%add3A_81, %broadcast_in_dim3A_516] : memref<64x128xf32, #tpu.memory_space<vmem>>[vector<16xi32>, vector<16xi32>], vector<16xf32>,
        %broadcast_in_dim3A_518 = arith.constant 54 : i32
        %broadcast_in_dim3A_519 = vector.broadcast %broadcast_in_dim3A_518 : i32 to vector<16xi32>
        %mul3A_520 = arith.mulf %gather3A_517, %exp3A_174 : vector<16xf32>
        tpu.vector_store_idx %arg11[%add3A_81, %broadcast_in_dim3A_519], %mul3A_520 : memref<64x80xf32, #tpu.memory_space<vmem>>[vector<16xi32>, vector<16xi32>], vector<16xf32>,
        %broadcast_in_dim3A_521 = arith.constant 55 : i32
        %broadcast_in_dim3A_522 = vector.broadcast %broadcast_in_dim3A_521 : i32 to vector<16xi32>
        %gather3A_523 = tpu.vector_load_idx %arg9[%add3A_81, %broadcast_in_dim3A_522] : memref<64x128xf32, #tpu.memory_space<vmem>>[vector<16xi32>, vector<16xi32>], vector<16xf32>,
        %broadcast_in_dim3A_524 = arith.constant 55 : i32
        %broadcast_in_dim3A_525 = vector.broadcast %broadcast_in_dim3A_524 : i32 to vector<16xi32>
        %mul3A_526 = arith.mulf %gather3A_523, %exp3A_174 : vector<16xf32>
        tpu.vector_store_idx %arg11[%add3A_81, %broadcast_in_dim3A_525], %mul3A_526 : memref<64x80xf32, #tpu.memory_space<vmem>>[vector<16xi32>, vector<16xi32>], vector<16xf32>,
        %broadcast_in_dim3A_527 = arith.constant 56 : i32
        %broadcast_in_dim3A_528 = vector.broadcast %broadcast_in_dim3A_527 : i32 to vector<16xi32>
        %gather3A_529 = tpu.vector_load_idx %arg9[%add3A_81, %broadcast_in_dim3A_528] : memref<64x128xf32, #tpu.memory_space<vmem>>[vector<16xi32>, vector<16xi32>], vector<16xf32>,
        %broadcast_in_dim3A_530 = arith.constant 56 : i32
        %broadcast_in_dim3A_531 = vector.broadcast %broadcast_in_dim3A_530 : i32 to vector<16xi32>
        %mul3A_532 = arith.mulf %gather3A_529, %exp3A_188 : vector<16xf32>
        tpu.vector_store_idx %arg11[%add3A_81, %broadcast_in_dim3A_531], %mul3A_532 : memref<64x80xf32, #tpu.memory_space<vmem>>[vector<16xi32>, vector<16xi32>], vector<16xf32>,
        %broadcast_in_dim3A_533 = arith.constant 57 : i32
        %broadcast_in_dim3A_534 = vector.broadcast %broadcast_in_dim3A_533 : i32 to vector<16xi32>
        %gather3A_535 = tpu.vector_load_idx %arg9[%add3A_81, %broadcast_in_dim3A_534] : memref<64x128xf32, #tpu.memory_space<vmem>>[vector<16xi32>, vector<16xi32>], vector<16xf32>,
        %broadcast_in_dim3A_536 = arith.constant 57 : i32
        %broadcast_in_dim3A_537 = vector.broadcast %broadcast_in_dim3A_536 : i32 to vector<16xi32>
        %mul3A_538 = arith.mulf %gather3A_535, %exp3A_188 : vector<16xf32>
        tpu.vector_store_idx %arg11[%add3A_81, %broadcast_in_dim3A_537], %mul3A_538 : memref<64x80xf32, #tpu.memory_space<vmem>>[vector<16xi32>, vector<16xi32>], vector<16xf32>,
        %broadcast_in_dim3A_539 = arith.constant 58 : i32
        %broadcast_in_dim3A_540 = vector.broadcast %broadcast_in_dim3A_539 : i32 to vector<16xi32>
        %gather3A_541 = tpu.vector_load_idx %arg9[%add3A_81, %broadcast_in_dim3A_540] : memref<64x128xf32, #tpu.memory_space<vmem>>[vector<16xi32>, vector<16xi32>], vector<16xf32>,
        %broadcast_in_dim3A_542 = arith.constant 58 : i32
        %broadcast_in_dim3A_543 = vector.broadcast %broadcast_in_dim3A_542 : i32 to vector<16xi32>
        %mul3A_544 = arith.mulf %gather3A_541, %exp3A_188 : vector<16xf32>
        tpu.vector_store_idx %arg11[%add3A_81, %broadcast_in_dim3A_543], %mul3A_544 : memref<64x80xf32, #tpu.memory_space<vmem>>[vector<16xi32>, vector<16xi32>], vector<16xf32>,
        %broadcast_in_dim3A_545 = arith.constant 59 : i32
        %broadcast_in_dim3A_546 = vector.broadcast %broadcast_in_dim3A_545 : i32 to vector<16xi32>
        %gather3A_547 = tpu.vector_load_idx %arg9[%add3A_81, %broadcast_in_dim3A_546] : memref<64x128xf32, #tpu.memory_space<vmem>>[vector<16xi32>, vector<16xi32>], vector<16xf32>,
        %broadcast_in_dim3A_548 = arith.constant 59 : i32
        %broadcast_in_dim3A_549 = vector.broadcast %broadcast_in_dim3A_548 : i32 to vector<16xi32>
        %mul3A_550 = arith.mulf %gather3A_547, %exp3A_188 : vector<16xf32>
        tpu.vector_store_idx %arg11[%add3A_81, %broadcast_in_dim3A_549], %mul3A_550 : memref<64x80xf32, #tpu.memory_space<vmem>>[vector<16xi32>, vector<16xi32>], vector<16xf32>,
        %broadcast_in_dim3A_551 = arith.constant 60 : i32
        %broadcast_in_dim3A_552 = vector.broadcast %broadcast_in_dim3A_551 : i32 to vector<16xi32>
        %gather3A_553 = tpu.vector_load_idx %arg9[%add3A_81, %broadcast_in_dim3A_552] : memref<64x128xf32, #tpu.memory_space<vmem>>[vector<16xi32>, vector<16xi32>], vector<16xf32>,
        %broadcast_in_dim3A_554 = arith.constant 60 : i32
        %broadcast_in_dim3A_555 = vector.broadcast %broadcast_in_dim3A_554 : i32 to vector<16xi32>
        %mul3A_556 = arith.mulf %gather3A_553, %exp3A_188 : vector<16xf32>
        tpu.vector_store_idx %arg11[%add3A_81, %broadcast_in_dim3A_555], %mul3A_556 : memref<64x80xf32, #tpu.memory_space<vmem>>[vector<16xi32>, vector<16xi32>], vector<16xf32>,
        %broadcast_in_dim3A_557 = arith.constant 61 : i32
        %broadcast_in_dim3A_558 = vector.broadcast %broadcast_in_dim3A_557 : i32 to vector<16xi32>
        %gather3A_559 = tpu.vector_load_idx %arg9[%add3A_81, %broadcast_in_dim3A_558] : memref<64x128xf32, #tpu.memory_space<vmem>>[vector<16xi32>, vector<16xi32>], vector<16xf32>,
        %broadcast_in_dim3A_560 = arith.constant 61 : i32
        %broadcast_in_dim3A_561 = vector.broadcast %broadcast_in_dim3A_560 : i32 to vector<16xi32>
        %mul3A_562 = arith.mulf %gather3A_559, %exp3A_188 : vector<16xf32>
        tpu.vector_store_idx %arg11[%add3A_81, %broadcast_in_dim3A_561], %mul3A_562 : memref<64x80xf32, #tpu.memory_space<vmem>>[vector<16xi32>, vector<16xi32>], vector<16xf32>,
        %broadcast_in_dim3A_563 = arith.constant 62 : i32
        %broadcast_in_dim3A_564 = vector.broadcast %broadcast_in_dim3A_563 : i32 to vector<16xi32>
        %gather3A_565 = tpu.vector_load_idx %arg9[%add3A_81, %broadcast_in_dim3A_564] : memref<64x128xf32, #tpu.memory_space<vmem>>[vector<16xi32>, vector<16xi32>], vector<16xf32>,
        %broadcast_in_dim3A_566 = arith.constant 62 : i32
        %broadcast_in_dim3A_567 = vector.broadcast %broadcast_in_dim3A_566 : i32 to vector<16xi32>
        %mul3A_568 = arith.mulf %gather3A_565, %exp3A_188 : vector<16xf32>
        tpu.vector_store_idx %arg11[%add3A_81, %broadcast_in_dim3A_567], %mul3A_568 : memref<64x80xf32, #tpu.memory_space<vmem>>[vector<16xi32>, vector<16xi32>], vector<16xf32>,
        %broadcast_in_dim3A_569 = arith.constant 63 : i32
        %broadcast_in_dim3A_570 = vector.broadcast %broadcast_in_dim3A_569 : i32 to vector<16xi32>
        %gather3A_571 = tpu.vector_load_idx %arg9[%add3A_81, %broadcast_in_dim3A_570] : memref<64x128xf32, #tpu.memory_space<vmem>>[vector<16xi32>, vector<16xi32>], vector<16xf32>,
        %broadcast_in_dim3A_572 = arith.constant 63 : i32
        %broadcast_in_dim3A_573 = vector.broadcast %broadcast_in_dim3A_572 : i32 to vector<16xi32>
        %mul3A_574 = arith.mulf %gather3A_571, %exp3A_188 : vector<16xf32>
        tpu.vector_store_idx %arg11[%add3A_81, %broadcast_in_dim3A_573], %mul3A_574 : memref<64x80xf32, #tpu.memory_space<vmem>>[vector<16xi32>, vector<16xi32>], vector<16xf32>,
        %scan3A_575 = arith.constant 0 : i32
        scf.yield %scan3A_575 : i32
      }
      %scan3A_68 = arith.constant 4 : i32
      %dma_start3A_69 = arith.constant 0 : i32
      %dma_start3A_70 = arith.constant 0 : i32
      %dma_start3A_71 = tpu.memref_slice %arg15[%dma_start3A_69, %dma_start3A_70] : memref<10240x80xf32, #tpu.memory_space<vmem_shared>> -> memref<10240x80xf32, #tpu.memory_space<vmem_shared>>
      tpu.enqueue_indirect_dma source(%arg11 : memref<64x80xf32, #tpu.memory_space<vmem>>) target(%dma_start3A_71 : memref<10240x80xf32, #tpu.memory_space<vmem_shared>>) offsets(%arg8 : memref<64xi32, #tpu.memory_space<vmem>>) semaphore(%arg18 : memref<!tpu.dma_semaphore, #tpu.memory_space<semaphore_mem>>) {add = true}
      %dma_wait3A_72 = arith.constant 0 : i32
      %dma_wait3A_73 = arith.constant 0 : i32
      %dma_wait3A_74 = tpu.memref_slice %arg15[%dma_wait3A_72, %dma_wait3A_73] : memref<10240x80xf32, #tpu.memory_space<vmem_shared>> -> memref<10240x80xf32, #tpu.memory_space<vmem_shared>>
      tpu.wait_indirect_dma semaphore(%arg18 : memref<!tpu.dma_semaphore, #tpu.memory_space<semaphore_mem>>) src(%arg11 : memref<64x80xf32, #tpu.memory_space<vmem>>) dst(%dma_wait3A_74 : memref<10240x80xf32, #tpu.memory_space<vmem_shared>>)
      %scan3A_75 = arith.constant 0 : i32
      scf.yield %scan3A_75 : i32
    }
    %scan3A_43 = arith.constant 162 : i32
    %barrier3A_44 = arith.constant 0 : index
    tpu.barrier barrier_id(%barrier3A_44)
    "tpu.region"() ({
      %run_scoped3A = tpu.sem_alloc : memref<!tpu.dma_semaphore, #tpu.memory_space<semaphore_mem>>
      %dma_start3A = arith.constant 0 : i32
      %dma_start3A_45 = tpu.memref_slice %arg6[%arg0, %mul3A_16, %dma_start3A] : memref<2x10240x80xf32, #tpu.memory_space<hbm>> -> memref<1x640x80xf32, #tpu.memory_space<hbm>>
      %dma_start3A_46 = tpu.memref_squeeze %dma_start3A_45 : memref<1x640x80xf32, #tpu.memory_space<hbm>> -> memref<640x80xf32, #tpu.memory_space<hbm>>
      %dma_start3A_47 = arith.constant 0 : i32
      %dma_start3A_48 = tpu.memref_slice %arg15[%mul3A_16, %dma_start3A_47] : memref<10240x80xf32, #tpu.memory_space<vmem_shared>> -> memref<640x80xf32, #tpu.memory_space<vmem_shared>>
      tpu.enqueue_dma source(%dma_start3A_48 : memref<640x80xf32, #tpu.memory_space<vmem_shared>>) target(%dma_start3A_46 : memref<640x80xf32, #tpu.memory_space<hbm>>) target_semaphore(%run_scoped3A : memref<!tpu.dma_semaphore, #tpu.memory_space<semaphore_mem>>)
      %dma_wait3A = arith.constant 0 : i32
      %dma_wait3A_49 = tpu.memref_slice %arg6[%arg0, %mul3A_16, %dma_wait3A] : memref<2x10240x80xf32, #tpu.memory_space<hbm>> -> memref<1x640x80xf32, #tpu.memory_space<hbm>>
      %dma_wait3A_50 = tpu.memref_squeeze %dma_wait3A_49 : memref<1x640x80xf32, #tpu.memory_space<hbm>> -> memref<640x80xf32, #tpu.memory_space<hbm>>
      %dma_wait3A_51 = arith.constant 0 : i32
      %dma_wait3A_52 = tpu.memref_slice %arg15[%mul3A_16, %dma_wait3A_51] : memref<10240x80xf32, #tpu.memory_space<vmem_shared>> -> memref<640x80xf32, #tpu.memory_space<vmem_shared>>
      tpu.wait_dma2 semaphore(%run_scoped3A : memref<!tpu.dma_semaphore, #tpu.memory_space<semaphore_mem>>) src(%dma_wait3A_52 : memref<640x80xf32, #tpu.memory_space<vmem_shared>>) dst(%dma_wait3A_50 : memref<640x80xf32, #tpu.memory_space<hbm>>)
      tpu.yield
    }) : () -> ()
    return
  }
}

module attributes {stable_mosaic.version = 14 : i64} {
  func.func @_tc1_body(%arg0: i32, %arg1: memref<256x128xf32, #tpu.memory_space<vmem>>, %arg2: memref<128x64xf32, #tpu.memory_space<vmem>>, %arg3: memref<64x8xf32, #tpu.memory_space<vmem>>, %arg4: memref<64x8xf32, #tpu.memory_space<vmem>>, %arg5: memref<256x128xf32, #tpu.memory_space<vmem>>, %arg6: memref<256x16xf32, #tpu.memory_space<vmem>>) attributes {dimension_semantics = [#tpu.dimension_semantics<arbitrary>], iteration_bounds = array<i64: 40>, scalar_prefetch = 0 : i64, scratch_operands = 0 : i64, tpu.core_type = #tpu.core_type<tc>, window_params = [{transform_indices = @transform_0, window_bounds = array<i64: 256, 128>}, {pipeline_mode = #tpu.pipeline_mode<synchronous>, transform_indices = @transform_1, window_bounds = array<i64: 128, 64>}, {pipeline_mode = #tpu.pipeline_mode<synchronous>, transform_indices = @transform_2, window_bounds = array<i64: 64, 8>}, {pipeline_mode = #tpu.pipeline_mode<synchronous>, transform_indices = @transform_3, window_bounds = array<i64: 64, 8>}, {transform_indices = @transform_4, window_bounds = array<i64: 256, 128>}, {transform_indices = @transform_5, window_bounds = array<i64: 256, 16>}]} {
    %get3A = arith.constant 0 : index
    %get3A_0 = arith.constant 0 : index
    %get3A_1 = vector.load %arg1[%get3A, %get3A_0] : memref<256x128xf32, #tpu.memory_space<vmem>>, vector<256x128xf32>
    %get3A_2 = arith.constant 0 : index
    %get3A_3 = arith.constant 0 : index
    %get3A_4 = vector.load %arg2[%get3A_2, %get3A_3] : memref<128x64xf32, #tpu.memory_space<vmem>>, vector<128x64xf32>
    %dot_general3A = arith.constant dense<0.000000e+00> : vector<256x64xf32>
    %dot_general3A_5 = tpu.matmul %get3A_1, %get3A_4, %dot_general3A {dimension_numbers = #tpu.dot_dimension_numbers<[1], [0], [0], [1], [0, 0, 1, 1], [], []>, transpose_lhs_hint = false} : vector<256x128xf32>, vector<128x64xf32>, vector<256x64xf32> -> vector<256x64xf32>
    %get3A_6 = arith.constant 0 : index
    %get3A_7 = arith.constant 0 : index
    %get3A_8 = vector.load %arg3[%get3A_6, %get3A_7] : memref<64x8xf32, #tpu.memory_space<vmem>>, vector<64x8xf32>
    %dot_general3A_9 = arith.constant dense<0.000000e+00> : vector<256x8xf32>
    %dot_general3A_10 = tpu.matmul %dot_general3A_5, %get3A_8, %dot_general3A_9 {dimension_numbers = #tpu.dot_dimension_numbers<[1], [0], [0], [1], [0, 0, 1, 1], [], []>, transpose_lhs_hint = false} : vector<256x64xf32>, vector<64x8xf32>, vector<256x8xf32> -> vector<256x8xf32>
    %get3A_11 = arith.constant 0 : index
    %get3A_12 = arith.constant 0 : index
    %get3A_13 = vector.load %arg4[%get3A_11, %get3A_12] : memref<64x8xf32, #tpu.memory_space<vmem>>, vector<64x8xf32>
    %dot_general3A_14 = arith.constant dense<0.000000e+00> : vector<256x8xf32>
    %dot_general3A_15 = tpu.matmul %dot_general3A_5, %get3A_13, %dot_general3A_14 {dimension_numbers = #tpu.dot_dimension_numbers<[1], [0], [0], [1], [0, 0, 1, 1], [], []>, transpose_lhs_hint = false} : vector<256x64xf32>, vector<64x8xf32>, vector<256x8xf32> -> vector<256x8xf32>
    %broadcast_in_dim3A = arith.constant 0.000000e+00 : f32
    %broadcast_in_dim3A_16 = vector.broadcast %broadcast_in_dim3A : f32 to vector<256x8xf32>
    %broadcast_in_dim3A_17 = arith.constant 0.000000e+00 : f32
    %broadcast_in_dim3A_18 = vector.broadcast %broadcast_in_dim3A_17 : f32 to vector<256x56xf32>
    %concatenate3A = tpu.concatenate %dot_general3A_5, %dot_general3A_10, %broadcast_in_dim3A_18 in 1 : vector<256x64xf32>, vector<256x8xf32>, vector<256x56xf32> -> vector<256x128xf32>
    %swap3A = arith.constant 0 : index
    %swap3A_19 = arith.constant 0 : index
    %swap3A_20 = vector.load %arg5[%swap3A, %swap3A_19] : memref<256x128xf32, #tpu.memory_space<vmem>>, vector<256x128xf32>
    tpu.vector_store %arg5[%swap3A, %swap3A_19], %concatenate3A {strides = array<i32>} : memref<256x128xf32, #tpu.memory_space<vmem>>, vector<256x128xf32>,
    %concatenate3A_21 = tpu.concatenate %dot_general3A_15, %broadcast_in_dim3A_16 in 1 : vector<256x8xf32>, vector<256x8xf32> -> vector<256x16xf32>
    %swap3A_22 = arith.constant 0 : index
    %swap3A_23 = arith.constant 0 : index
    %swap3A_24 = vector.load %arg6[%swap3A_22, %swap3A_23] : memref<256x16xf32, #tpu.memory_space<vmem>>, vector<256x16xf32>
    tpu.vector_store %arg6[%swap3A_22, %swap3A_23], %concatenate3A_21 {strides = array<i32>} : memref<256x16xf32, #tpu.memory_space<vmem>>, vector<256x16xf32>,
    return
  }
  func.func @transform_0(%arg0: i32) -> (i32, i32) {
    %c0_i32 = arith.constant 0 : i32
    %c0_i32_0 = arith.constant 0 : i32
    return %arg0, %c0_i32 : i32, i32
  }
  func.func @transform_1(%arg0: i32) -> (i32, i32) {
    %c0_i32 = arith.constant 0 : i32
    %c0_i32_0 = arith.constant 0 : i32
    %c0_i32_1 = arith.constant 0 : i32
    return %c0_i32, %c0_i32_0 : i32, i32
  }
  func.func @transform_2(%arg0: i32) -> (i32, i32) {
    %c0_i32 = arith.constant 0 : i32
    %c0_i32_0 = arith.constant 0 : i32
    %c0_i32_1 = arith.constant 0 : i32
    return %c0_i32, %c0_i32_0 : i32, i32
  }
  func.func @transform_3(%arg0: i32) -> (i32, i32) {
    %c0_i32 = arith.constant 0 : i32
    %c0_i32_0 = arith.constant 0 : i32
    %c0_i32_1 = arith.constant 0 : i32
    return %c0_i32, %c0_i32_0 : i32, i32
  }
  func.func @transform_4(%arg0: i32) -> (i32, i32) {
    %c0_i32 = arith.constant 0 : i32
    %c0_i32_0 = arith.constant 0 : i32
    return %arg0, %c0_i32 : i32, i32
  }
  func.func @transform_5(%arg0: i32) -> (i32, i32) {
    %c0_i32 = arith.constant 0 : i32
    %c0_i32_0 = arith.constant 0 : i32
    return %arg0, %c0_i32 : i32, i32
  }
}

module attributes {stable_mosaic.version = 14 : i64} {
  func.func @_tc2_body(%arg0: i32, %arg1: memref<2x256x80xf32, #tpu.memory_space<vmem>>, %arg2: memref<256x128xf32, #tpu.memory_space<vmem>>, %arg3: memref<128x64xf32, #tpu.memory_space<vmem>>, %arg4: memref<8x64xf32, #tpu.memory_space<vmem>>, %arg5: memref<8x64xf32, #tpu.memory_space<vmem>>, %arg6: memref<64x16xf32, #tpu.memory_space<vmem>>, %arg7: memref<8x16xf32, #tpu.memory_space<vmem>>, %arg8: memref<64x16xf32, #tpu.memory_space<vmem>>, %arg9: memref<256x128xf32, #tpu.memory_space<vmem>>, %arg10: memref<256x16xf32, #tpu.memory_space<vmem>>, %arg11: memref<256x16xf32, #tpu.memory_space<vmem>>) attributes {dimension_semantics = [#tpu.dimension_semantics<arbitrary>], iteration_bounds = array<i64: 40>, scalar_prefetch = 0 : i64, scratch_operands = 0 : i64, tpu.core_type = #tpu.core_type<tc>, window_params = [{transform_indices = @transform_0, window_bounds = array<i64: 2, 256, 80>}, {transform_indices = @transform_1, window_bounds = array<i64: 256, 128>}, {pipeline_mode = #tpu.pipeline_mode<synchronous>, transform_indices = @transform_2, window_bounds = array<i64: 128, 64>}, {pipeline_mode = #tpu.pipeline_mode<synchronous>, transform_indices = @transform_3, window_bounds = array<i64: 8, 64>}, {pipeline_mode = #tpu.pipeline_mode<synchronous>, transform_indices = @transform_4, window_bounds = array<i64: 8, 64>}, {pipeline_mode = #tpu.pipeline_mode<synchronous>, transform_indices = @transform_5, window_bounds = array<i64: 64, 16>}, {pipeline_mode = #tpu.pipeline_mode<synchronous>, transform_indices = @transform_6, window_bounds = array<i64: 8, 16>}, {pipeline_mode = #tpu.pipeline_mode<synchronous>, transform_indices = @transform_7, window_bounds = array<i64: 64, 16>}, {transform_indices = @transform_8, window_bounds = array<i64: 256, 128>}, {transform_indices = @transform_9, window_bounds = array<i64: 256, 16>}, {transform_indices = @transform_10, window_bounds = array<i64: 256, 16>}]} {
    %get3A = arith.constant 0 : index
    %get3A_0 = arith.constant 0 : index
    %get3A_1 = arith.constant 0 : index
    %get3A_2 = vector.load %arg1[%get3A, %get3A_0, %get3A_1] : memref<2x256x80xf32, #tpu.memory_space<vmem>>, vector<1x256x64xf32>
    %get3A_3 = vector.shape_cast %get3A_2 : vector<1x256x64xf32> to vector<256x64xf32>
    %get3A_4 = arith.constant 1 : index
    %get3A_5 = arith.constant 0 : index
    %get3A_6 = arith.constant 0 : index
    %get3A_7 = vector.load %arg1[%get3A_4, %get3A_5, %get3A_6] : memref<2x256x80xf32, #tpu.memory_space<vmem>>, vector<1x256x64xf32>
    %get3A_8 = vector.shape_cast %get3A_7 : vector<1x256x64xf32> to vector<256x64xf32>
    %add3A = arith.addf %get3A_3, %get3A_8 : vector<256x64xf32>
    %get3A_9 = arith.constant 0 : index
    %get3A_10 = arith.constant 0 : index
    %get3A_11 = arith.constant 64 : index
    %get3A_12 = vector.load %arg1[%get3A_9, %get3A_10, %get3A_11] : memref<2x256x80xf32, #tpu.memory_space<vmem>>, vector<1x256x8xf32>
    %get3A_13 = vector.shape_cast %get3A_12 : vector<1x256x8xf32> to vector<256x8xf32>
    %get3A_14 = arith.constant 1 : index
    %get3A_15 = arith.constant 0 : index
    %get3A_16 = arith.constant 64 : index
    %get3A_17 = vector.load %arg1[%get3A_14, %get3A_15, %get3A_16] : memref<2x256x80xf32, #tpu.memory_space<vmem>>, vector<1x256x8xf32>
    %get3A_18 = vector.shape_cast %get3A_17 : vector<1x256x8xf32> to vector<256x8xf32>
    %add3A_19 = arith.addf %get3A_13, %get3A_18 : vector<256x8xf32>
    %get3A_20 = arith.constant 0 : index
    %get3A_21 = arith.constant 0 : index
    %get3A_22 = vector.load %arg5[%get3A_20, %get3A_21] : memref<8x64xf32, #tpu.memory_space<vmem>>, vector<8x64xf32>
    %dot_general3A = arith.constant dense<0.000000e+00> : vector<256x64xf32>
    %dot_general3A_23 = tpu.matmul %add3A_19, %get3A_22, %dot_general3A {dimension_numbers = #tpu.dot_dimension_numbers<[1], [0], [0], [1], [0, 0, 1, 1], [], []>, transpose_lhs_hint = false} : vector<256x8xf32>, vector<8x64xf32>, vector<256x64xf32> -> vector<256x64xf32>
    %add3A_24 = arith.constant 1.000000e-16 : f32
    %add3A_25 = vector.broadcast %add3A_24 : f32 to vector<256x64xf32>
    %add3A_26 = arith.addf %dot_general3A_23, %add3A_25 : vector<256x64xf32>
    %div3A = arith.divf %add3A, %add3A_26 : vector<256x64xf32>
    %get3A_27 = arith.constant 0 : index
    %get3A_28 = arith.constant 0 : index
    %get3A_29 = vector.load %arg2[%get3A_27, %get3A_28] : memref<256x128xf32, #tpu.memory_space<vmem>>, vector<256x128xf32>
    %get3A_30 = arith.constant 0 : index
    %get3A_31 = arith.constant 0 : index
    %get3A_32 = vector.load %arg3[%get3A_30, %get3A_31] : memref<128x64xf32, #tpu.memory_space<vmem>>, vector<128x64xf32>
    %dot_general3A_33 = arith.constant dense<0.000000e+00> : vector<256x64xf32>
    %dot_general3A_34 = tpu.matmul %get3A_29, %get3A_32, %dot_general3A_33 {dimension_numbers = #tpu.dot_dimension_numbers<[1], [0], [0], [1], [0, 0, 1, 1], [], []>, transpose_lhs_hint = false} : vector<256x128xf32>, vector<128x64xf32>, vector<256x64xf32> -> vector<256x64xf32>
    %get3A_35 = arith.constant 0 : index
    %get3A_36 = arith.constant 0 : index
    %get3A_37 = vector.load %arg4[%get3A_35, %get3A_36] : memref<8x64xf32, #tpu.memory_space<vmem>>, vector<1x64xf32>
    %add3A_38 = vector.broadcast %get3A_37 : vector<1x64xf32> to vector<256x64xf32>
    %add3A_39 = arith.addf %div3A, %add3A_38 : vector<256x64xf32>
    %mul3A = arith.constant 5.000000e-01 : f32
    %mul3A_40 = vector.broadcast %mul3A : f32 to vector<256x64xf32>
    %mul3A_41 = arith.mulf %mul3A_40, %dot_general3A_34 : vector<256x64xf32>
    %sub3A = arith.subf %add3A_39, %mul3A_41 : vector<256x64xf32>
    %gt3A = arith.constant 0.000000e+00 : f32
    %gt3A_42 = vector.broadcast %gt3A : f32 to vector<256x64xf32>
    %gt3A_43 = arith.cmpf ogt, %sub3A, %gt3A_42 : vector<256x64xf32>
    %min3A = arith.constant 0.000000e+00 : f32
    %min3A_44 = vector.broadcast %min3A : f32 to vector<256x64xf32>
    %min3A_45 = arith.minimumf %sub3A, %min3A_44 : vector<256x64xf32>
    %exp3A = math.exp %min3A_45 : vector<256x64xf32>
    %sub3A_46 = arith.constant 1.000000e+00 : f32
    %sub3A_47 = vector.broadcast %sub3A_46 : f32 to vector<256x64xf32>
    %sub3A_48 = arith.subf %exp3A, %sub3A_47 : vector<256x64xf32>
    %select_n3A = arith.select %gt3A_43, %sub3A, %sub3A_48 : vector<256x64xi1>, vector<256x64xf32>
    %get3A_49 = arith.constant 0 : index
    %get3A_50 = arith.constant 0 : index
    %get3A_51 = vector.load %arg6[%get3A_49, %get3A_50] : memref<64x16xf32, #tpu.memory_space<vmem>>, vector<64x16xf32>
    %dot_general3A_52 = arith.constant dense<0.000000e+00> : vector<256x16xf32>
    %dot_general3A_53 = tpu.matmul %select_n3A, %get3A_51, %dot_general3A_52 {dimension_numbers = #tpu.dot_dimension_numbers<[1], [0], [0], [1], [0, 0, 1, 1], [], []>, transpose_lhs_hint = false} : vector<256x64xf32>, vector<64x16xf32>, vector<256x16xf32> -> vector<256x16xf32>
    %get3A_54 = arith.constant 0 : index
    %get3A_55 = arith.constant 0 : index
    %get3A_56 = vector.load %arg7[%get3A_54, %get3A_55] : memref<8x16xf32, #tpu.memory_space<vmem>>, vector<1x16xf32>
    %mul3A_57 = vector.broadcast %get3A_56 : vector<1x16xf32> to vector<256x16xf32>
    %mul3A_58 = arith.mulf %dot_general3A_53, %mul3A_57 : vector<256x16xf32>
    %reduce_sum3A = arith.constant dense<0.000000e+00> : vector<256xf32>
    %reduce_sum3A_59 = vector.multi_reduction <add>, %mul3A_58, %reduce_sum3A [1] : vector<256x16xf32> to vector<256xf32>
    %broadcast_in_dim3A = vector.shape_cast %reduce_sum3A_59 : vector<256xf32> to vector<256x1xf32>
    %get3A_60 = arith.constant 1 : index
    %get3A_61 = arith.constant 0 : index
    %get3A_62 = vector.load %arg7[%get3A_60, %get3A_61] : memref<8x16xf32, #tpu.memory_space<vmem>>, vector<1x16xf32>
    %mul3A_63 = vector.broadcast %get3A_62 : vector<1x16xf32> to vector<256x16xf32>
    %mul3A_64 = arith.mulf %dot_general3A_53, %mul3A_63 : vector<256x16xf32>
    %reduce_sum3A_65 = arith.constant dense<0.000000e+00> : vector<256xf32>
    %reduce_sum3A_66 = vector.multi_reduction <add>, %mul3A_64, %reduce_sum3A_65 [1] : vector<256x16xf32> to vector<256xf32>
    %broadcast_in_dim3A_67 = vector.shape_cast %reduce_sum3A_66 : vector<256xf32> to vector<256x1xf32>
    %broadcast_in_dim3A_68 = arith.constant 0.000000e+00 : f32
    %broadcast_in_dim3A_69 = vector.broadcast %broadcast_in_dim3A_68 : f32 to vector<256x111xf32>
    %broadcast_in_dim3A_70 = arith.constant 0.000000e+00 : f32
    %broadcast_in_dim3A_71 = vector.broadcast %broadcast_in_dim3A_70 : f32 to vector<256x15xf32>
    %concatenate3A = tpu.concatenate %dot_general3A_53, %broadcast_in_dim3A, %broadcast_in_dim3A_69 in 1 : vector<256x16xf32>, vector<256x1xf32>, vector<256x111xf32> -> vector<256x128xf32>
    %swap3A = arith.constant 0 : index
    %swap3A_72 = arith.constant 0 : index
    %swap3A_73 = vector.load %arg9[%swap3A, %swap3A_72] : memref<256x128xf32, #tpu.memory_space<vmem>>, vector<256x128xf32>
    tpu.vector_store %arg9[%swap3A, %swap3A_72], %concatenate3A {strides = array<i32>} : memref<256x128xf32, #tpu.memory_space<vmem>>, vector<256x128xf32>,
    %concatenate3A_74 = tpu.concatenate %broadcast_in_dim3A_67, %broadcast_in_dim3A_71 in 1 : vector<256x1xf32>, vector<256x15xf32> -> vector<256x16xf32>
    %swap3A_75 = arith.constant 0 : index
    %swap3A_76 = arith.constant 0 : index
    %swap3A_77 = vector.load %arg10[%swap3A_75, %swap3A_76] : memref<256x16xf32, #tpu.memory_space<vmem>>, vector<256x16xf32>
    tpu.vector_store %arg10[%swap3A_75, %swap3A_76], %concatenate3A_74 {strides = array<i32>} : memref<256x16xf32, #tpu.memory_space<vmem>>, vector<256x16xf32>,
    %get3A_78 = arith.constant 0 : index
    %get3A_79 = arith.constant 0 : index
    %get3A_80 = vector.load %arg8[%get3A_78, %get3A_79] : memref<64x16xf32, #tpu.memory_space<vmem>>, vector<64x16xf32>
    %dot_general3A_81 = arith.constant dense<0.000000e+00> : vector<256x16xf32>
    %dot_general3A_82 = tpu.matmul %select_n3A, %get3A_80, %dot_general3A_81 {dimension_numbers = #tpu.dot_dimension_numbers<[1], [0], [0], [1], [0, 0, 1, 1], [], []>, transpose_lhs_hint = false} : vector<256x64xf32>, vector<64x16xf32>, vector<256x16xf32> -> vector<256x16xf32>
    %swap3A_83 = arith.constant 0 : index
    %swap3A_84 = arith.constant 0 : index
    %swap3A_85 = vector.load %arg11[%swap3A_83, %swap3A_84] : memref<256x16xf32, #tpu.memory_space<vmem>>, vector<256x16xf32>
    tpu.vector_store %arg11[%swap3A_83, %swap3A_84], %dot_general3A_82 {strides = array<i32>} : memref<256x16xf32, #tpu.memory_space<vmem>>, vector<256x16xf32>,
    return
  }
  func.func @transform_0(%arg0: i32) -> (i32, i32, i32) {
    %c0_i32 = arith.constant 0 : i32
    %c0_i32_0 = arith.constant 0 : i32
    %c0_i32_1 = arith.constant 0 : i32
    return %c0_i32, %arg0, %c0_i32_0 : i32, i32, i32
  }
  func.func @transform_1(%arg0: i32) -> (i32, i32) {
    %c0_i32 = arith.constant 0 : i32
    %c0_i32_0 = arith.constant 0 : i32
    return %arg0, %c0_i32 : i32, i32
  }
  func.func @transform_2(%arg0: i32) -> (i32, i32) {
    %c0_i32 = arith.constant 0 : i32
    %c0_i32_0 = arith.constant 0 : i32
    %c0_i32_1 = arith.constant 0 : i32
    return %c0_i32, %c0_i32_0 : i32, i32
  }
  func.func @transform_3(%arg0: i32) -> (i32, i32) {
    %c0_i32 = arith.constant 0 : i32
    %c0_i32_0 = arith.constant 0 : i32
    %c0_i32_1 = arith.constant 0 : i32
    return %c0_i32, %c0_i32_0 : i32, i32
  }
  func.func @transform_4(%arg0: i32) -> (i32, i32) {
    %c0_i32 = arith.constant 0 : i32
    %c0_i32_0 = arith.constant 0 : i32
    %c0_i32_1 = arith.constant 0 : i32
    return %c0_i32, %c0_i32_0 : i32, i32
  }
  func.func @transform_5(%arg0: i32) -> (i32, i32) {
    %c0_i32 = arith.constant 0 : i32
    %c0_i32_0 = arith.constant 0 : i32
    %c0_i32_1 = arith.constant 0 : i32
    return %c0_i32, %c0_i32_0 : i32, i32
  }
  func.func @transform_6(%arg0: i32) -> (i32, i32) {
    %c0_i32 = arith.constant 0 : i32
    %c0_i32_0 = arith.constant 0 : i32
    %c0_i32_1 = arith.constant 0 : i32
    return %c0_i32, %c0_i32_0 : i32, i32
  }
  func.func @transform_7(%arg0: i32) -> (i32, i32) {
    %c0_i32 = arith.constant 0 : i32
    %c0_i32_0 = arith.constant 0 : i32
    %c0_i32_1 = arith.constant 0 : i32
    return %c0_i32, %c0_i32_0 : i32, i32
  }
  func.func @transform_8(%arg0: i32) -> (i32, i32) {
    %c0_i32 = arith.constant 0 : i32
    %c0_i32_0 = arith.constant 0 : i32
    return %arg0, %c0_i32 : i32, i32
  }
  func.func @transform_9(%arg0: i32) -> (i32, i32) {
    %c0_i32 = arith.constant 0 : i32
    %c0_i32_0 = arith.constant 0 : i32
    return %arg0, %c0_i32 : i32, i32
  }
  func.func @transform_10(%arg0: i32) -> (i32, i32) {
    %c0_i32 = arith.constant 0 : i32
    %c0_i32_0 = arith.constant 0 : i32
    return %arg0, %c0_i32 : i32, i32
  }
}

module attributes {stable_mosaic.version = 14 : i64} {
  func.func @_tc3_body(%arg0: i32, %arg1: memref<2x400x32xf32, #tpu.memory_space<vmem>>, %arg2: memref<400x16xf32, #tpu.memory_space<vmem>>, %arg3: memref<8x16xf32, #tpu.memory_space<vmem>>, %arg4: memref<400x16xf32, #tpu.memory_space<vmem>>) attributes {dimension_semantics = [#tpu.dimension_semantics<arbitrary>], iteration_bounds = array<i64: 25>, scalar_prefetch = 0 : i64, scratch_operands = 0 : i64, tpu.core_type = #tpu.core_type<tc>, window_params = [{transform_indices = @transform_0, window_bounds = array<i64: 2, 400, 32>}, {transform_indices = @transform_1, window_bounds = array<i64: 400, 16>}, {pipeline_mode = #tpu.pipeline_mode<synchronous>, transform_indices = @transform_2, window_bounds = array<i64: 8, 16>}, {transform_indices = @transform_3, window_bounds = array<i64: 400, 16>}]} {
    %get3A = arith.constant 0 : index
    %get3A_0 = arith.constant 0 : index
    %get3A_1 = arith.constant 0 : index
    %get3A_2 = vector.load %arg1[%get3A, %get3A_0, %get3A_1] : memref<2x400x32xf32, #tpu.memory_space<vmem>>, vector<1x400x16xf32>
    %get3A_3 = vector.shape_cast %get3A_2 : vector<1x400x16xf32> to vector<400x16xf32>
    %get3A_4 = arith.constant 1 : index
    %get3A_5 = arith.constant 0 : index
    %get3A_6 = arith.constant 0 : index
    %get3A_7 = vector.load %arg1[%get3A_4, %get3A_5, %get3A_6] : memref<2x400x32xf32, #tpu.memory_space<vmem>>, vector<1x400x16xf32>
    %get3A_8 = vector.shape_cast %get3A_7 : vector<1x400x16xf32> to vector<400x16xf32>
    %add3A = arith.addf %get3A_3, %get3A_8 : vector<400x16xf32>
    %get3A_9 = arith.constant 0 : index
    %get3A_10 = arith.constant 0 : index
    %get3A_11 = arith.constant 16 : index
    %get3A_12 = vector.load %arg1[%get3A_9, %get3A_10, %get3A_11] : memref<2x400x32xf32, #tpu.memory_space<vmem>>, vector<1x400x1xf32>
    %get3A_13 = vector.shape_cast %get3A_12 : vector<1x400x1xf32> to vector<400x1xf32>
    %get3A_14 = arith.constant 1 : index
    %get3A_15 = arith.constant 0 : index
    %get3A_16 = arith.constant 16 : index
    %get3A_17 = vector.load %arg1[%get3A_14, %get3A_15, %get3A_16] : memref<2x400x32xf32, #tpu.memory_space<vmem>>, vector<1x400x1xf32>
    %get3A_18 = vector.shape_cast %get3A_17 : vector<1x400x1xf32> to vector<400x1xf32>
    %add3A_19 = arith.addf %get3A_13, %get3A_18 : vector<400x1xf32>
    %add3A_20 = arith.constant 1.000000e-16 : f32
    %add3A_21 = vector.broadcast %add3A_20 : f32 to vector<400x1xf32>
    %add3A_22 = arith.addf %add3A_19, %add3A_21 : vector<400x1xf32>
    %div3A = vector.broadcast %add3A_22 : vector<400x1xf32> to vector<400x16xf32>
    %div3A_23 = arith.divf %add3A, %div3A : vector<400x16xf32>
    %get3A_24 = arith.constant 0 : index
    %get3A_25 = arith.constant 0 : index
    %get3A_26 = vector.load %arg3[%get3A_24, %get3A_25] : memref<8x16xf32, #tpu.memory_space<vmem>>, vector<1x16xf32>
    %add3A_27 = vector.broadcast %get3A_26 : vector<1x16xf32> to vector<400x16xf32>
    %add3A_28 = arith.addf %div3A_23, %add3A_27 : vector<400x16xf32>
    %get3A_29 = arith.constant 0 : index
    %get3A_30 = arith.constant 0 : index
    %get3A_31 = vector.load %arg2[%get3A_29, %get3A_30] : memref<400x16xf32, #tpu.memory_space<vmem>>, vector<400x16xf32>
    %mul3A = arith.constant 3.000000e-01 : f32
    %mul3A_32 = vector.broadcast %mul3A : f32 to vector<400x16xf32>
    %mul3A_33 = arith.mulf %mul3A_32, %get3A_31 : vector<400x16xf32>
    %sub3A = arith.subf %add3A_28, %mul3A_33 : vector<400x16xf32>
    %reduce_max3A = arith.constant dense<0xFF800000> : vector<400xf32>
    %reduce_max3A_34 = vector.multi_reduction <maximumf>, %sub3A, %reduce_max3A [1] : vector<400x16xf32> to vector<400xf32>
    %broadcast_in_dim3A = vector.shape_cast %reduce_max3A_34 : vector<400xf32> to vector<400x1xf32>
    %sub3A_35 = vector.broadcast %broadcast_in_dim3A : vector<400x1xf32> to vector<400x16xf32>
    %sub3A_36 = arith.subf %sub3A, %sub3A_35 : vector<400x16xf32>
    %exp3A = math.exp %sub3A_36 : vector<400x16xf32>
    %reduce_sum3A = arith.constant dense<0.000000e+00> : vector<400xf32>
    %reduce_sum3A_37 = vector.multi_reduction <add>, %exp3A, %reduce_sum3A [1] : vector<400x16xf32> to vector<400xf32>
    %broadcast_in_dim3A_38 = vector.shape_cast %reduce_sum3A_37 : vector<400xf32> to vector<400x1xf32>
    %log3A = math.log %broadcast_in_dim3A_38 : vector<400x1xf32>
    %sub3A_39 = vector.broadcast %log3A : vector<400x1xf32> to vector<400x16xf32>
    %sub3A_40 = arith.subf %sub3A_36, %sub3A_39 : vector<400x16xf32>
    %swap3A = arith.constant 0 : index
    %swap3A_41 = arith.constant 0 : index
    %swap3A_42 = vector.load %arg4[%swap3A, %swap3A_41] : memref<400x16xf32, #tpu.memory_space<vmem>>, vector<400x16xf32>
    tpu.vector_store %arg4[%swap3A, %swap3A_41], %sub3A_40 {strides = array<i32>} : memref<400x16xf32, #tpu.memory_space<vmem>>, vector<400x16xf32>,
    return
  }
  func.func @transform_0(%arg0: i32) -> (i32, i32, i32) {
    %c0_i32 = arith.constant 0 : i32
    %c0_i32_0 = arith.constant 0 : i32
    %c0_i32_1 = arith.constant 0 : i32
    return %c0_i32, %arg0, %c0_i32_0 : i32, i32, i32
  }
  func.func @transform_1(%arg0: i32) -> (i32, i32) {
    %c0_i32 = arith.constant 0 : i32
    %c0_i32_0 = arith.constant 0 : i32
    return %arg0, %c0_i32 : i32, i32
  }
  func.func @transform_2(%arg0: i32) -> (i32, i32) {
    %c0_i32 = arith.constant 0 : i32
    %c0_i32_0 = arith.constant 0 : i32
    %c0_i32_1 = arith.constant 0 : i32
    return %c0_i32, %c0_i32_0 : i32, i32
  }
  func.func @transform_3(%arg0: i32) -> (i32, i32) {
    %c0_i32 = arith.constant 0 : i32
    %c0_i32_0 = arith.constant 0 : i32
    return %arg0, %c0_i32 : i32, i32
  }
}

</mosaic_0001>

<sc_bundles>
// kernel: kernel.10.cloned.1.call-start
scs
__scs_entry_jumppad:
0x0: {  	(pc) =	sbr.rel $0x88, $3  }
0x1: {  	(tag) =	ssettag $0x0;
	lr =	simm.s32 $0x1  }
0x2: {  	[smem:$0x3F93] =	sst lr;
	_ =	strace $0xD0000000  }
0x3: {  	_ = 	snop  }
0x4: {  	_ = 	snop  }
0x5: {  	_ = 	snop  }
0x6: {  	_ = 	snop  }
0x7: {  	_ = 	snop  }
__scs_overlays_trampoline_lowered:
0x8: {  	[smem:$0x3FA2] =	sst s0  }
0x9: {  	[smem:$0x3FA3] =	sst s1  }
0xa: {  	[smem:$0x3FA4] =	sst s2  }
0xb: {  	[smem:$0x3FA5] =	sst s3  }
0xc: {  	[smem:$0x3FA6] =	sst s4  }
0xd: {  	[smem:$0x3FA7] =	sst s5  }
0xe: {  	[smem:$0x3FA8] =	sst s6  }
0xf: {  	[smem:$0x3FA9] =	sst s7  }
0x10: {  	[smem:$0x3FAA] =	sst s8  }
0x11: {  	[smem:$0x3FAB] =	sst s9;
	s0 =	simm.s32 @!p0 $0x0  }
0x12: {  	s1 =	sld [smem:$0x3F91];
	s0 =	simm.s32 @p0 $0x1  }
0x13: {  	[smem:$0x3FAC] =	sst s0;
	s0 =	simm.s32 @!p1 $0x0  }
0x14: {  	s2 =	sld [smem:$0x3F90];
	s0 =	simm.s32 @p1 $0x1  }
0x15: {  	[smem:$0x3FAD] =	sst s0;
	s0 =	simm.s32 @!p2 $0x0  }
0x16: {  	s3 =	sld [smem:$0x3FDB];
	s0 =	simm.s32 @p2 $0x1  }
0x17: {  	s4 =	simm.s32 $0x1BF5;
	[smem:$0x3FAF] =	sst s0  }
0x18: {  	s0 =	sld [smem:$0x3F92];
	_ =	swait.ge [sflag:s4], $0x0  }
0x19: {  	s7 =	sld [smem:$0x3F93]  }
0x1a: {  	s8 =	sadd.s32 $0xFFFFE003, lr  }
0x1b: {  	s9 =	sadd.s32 $0xFFFFFEF7, lr;
	s5 =	simm.s32 $0xFFFFFFFF;
	p2 =	slt.u32 s8, $0xFFFFF086  }
0x1c: {  	p1 =	slt.u32 s9, $0xF7A;
	s5 =	simm.s32 @!p2 $0x0  }
0x1d: {  	s5 =	simm.s32 @p1 $0x1;
	p0 =	seq.s32 s7, s2  }
0x1e: {  	s7 =	smul.u32 @!p0 $0xF7A, s2;
	p2 =	seq.s32 @!p0 s5, $0x0  }
0x1f: {  	s9 =	smul.u32 $0xF7A, s1;
	s8 =	simm.s32 @!p0 $0x1BF5;
	p2 =	por !p2, p0  }
0x20: {  	[sflag:s8] =	ssyncset.s32 @!p0 $0xFFFFF086;
	s6 =	sadd.s32 @!p0 s3, s7;
	s7 =	simm.s32 @!p0 $0x108  }
0x21: {  	s3 =	sadd.s32 s3, s9;
	s6 =	sadd.s32 @!p0 $0x88, s6;
	s7 =	simm.s32 @p2 $0x1082  }
0x22: {  	[simem:s7], [sflag:s8] =	dma.local @!p0 [hbm:s6], $0xF7A  }
0x23: {  	s9 =	sor.u32 $0xD0000000, s2;
	s6 =	simm.s32 $0x108;
	_ =	swait.ge @!p0 [sflag:s8], $0x0  }
0x24: {  	s3 =	sadd.s32 $0x88, s3;
	s6 =	simm.s32 @!p1 $0x1082;
	[sflag:s4] =	ssyncset.s32 $0xFFFFF086  }
0x25: {  	[simem:s6], [sflag:s4] =	dma.local [hbm:s3], $0xF7A  }
0x26: {  	[smem:$0x3F93] =	sst s1;
	(tag) =	ssettag s2;
	_ =	strace s9  }
0x27: {  	s1 =	sld [smem:$0x3FA3]  }
0x28: {  	s2 =	sld [smem:$0x3FA4]  }
0x29: {  	s4 =	sld [smem:$0x3FA6]  }
0x2a: {  	p0 =	seq.s32 s5, $0x0;
	s5 =	sld [smem:$0x3FA7]  }
0x2b: {  	s6 =	sld [smem:$0x3FA8]  }
0x2c: {  	s7 =	sld [smem:$0x3FA9]  }
0x2d: {  	s3 =	simm.s32 $0x108;
	s8 =	sld [smem:$0x3FAA]  }
0x2e: {  	s3 =	simm.s32 @!p0 $0x1082;
	s9 =	sld [smem:$0x3FAB]  }
0x2f: {  	lr =	sadd.s32 s0, s3;
	s0 =	sld [smem:$0x3FA2]  }
0x30: {  	s3 =	sld [smem:$0x3FA5]  }
0x31: {  	[smem:$0x3FAE] =	sst s10  }
0x32: {  	s10 =	sld [smem:$0x3FAC];
	_ =	sdelay $0x3  }
0x33: {  	p0 =	seq.s32 s10, $0x1;
	s10 =	sld [smem:$0x3FAE];
	_ =	sdelay $0x3  }
0x34: {  	[smem:$0x3FAE] =	sst s10  }
0x35: {  	s10 =	sld [smem:$0x3FAD];
	_ =	sdelay $0x3  }
0x36: {  	p1 =	seq.s32 s10, $0x1;
	s10 =	sld [smem:$0x3FAE];
	_ =	sdelay $0x3  }
0x37: {  	[smem:$0x3FAE] =	sst s10  }
0x38: {  	s10 =	sld [smem:$0x3FAF]  }
0x39: {  	_ = 	snop;
	(pc) =	sbr.ind lr, $3  }
0x3a: {  	_ = 	snop  }
0x3b: {  	_ = 	snop  }
0x3c: {  	p2 =	seq.s32 s10, $0x1;
	s10 =	sld [smem:$0x3FAE]  }
0x3d: {  	_ =	shalt  }
0x3e: {  	_ =	shalt  }
0x3f: {  	_ =	shalt  }
0x40: {  	_ =	shalt  }
0x41: {  	_ =	shalt  }
0x42: {  	_ =	shalt  }
0x43: {  	_ =	shalt  }
0x44: {  	_ =	shalt  }
0x45: {  	_ =	shalt  }
0x46: {  	_ =	shalt  }
0x47: {  	_ =	shalt  }
0x48: {  	_ =	shalt  }
0x49: {  	_ =	shalt  }
0x4a: {  	_ =	shalt  }
0x4b: {  	_ =	shalt  }
0x4c: {  	_ =	shalt  }
0x4d: {  	_ =	shalt  }
0x4e: {  	_ =	shalt  }
0x4f: {  	_ =	shalt  }
0x50: {  	_ =	shalt  }
0x51: {  	_ =	shalt  }
0x52: {  	_ =	shalt  }
0x53: {  	_ =	shalt  }
0x54: {  	_ =	shalt  }
0x55: {  	_ =	shalt  }
0x56: {  	_ =	shalt  }
0x57: {  	_ =	shalt  }
0x58: {  	_ =	shalt  }
0x59: {  	_ =	shalt  }
0x5a: {  	_ =	shalt  }
0x5b: {  	_ =	shalt  }
0x5c: {  	_ =	shalt  }
0x5d: {  	_ =	shalt  }
0x5e: {  	_ =	shalt  }
0x5f: {  	_ =	shalt  }
0x60: {  	_ =	shalt  }
0x61: {  	_ =	shalt  }
0x62: {  	_ =	shalt  }
0x63: {  	_ =	shalt  }
0x64: {  	_ =	shalt  }
0x65: {  	_ =	shalt  }
0x66: {  	_ =	shalt  }
0x67: {  	_ =	shalt  }
0x68: {  	_ =	shalt  }
0x69: {  	_ =	shalt  }
0x6a: {  	_ =	shalt  }
0x6b: {  	_ =	shalt  }
0x6c: {  	_ =	shalt  }
0x6d: {  	_ =	shalt  }
0x6e: {  	_ =	shalt  }
0x6f: {  	_ =	shalt  }
0x70: {  	_ =	shalt  }
0x71: {  	_ =	shalt  }
0x72: {  	_ =	shalt  }
0x73: {  	_ =	shalt  }
0x74: {  	_ =	shalt  }
0x75: {  	_ =	shalt  }
0x76: {  	_ =	shalt  }
0x77: {  	_ =	shalt  }
0x78: {  	_ =	shalt  }
0x79: {  	_ =	shalt  }
0x7a: {  	_ =	shalt  }
0x7b: {  	_ =	shalt  }
0x7c: {  	_ =	shalt  }
0x7d: {  	_ =	shalt  }
0x7e: {  	_ =	shalt  }
0x7f: {  	_ =	shalt  }
0x80: {  	_ =	shalt  }
0x81: {  	_ =	shalt  }
0x82: {  	_ =	shalt  }
0x83: {  	_ =	shalt  }
0x84: {  	_ =	shalt  }
0x85: {  	_ =	shalt  }
0x86: {  	_ =	shalt  }
0x87: {  	_ =	shalt  }
.Lfunc_end0:
.L_simem_size_0:
called_computation.1_lowered:
.L_overlay_start_0:
0x88: {  	s2 =	sld [smem:$0x3FD9]  }
0x89: {  	s3 =	sld [smem:$0x3FFE];
	_ =	sdelay $0x1  }
0x8a: {  	s1 =	srdreg.scid  }
0x8b: {  	s0 =	sand.u32 $0x1, s1  }
0x8c: {  	s16 =	sshll.u32 s0, $0xA;
	s2 =	sadd.s32 s3, s2  }
0x8d: {  	s2 =	sadd.s32 s2, s16  }
0x8e: {  	[smem:$0x3FBA] =	sst s2  }
0x8f: {  	_ = 	snop  }
0x90: {  	(tm) =	ssettm $0x1  }
0x91: {  	s17 =	sld [smem:$0x3FFB];
	_ =	sdelay $0x3  }
0x92: {  	_ =	strace s17  }
0x93: {  	s2 =	sld [smem:$0x3FFC];
	_ =	sdelay $0x3  }
0x94: {  	_ =	strace s2  }
0x95: {  	s2 =	sld [smem:$0x3FFD];
	_ =	sdelay $0x3  }
0x96: {  	_ =	strace s2  }
0x97: {  	_ =	strace $0x8FFFFFFF  }
0x98: {  	s18 =	sld [smem:$0x3FDB];
	_ =	sdelay $0x1  }
0x99: {  	s19 =	simm.s32 $_scs_section_size  }
0x9a: {  	s4 =	simm.s32 $_size__tile_overlayer_lowered;
	s5 =	simm.s32 $_tile_overlayer_lowered  }
0x9b: {  	s22 =	simm.s32 $0x1BFF;
	s21 =	sshll.u32 s5, $0x1;
	s2 =	sadd.s32 s19, s18  }
0x9c: {  	s6 =	simm.s32 $0x0;
	s20 =	sshll.u32 s4, $0x1;
	s4 =	sadd.s32 s21, s2  }
0x9d: {  	[timem:s6], [sflag:s22] =	dma.local [hbm:s4], s20  }
0x9e: {  	_ =	swait.ge [sflag:s22], s20  }
0x9f: {  	s3 =	ssub.s32 $0x0, s20;
	[sflag:s22] =	ssyncset.done $0x0  }
0xa0: {  	[sflag:s22] =	ssyncadd.s32 s3;
	_ =	sdelay $0x1  }
0xa1: {  	s23 =	simm.s32 $0x1B8B  }
0xa2: {  	_ =	swait.ge [sflag:s23], $0x1  }
0xa3: {  	[sflag:s23] =	ssyncset.done $0x0  }
0xa4: {  	s25 =	simm.s32 $0x1B8E;
	s24 =	sld [smem:$0x3FFE];
	[sflag:s23] =	ssyncadd.s32 $0xFFFFFFFF  }
0xa5: {  	s26 =	simm.s32 $execute0_lowered;
	[smem:$0x3FD2] =	sst s25  }
0xa6: {  	s4 =	sshll.u32 s26, $0x1;
	_ =	strace $0x80000049;
	[dreg:$0x1] =	wrdreg $0xFFFFFFFF  }
0xa7: {  	s28 =	simm.s32 $_size_execute0_lowered;
	s2 =	sadd.s32 s2, s4;
	[dreg:$0x0] =	wrdreg $0x0  }
0xa8: {  	s4 =	sshll.u32 s28, $0x1;
	[dreg:$0x2] =	wrdreg s2  }
0xa9: {  	[dreg:$0x3] =	wrdreg s4  }
0xaa: {  	[dreg:$0x4] =	wrdreg $0xC0  }
0xab: {  	_ =	task [dreg:s6], $0x5FFFF  }
0xac: {  	[dreg:$0x1] =	wrdreg $0xFFFFFFFF  }
0xad: {  	[dreg:$0x0] =	wrdreg $0x60  }
0xae: {  	[dreg:$0x2] =	wrdreg s24  }
0xaf: {  	[dreg:$0x3] =	wrdreg $0x81000  }
0xb0: {  	[dreg:$0x4] =	wrdreg $0xA9000  }
0xb1: {  	[dreg:$0x5] =	wrdreg $0x9  }
0xb2: {  	_ =	task.clear_ibuf [dreg:s6], $0x6FFFF;
	_ =	strace $0x90000049  }
0xb3: {  	s29 =	simm.s32 $0x9;
	_ =	strace $0x8000004B  }
0xb4: {  	_ =	swait.ge [sflag:s29], $0x1  }
0xb5: {  	[sflag:s29] =	ssyncadd.s32 $0xFFFFFFFF  }
0xb6: {  	_ =	strace $0x9000004B  }
0xb7: {  	_ =	sfence  }
0xb8: {  	s30 =	sld [smem:$0x0];
	_ =	sdelay $0x2  }
0xb9: {  	s31 =	sshll.u32 s1, $0xD;
	s1 =	sshrl.u32 s1, $0x2  }
0xba: {  	s3 =	sand.u32 $0x4000, s31;
	s1 =	sadd.s32 s1, s30  }
0xbb: {  	s0 =	sor.u32 s3, s0;
	s1 =	sshll.u32 s1, $0x11  }
0xbc: {  	s0 =	sor.u32 s1, s0  }
0xbd: {  	s0 =	sadd.s32 $0x8F2B, s0  }
0xbe: {  	[sflag:s0] =	ssyncadd.remote.s32 $0x1  }
0xbf: {  	_ =	sfence.sel $0xFFFF  }
0xc0: {  	[dreg:$0x0] =	wrdreg $0xFFFFFFFF;
	(pc) =	sbr.abs _section_cstart, $3  }
0xc1: {  	[dreg:$0x1] =	wrdreg $0xFFFFFFFF  }
0xc2: {  	_ =	task.clear_ibuf [dreg:s6], $0x2FFFF;
	_ =	strace $0x9FFFFFFF  }
0xc3: {  	(tm) =	ssettm $0x7FFFFFFF  }
tec
execute0_lowered:
.L_overlay_start_1:
0x0: {  	(tag) =	ssettag $0x1  }
0x1: {  	s0 =	rddreg [dreg:$0x0]  }
0x2: {  	s2 =	rddreg [dreg:$0x1]  }
0x3: {  	s3 =	rddreg [dreg:$0x2]  }
0x4: {  	s15 =	stileid.u32;
	s1 =	srdreg.scid;
	s4 =	simm.s32 $0x0  }
0x5: {  	s28 =	simm.s32 $0x40;
	s29 =	simm.s32 $0x100;
	s30 =	simm.s32 $0x2100  }
0x6: {  	s31 =	simm.s32 $0x1;
	s8 =	smul.u32 $0x14000, s15;
	s1 =	sand.u32 $0x1, s1  }
0x7: {  	[smem:$0x7FF] =	sst s4;
	s5 =	sadd.s32 $0x2600, s0;
	s6 =	sadd.s32 $0xC800, s0  }
0x8: {  	s7 =	sadd.s32 $0x16A00, s0;
	s13 =	sshll.u32 s15, $0x1;
	s14 =	smul.u32 $0x50000, s15  }
0x9: {  	s21 =	sshll.u32 s15, $0x6;
	s9 =	smul.u32 $0x140000, s1;
	_ =	strace $0x8000004A  }
0xa: {  	s11 =	ssub.s32 $0x2, s1;
	s1 =	sor.u32 s1, s13;
	s10 =	sshrl.u32 s8, $0x3  }
0xb: {  	s12 =	sshrl.u32 s11, $0x1;
	s22 =	sshrl.u32 s14, $0x2;
	s20 =	smul.u32 $0x2880, s1  }
0xc: {  	s1 =	simm.s32 $0x4100;
	s9 =	sadd.s32 s8, s9;
	s10 =	sadd.s32 s10, s0  }
0xd: {  	s11 =	ssub.s32 s11, s12;
	s12 =	sadd.s32 s8, s2;
	s13 =	sadd.s32 s22, s3  }
0xe: {  	s9 =	sshrl.u32 s9, $0x3;
	s10 =	sadd.s32 $0x3EA00, s10;
	s23 =	sadd.s32 $0x2000, s13  }
0xf: {  	s24 =	sadd.s32 $0x4000, s13;
	s25 =	sadd.s32 $0x6000, s13;
	s26 =	sadd.s32 $0x8000, s13  }
0x10: {  	s15 =	sadd.s32 $0xA000, s13;
	s16 =	sadd.s32 $0xC000, s13;
	[dreg:$0x4] =	wrdreg s10  }
0x11: {  	s17 =	sadd.s32 $0xE000, s13;
	s18 =	sadd.s32 $0x10000, s13;
	[dreg:$0x5] =	wrdreg s23  }
0x12: {  	s19 =	sadd.s32 $0x12000, s13;
	s22 =	smax.u32 s11, $0x1;
	[dreg:$0x6] =	wrdreg s24  }
0x13: {  	s0 =	sadd.s32 s9, s0;
	s9 =	sor.u32 $0x1C04, s21;
	[dreg:$0x7] =	wrdreg s25  }
0x14: {  	s10 =	sadd.s32 s8, s3;
	[dreg:$0x8] =	wrdreg s26;
	s23 =	sshrl.u32 s12, $0x3  }
0x15: {  	v1 =	vlaneseq.u32;
	s24 =	simm.s32 $0x4;
	s25 =	simm.s32 $0x6100;
	s26 =	simm.s32 $0x80  }
0x16: {  	v0 =	vimm.f32 $0.0e+00;
	v1 =	vmul.u32 $0x80, v1;
	s8 =	simm.s32 $0x3;
	s21 =	sadd.s32 $0x66A00, s0;
	s0 =	simm.s32 $0x2  }
.LBB2_1:
0x17: {  	s11 =	simm.s32 $0x0  }
.LBB2_2:
0x18: {  	p0 =	sne.s32 s11, $0x7E00  }
.Ltmp0:
0x19: {  	_ = 	snop;
	(pc) =	sbr.rel @p0 .LBB2_2-.Ltmp0, $4  }
0x1a: {  	_ = 	snop  }
0x1b: {  	s12 =	sshra.s32 s11, $0x2  }
0x1c: {  	[tilespmem:s12+$0x6100] =	vst v0  }
0x1d: {  	s11 =	sadd.s32 $0x200, s11;
	[tilespmem:s12+$0x6110] =	vst v0  }
0x1e: {  	s11 =	simm.s32 $0x200;
	s12 =	simm.s32 $0x0  }
.LBB2_4:
0x1f: {  	p0 =	sne.s32 s11, $0x7E00;
	[tilespmem:s12+$0x4100] =	vst v0;
	s13 =	smov.u32 s11;
	s11 =	sadd.s32 $0x200, s11  }
.Ltmp1:
0x20: {  	[tilespmem:s12+$0x4110] =	vst v0;
	(pc) =	sbr.rel @p0 .LBB2_4-.Ltmp1, $2  }
0x21: {  	_ =	sdelay $0x2  }
0x22: {  	s12 =	sshra.s32 s13, $0x2  }
0x23: {  	[tilespmem:s12+$0x4100] =	vst v0  }
0x24: {  	[tilespmem:s12+$0x4110] =	vst v0;
	s11 =	rddreg [dreg:$0x4]  }
0x25: {  	[spmem:s23], [sflag:s9] =	dma.local [hbm:s11], $0x2800  }
0x26: {  	_ =	swait.ge [sflag:s24], $0x2800  }
0x27: {  	[sflag:s24] =	ssyncset.done $0x0  }
0x28: {  	[sflag:s24] =	ssyncadd.s32 $0xFFFFD800  }
0x29: {  	[spmem:s10] =	stream.linear.scatter [tilespmem:s25], [sflag:$0x4], $0x2000, $0x38;
	[tilespmem:$0xF900] =	vst v63  }
0x2a: {  	_ =	swait.ge [sflag:s24], $0x2000  }
0x2b: {  	[sflag:s24] =	ssyncset.done $0x0  }
0x2c: {  	s14 =	rddreg [dreg:$0x5];
	[sflag:s24] =	ssyncadd.s32 $0xFFFFE000  }
0x2d: {  	[spmem:s14] =	stream.linear.scatter [tilespmem:s25], [sflag:$0x4], $0x2000, $0x38;
	[tilespmem:$0xF900] =	vst v63  }
0x2e: {  	_ =	swait.ge [sflag:s24], $0x2000  }
0x2f: {  	[sflag:s24] =	ssyncset.done $0x0  }
0x30: {  	s12 =	rddreg [dreg:$0x6];
	[sflag:s24] =	ssyncadd.s32 $0xFFFFE000  }
0x31: {  	[spmem:s12] =	stream.linear.scatter [tilespmem:s25], [sflag:$0x4], $0x2000, $0x38;
	[tilespmem:$0xF900] =	vst v63  }
0x32: {  	_ =	swait.ge [sflag:s24], $0x2000  }
0x33: {  	[sflag:s24] =	ssyncset.done $0x0  }
0x34: {  	s13 =	rddreg [dreg:$0x7];
	[sflag:s24] =	ssyncadd.s32 $0xFFFFE000  }
0x35: {  	[spmem:s13] =	stream.linear.scatter [tilespmem:s25], [sflag:$0x4], $0x2000, $0x38;
	[tilespmem:$0xF900] =	vst v63  }
0x36: {  	_ =	swait.ge [sflag:s24], $0x2000  }
0x37: {  	[sflag:s24] =	ssyncset.done $0x0  }
0x38: {  	s14 =	rddreg [dreg:$0x8];
	[sflag:s24] =	ssyncadd.s32 $0xFFFFE000  }
0x39: {  	[spmem:s14] =	stream.linear.scatter [tilespmem:s25], [sflag:$0x4], $0x2000, $0x38;
	[tilespmem:$0xF900] =	vst v63  }
0x3a: {  	_ =	swait.ge [sflag:s24], $0x2000  }
0x3b: {  	[sflag:s24] =	ssyncset.done $0x0  }
0x3c: {  	[sflag:s24] =	ssyncadd.s32 $0xFFFFE000  }
0x3d: {  	[spmem:s15] =	stream.linear.scatter [tilespmem:s25], [sflag:$0x4], $0x2000, $0x38;
	[tilespmem:$0xF900] =	vst v63  }
0x3e: {  	_ =	swait.ge [sflag:s24], $0x2000  }
0x3f: {  	[sflag:s24] =	ssyncset.done $0x0  }
0x40: {  	[sflag:s24] =	ssyncadd.s32 $0xFFFFE000  }
0x41: {  	[spmem:s16] =	stream.linear.scatter [tilespmem:s25], [sflag:$0x4], $0x2000, $0x38;
	[tilespmem:$0xF900] =	vst v63  }
0x42: {  	_ =	swait.ge [sflag:s24], $0x2000  }
0x43: {  	[sflag:s24] =	ssyncset.done $0x0  }
0x44: {  	[sflag:s24] =	ssyncadd.s32 $0xFFFFE000  }
0x45: {  	[spmem:s17] =	stream.linear.scatter [tilespmem:s25], [sflag:$0x4], $0x2000, $0x38;
	[tilespmem:$0xF900] =	vst v63  }
0x46: {  	_ =	swait.ge [sflag:s24], $0x2000  }
0x47: {  	[sflag:s24] =	ssyncset.done $0x0  }
0x48: {  	[sflag:s24] =	ssyncadd.s32 $0xFFFFE000  }
0x49: {  	[spmem:s18] =	stream.linear.scatter [tilespmem:s25], [sflag:$0x4], $0x2000, $0x38;
	[tilespmem:$0xF900] =	vst v63  }
0x4a: {  	_ =	swait.ge [sflag:s24], $0x2000  }
0x4b: {  	[sflag:s24] =	ssyncset.done $0x0  }
0x4c: {  	[sflag:s24] =	ssyncadd.s32 $0xFFFFE000  }
0x4d: {  	[spmem:s19] =	stream.linear.scatter [tilespmem:s25], [sflag:$0x4], $0x2000, $0x38;
	[tilespmem:$0xF900] =	vst v63  }
0x4e: {  	_ =	swait.ge [sflag:s24], $0x2000  }
0x4f: {  	[sflag:s24] =	ssyncset.done $0x0  }
0x50: {  	[sflag:s24] =	ssyncadd.s32 $0xFFFFE000  }
0x51: {  	s11 =	simm.s32 $0x0;
	s12 =	simm.s32 $0x0;
	[bflag:$0x0] =	sbarrier.arrive $0xFFFF  }
.LBB2_6:
0x52: {  	s13 =	sshll.u32 s12, $0x6  }
0x53: {  	s13 =	sadd.s32 s20, s13  }
0x54: {  	s13 =	sshrl.u32 s13, $0x3  }
0x55: {  	s14 =	sadd.s32 s5, s13  }
0x56: {  	[tilespmem:s11], [sflag:$0x4] =	stream.linear.gather [hbm4b:s14+s11], $0x40, $0x38;
	[tilespmem:$0xF900] =	vst v63  }
0x57: {  	_ =	swait.ge [sflag:s24], $0x40  }
0x58: {  	[sflag:s24] =	ssyncset.done $0x0  }
0x59: {  	s13 =	sadd.s32 s6, s13;
	[sflag:s24] =	ssyncadd.s32 $0xFFFFFFC0  }
0x5a: {  	[tilespmem:s26], [sflag:$0x4] =	stream.linear.gather [hbm4b:s13+s11], $0x40, $0x38;
	[tilespmem:$0xF900] =	vst v63  }
0x5b: {  	_ =	swait.ge [sflag:s24], $0x40  }
0x5c: {  	[sflag:s24] =	ssyncset.done $0x0  }
0x5d: {  	[sflag:s24] =	ssyncadd.s32 $0xFFFFFFC0  }
0x5e: {  	[tilespmem:s29], [sflag:$0x1] =	stream.indirect.gather [hbm4b:s7+s28], $0x80, s11, s28, $0xb8;
	[tilespmem:$0xF900] =	vst v63  }
0x5f: {  	_ = 	snop  }
0x60: {  	v2 =	vmov s11;
	[tilespmem:s30], [sflag:$0x2] =	stream.indirect.gather [spmem:s2], $0x10, s26, s28, $0xb8;
	[tilespmem:$0xF900] =	vst v63  }
0x61: {  	v2 =	vshll.u32 v2, $0x7;
	_ =	swait.ge [sflag:s31], $0x2000  }
0x62: {  	v2 =	vor.u32 v1, v2;
	[sflag:s31] =	ssyncset.done $0x0  }
0x63: {  	v3 =	vor.u32 $0x10, v2;
	[sflag:s31] =	ssyncadd.s32 $0xFFFFE000  }
0x64: {  	_ =	swait.ge [sflag:s0], $0x400  }
0x65: {  	[sflag:s0] =	ssyncset.done $0x0  }
0x66: {  	[sflag:s0] =	ssyncadd.s32 $0xFFFFFC00  }
0x67: {  	v4 =	vld.idx.msk [tilespmem:v2+s30+$0x0], $0xffff  }
0x68: {  	v5 =	vld.idx.msk [tilespmem:v3+s29+$0x0], $0xffff;
	_ =	sdelay $0x4  }
0x69: {  	v4 =	vadd.f32 v4, v5;
	_ =	sdelay $0x1  }
0x6a: {  	v5 =	vmul.f32 $2.000000030e-01, v4;
	_ =	sdelay $0x1  }
0x6b: {  	v4 =	vmax.f32 v4, v5  }
0x6c: {  	v4 =	vmul.f32 $1.442695020e+00, v4;
	_ =	sdelay $0x1  }
0x6d: {  	(erf) = vpow2.f32 v4;
	_ =	sdelay $0x8  }
0x6e: {  	v6 =	vpop (erf)  }
0x6f: {  	[tilespmem:v3+s1+$0x0] =	vst.idx.msk $0xffff, v6  }
0x70: {  	v3 =	vld.idx.msk [tilespmem:v2+s29+$0x0], $0xffff;
	_ =	sdelay $0x2  }
0x71: {  	v4 =	vor.u32 $0x1, v2;
	_ =	sdelay $0x1  }
0x72: {  	v3 =	vmul.f32 v6, v3;
	_ =	sdelay $0x1  }
0x73: {  	[tilespmem:v2+s1+$0x0] =	vst.idx.msk $0xffff, v3  }
0x74: {  	v3 =	vld.idx.msk [tilespmem:v4+s29+$0x0], $0xffff;
	_ =	sdelay $0x2  }
0x75: {  	v5 =	vor.u32 $0x2, v2;
	_ =	sdelay $0x1  }
0x76: {  	v3 =	vmul.f32 v6, v3;
	_ =	sdelay $0x1  }
0x77: {  	[tilespmem:v4+s1+$0x0] =	vst.idx.msk $0xffff, v3  }
0x78: {  	v3 =	vld.idx.msk [tilespmem:v5+s29+$0x0], $0xffff;
	_ =	sdelay $0x2  }
0x79: {  	v4 =	vor.u32 $0x3, v2;
	_ =	sdelay $0x1  }
0x7a: {  	v3 =	vmul.f32 v3, v6;
	_ =	sdelay $0x1  }
0x7b: {  	[tilespmem:v5+s1+$0x0] =	vst.idx.msk $0xffff, v3  }
0x7c: {  	v3 =	vld.idx.msk [tilespmem:v4+s29+$0x0], $0xffff;
	_ =	sdelay $0x2  }
0x7d: {  	v5 =	vor.u32 $0x4, v2;
	_ =	sdelay $0x1  }
0x7e: {  	v3 =	vmul.f32 v3, v6;
	_ =	sdelay $0x1  }
0x7f: {  	[tilespmem:v4+s1+$0x0] =	vst.idx.msk $0xffff, v3  }
0x80: {  	v3 =	vld.idx.msk [tilespmem:v5+s29+$0x0], $0xffff;
	_ =	sdelay $0x2  }
0x81: {  	v4 =	vor.u32 $0x5, v2;
	_ =	sdelay $0x1  }
0x82: {  	v3 =	vmul.f32 v3, v6;
	_ =	sdelay $0x1  }
0x83: {  	[tilespmem:v5+s1+$0x0] =	vst.idx.msk $0xffff, v3  }
0x84: {  	v3 =	vld.idx.msk [tilespmem:v4+s29+$0x0], $0xffff;
	_ =	sdelay $0x2  }
0x85: {  	v5 =	vor.u32 $0x6, v2;
	_ =	sdelay $0x1  }
0x86: {  	v3 =	vmul.f32 v3, v6;
	_ =	sdelay $0x1  }
0x87: {  	[tilespmem:v4+s1+$0x0] =	vst.idx.msk $0xffff, v3  }
0x88: {  	v3 =	vld.idx.msk [tilespmem:v5+s29+$0x0], $0xffff;
	_ =	sdelay $0x2  }
0x89: {  	v4 =	vor.u32 $0x7, v2;
	_ =	sdelay $0x1  }
0x8a: {  	v3 =	vmul.f32 v3, v6;
	_ =	sdelay $0x1  }
0x8b: {  	[tilespmem:v5+s1+$0x0] =	vst.idx.msk $0xffff, v3  }
0x8c: {  	v3 =	vld.idx.msk [tilespmem:v4+s29+$0x0], $0xffff;
	_ =	sdelay $0x2  }
0x8d: {  	v5 =	vor.u32 $0x8, v2;
	_ =	sdelay $0x1  }
0x8e: {  	v3 =	vmul.f32 v3, v6;
	_ =	sdelay $0x1  }
0x8f: {  	[tilespmem:v4+s1+$0x0] =	vst.idx.msk $0xffff, v3  }
0x90: {  	v3 =	vld.idx.msk [tilespmem:v5+s29+$0x0], $0xffff;
	_ =	sdelay $0x2  }
0x91: {  	v4 =	vor.u32 $0x9, v2;
	_ =	sdelay $0x1  }
0x92: {  	v3 =	vmul.f32 v3, v6;
	_ =	sdelay $0x1  }
0x93: {  	[tilespmem:v5+s1+$0x0] =	vst.idx.msk $0xffff, v3  }
0x94: {  	v3 =	vld.idx.msk [tilespmem:v4+s29+$0x0], $0xffff;
	_ =	sdelay $0x2  }
0x95: {  	v5 =	vor.u32 $0xA, v2;
	_ =	sdelay $0x1  }
0x96: {  	v3 =	vmul.f32 v3, v6;
	_ =	sdelay $0x1  }
0x97: {  	[tilespmem:v4+s1+$0x0] =	vst.idx.msk $0xffff, v3  }
0x98: {  	v3 =	vld.idx.msk [tilespmem:v5+s29+$0x0], $0xffff;
	_ =	sdelay $0x2  }
0x99: {  	v4 =	vor.u32 $0xB, v2;
	_ =	sdelay $0x1  }
0x9a: {  	v3 =	vmul.f32 v3, v6;
	_ =	sdelay $0x1  }
0x9b: {  	[tilespmem:v5+s1+$0x0] =	vst.idx.msk $0xffff, v3  }
0x9c: {  	v3 =	vld.idx.msk [tilespmem:v4+s29+$0x0], $0xffff;
	_ =	sdelay $0x2  }
0x9d: {  	v5 =	vor.u32 $0xC, v2;
	_ =	sdelay $0x1  }
0x9e: {  	v3 =	vmul.f32 v3, v6;
	_ =	sdelay $0x1  }
0x9f: {  	[tilespmem:v4+s1+$0x0] =	vst.idx.msk $0xffff, v3  }
0xa0: {  	v3 =	vld.idx.msk [tilespmem:v5+s29+$0x0], $0xffff;
	_ =	sdelay $0x2  }
0xa1: {  	v4 =	vor.u32 $0xD, v2;
	_ =	sdelay $0x1  }
0xa2: {  	v3 =	vmul.f32 v3, v6;
	_ =	sdelay $0x1  }
0xa3: {  	[tilespmem:v5+s1+$0x0] =	vst.idx.msk $0xffff, v3  }
0xa4: {  	v3 =	vld.idx.msk [tilespmem:v4+s29+$0x0], $0xffff;
	_ =	sdelay $0x2  }
0xa5: {  	v7 =	vor.u32 $0xE, v2;
	_ =	sdelay $0x1  }
0xa6: {  	v3 =	vmul.f32 v3, v6;
	_ =	sdelay $0x1  }
0xa7: {  	[tilespmem:v4+s1+$0x0] =	vst.idx.msk $0xffff, v3  }
0xa8: {  	v3 =	vld.idx.msk [tilespmem:v7+s29+$0x0], $0xffff;
	_ =	sdelay $0x2  }
0xa9: {  	v5 =	vor.u32 $0xF, v2;
	_ =	sdelay $0x1  }
0xaa: {  	v2 =	vmul.f32 v3, v6;
	_ =	sdelay $0x1  }
0xab: {  	[tilespmem:v7+s1+$0x0] =	vst.idx.msk $0xffff, v2  }
0xac: {  	s14 =	simm.s32 $0x10;
	v3 =	vld.idx.msk [tilespmem:v5+s29+$0x0], $0xffff  }
0xad: {  	v2 =	vmov s14  }
0xae: {  	v2 =	vshll.u32 v2, $0x7  }
0xaf: {  	v2 =	vor.u32 v1, v2  }
0xb0: {  	v4 =	vor.u32 $0x10, v2  }
0xb1: {  	s13 =	simm.s32 $0x20;
	v3 =	vmul.f32 v3, v6  }
.LBB2_7:
0xb2: {  	_ = 	snop  }
0xb3: {  	p0 =	sne.s32 s13, $0x30;
	s14 =	smov.u32 s13;
	s13 =	sadd.s32 $0x10, s13;
	[tilespmem:v5+s1+$0x0] =	vst.idx.msk $0xffff, v3  }
0xb4: {  	v3 =	vld.idx.msk [tilespmem:v2+s30+$0x0], $0xffff  }
0xb5: {  	v5 =	vld.idx.msk [tilespmem:v4+s29+$0x0], $0xffff;
	_ =	sdelay $0x5  }
0xb6: {  	v3 =	vadd.f32 v3, v5;
	_ =	sdelay $0x1  }
0xb7: {  	v5 =	vmul.f32 $2.000000030e-01, v3;
	_ =	sdelay $0x1  }
0xb8: {  	v3 =	vmax.f32 v3, v5  }
0xb9: {  	v3 =	vmul.f32 $1.442695020e+00, v3;
	_ =	sdelay $0x1  }
0xba: {  	(erf) = vpow2.f32 v3;
	_ =	sdelay $0x8  }
0xbb: {  	v3 =	vpop (erf)  }
0xbc: {  	[tilespmem:v4+s1+$0x0] =	vst.idx.msk $0xffff, v3  }
0xbd: {  	v4 =	vld.idx.msk [tilespmem:v2+s29+$0x0], $0xffff;
	_ =	sdelay $0x3  }
0xbe: {  	v5 =	vor.u32 $0x1, v2;
	_ =	sdelay $0x1  }
0xbf: {  	v4 =	vmul.f32 v3, v4;
	_ =	sdelay $0x1  }
0xc0: {  	[tilespmem:v2+s1+$0x0] =	vst.idx.msk $0xffff, v4  }
0xc1: {  	v4 =	vld.idx.msk [tilespmem:v5+s29+$0x0], $0xffff;
	_ =	sdelay $0x3  }
0xc2: {  	v6 =	vor.u32 $0x2, v2;
	_ =	sdelay $0x1  }
0xc3: {  	v4 =	vmul.f32 v3, v4;
	_ =	sdelay $0x1  }
0xc4: {  	[tilespmem:v5+s1+$0x0] =	vst.idx.msk $0xffff, v4  }
0xc5: {  	v4 =	vld.idx.msk [tilespmem:v6+s29+$0x0], $0xffff;
	_ =	sdelay $0x3  }
0xc6: {  	v5 =	vor.u32 $0x3, v2;
	_ =	sdelay $0x1  }
0xc7: {  	v4 =	vmul.f32 v4, v3;
	_ =	sdelay $0x1  }
0xc8: {  	[tilespmem:v6+s1+$0x0] =	vst.idx.msk $0xffff, v4  }
0xc9: {  	v4 =	vld.idx.msk [tilespmem:v5+s29+$0x0], $0xffff;
	_ =	sdelay $0x3  }
0xca: {  	v6 =	vor.u32 $0x4, v2;
	_ =	sdelay $0x1  }
0xcb: {  	v4 =	vmul.f32 v4, v3;
	_ =	sdelay $0x1  }
0xcc: {  	[tilespmem:v5+s1+$0x0] =	vst.idx.msk $0xffff, v4  }
0xcd: {  	v4 =	vld.idx.msk [tilespmem:v6+s29+$0x0], $0xffff;
	_ =	sdelay $0x3  }
0xce: {  	v5 =	vor.u32 $0x5, v2;
	_ =	sdelay $0x1  }
0xcf: {  	v4 =	vmul.f32 v4, v3;
	_ =	sdelay $0x1  }
0xd0: {  	[tilespmem:v6+s1+$0x0] =	vst.idx.msk $0xffff, v4  }
0xd1: {  	v4 =	vld.idx.msk [tilespmem:v5+s29+$0x0], $0xffff;
	_ =	sdelay $0x3  }
0xd2: {  	v6 =	vor.u32 $0x6, v2;
	_ =	sdelay $0x1  }
0xd3: {  	v4 =	vmul.f32 v4, v3;
	_ =	sdelay $0x1  }
0xd4: {  	[tilespmem:v5+s1+$0x0] =	vst.idx.msk $0xffff, v4  }
0xd5: {  	v4 =	vld.idx.msk [tilespmem:v6+s29+$0x0], $0xffff;
	_ =	sdelay $0x3  }
0xd6: {  	v5 =	vor.u32 $0x7, v2;
	_ =	sdelay $0x1  }
0xd7: {  	v4 =	vmul.f32 v4, v3;
	_ =	sdelay $0x1  }
0xd8: {  	[tilespmem:v6+s1+$0x0] =	vst.idx.msk $0xffff, v4  }
0xd9: {  	v4 =	vld.idx.msk [tilespmem:v5+s29+$0x0], $0xffff;
	_ =	sdelay $0x3  }
0xda: {  	v6 =	vor.u32 $0x8, v2;
	_ =	sdelay $0x1  }
0xdb: {  	v4 =	vmul.f32 v4, v3;
	_ =	sdelay $0x1  }
0xdc: {  	[tilespmem:v5+s1+$0x0] =	vst.idx.msk $0xffff, v4  }
0xdd: {  	v4 =	vld.idx.msk [tilespmem:v6+s29+$0x0], $0xffff;
	_ =	sdelay $0x3  }
0xde: {  	v5 =	vor.u32 $0x9, v2;
	_ =	sdelay $0x1  }
0xdf: {  	v4 =	vmul.f32 v4, v3;
	_ =	sdelay $0x1  }
0xe0: {  	[tilespmem:v6+s1+$0x0] =	vst.idx.msk $0xffff, v4  }
0xe1: {  	v4 =	vld.idx.msk [tilespmem:v5+s29+$0x0], $0xffff;
	_ =	sdelay $0x3  }
0xe2: {  	v6 =	vor.u32 $0xA, v2;
	_ =	sdelay $0x1  }
0xe3: {  	v4 =	vmul.f32 v4, v3;
	_ =	sdelay $0x1  }
0xe4: {  	[tilespmem:v5+s1+$0x0] =	vst.idx.msk $0xffff, v4  }
0xe5: {  	v4 =	vld.idx.msk [tilespmem:v6+s29+$0x0], $0xffff;
	_ =	sdelay $0x3  }
0xe6: {  	v5 =	vor.u32 $0xB, v2;
	_ =	sdelay $0x1  }
0xe7: {  	v4 =	vmul.f32 v4, v3;
	_ =	sdelay $0x1  }
0xe8: {  	[tilespmem:v6+s1+$0x0] =	vst.idx.msk $0xffff, v4  }
0xe9: {  	v4 =	vld.idx.msk [tilespmem:v5+s29+$0x0], $0xffff;
	_ =	sdelay $0x3  }
0xea: {  	v6 =	vor.u32 $0xC, v2;
	_ =	sdelay $0x1  }
0xeb: {  	v4 =	vmul.f32 v4, v3;
	_ =	sdelay $0x1  }
0xec: {  	[tilespmem:v5+s1+$0x0] =	vst.idx.msk $0xffff, v4  }
0xed: {  	v4 =	vld.idx.msk [tilespmem:v6+s29+$0x0], $0xffff;
	_ =	sdelay $0x3  }
0xee: {  	v5 =	vor.u32 $0xD, v2;
	_ =	sdelay $0x1  }
0xef: {  	v4 =	vmul.f32 v4, v3;
	_ =	sdelay $0x1  }
0xf0: {  	[tilespmem:v6+s1+$0x0] =	vst.idx.msk $0xffff, v4  }
0xf1: {  	v4 =	vld.idx.msk [tilespmem:v5+s29+$0x0], $0xffff;
	_ =	sdelay $0x3  }
0xf2: {  	v6 =	vor.u32 $0xE, v2;
	_ =	sdelay $0x1  }
0xf3: {  	v4 =	vmul.f32 v4, v3;
	_ =	sdelay $0x1  }
0xf4: {  	[tilespmem:v5+s1+$0x0] =	vst.idx.msk $0xffff, v4  }
0xf5: {  	v4 =	vld.idx.msk [tilespmem:v6+s29+$0x0], $0xffff;
	_ =	sdelay $0x3  }
0xf6: {  	v5 =	vor.u32 $0xF, v2;
	_ =	sdelay $0x1  }
0xf7: {  	v2 =	vmul.f32 v4, v3;
	_ =	sdelay $0x1  }
0xf8: {  	[tilespmem:v6+s1+$0x0] =	vst.idx.msk $0xffff, v2  }
0xf9: {  	v6 =	vld.idx.msk [tilespmem:v5+s29+$0x0], $0xffff;
	_ =	sdelay $0x1  }
.Ltmp2:
0xfa: {  	v2 =	vmov s14;
	(pc) =	sbr.rel @p0 .LBB2_7-.Ltmp2, $4  }
0xfb: {  	v2 =	vshll.u32 v2, $0x7  }
0xfc: {  	v2 =	vor.u32 v1, v2  }
0xfd: {  	v4 =	vor.u32 $0x10, v2  }
0xfe: {  	v3 =	vmul.f32 v6, v3  }
0xff: {  	_ =	sdelay $0x3  }
0x100: {  	[tilespmem:v5+s1+$0x0] =	vst.idx.msk $0xffff, v3  }
0x101: {  	v3 =	vld.idx.msk [tilespmem:v2+s30+$0x0], $0xffff  }
0x102: {  	v5 =	vld.idx.msk [tilespmem:v4+s29+$0x0], $0xffff;
	_ =	sdelay $0x4  }
0x103: {  	v3 =	vadd.f32 v3, v5;
	_ =	sdelay $0x1  }
0x104: {  	v5 =	vmul.f32 $2.000000030e-01, v3;
	_ =	sdelay $0x1  }
0x105: {  	v3 =	vmax.f32 v3, v5  }
0x106: {  	v3 =	vmul.f32 $1.442695020e+00, v3;
	_ =	sdelay $0x1  }
0x107: {  	(erf) = vpow2.f32 v3;
	_ =	sdelay $0x8  }
0x108: {  	v3 =	vpop (erf)  }
0x109: {  	[tilespmem:v4+s1+$0x0] =	vst.idx.msk $0xffff, v3  }
0x10a: {  	v4 =	vld.idx.msk [tilespmem:v2+s29+$0x0], $0xffff;
	_ =	sdelay $0x2  }
0x10b: {  	v51 =	vor.u32 $0x1, v2;
	_ =	sdelay $0x1  }
0x10c: {  	v4 =	vmul.f32 v3, v4;
	_ =	sdelay $0x1  }
0x10d: {  	[tilespmem:v2+s1+$0x0] =	vst.idx.msk $0xffff, v4  }
0x10e: {  	v4 =	vld.idx.msk [tilespmem:v51+s29+$0x0], $0xffff;
	_ =	sdelay $0x2  }
0x10f: {  	v6 =	vor.u32 $0x2, v2;
	_ =	sdelay $0x1  }
0x110: {  	v4 =	vmul.f32 v3, v4;
	_ =	sdelay $0x1  }
0x111: {  	[tilespmem:v51+s1+$0x0] =	vst.idx.msk $0xffff, v4  }
0x112: {  	v4 =	vld.idx.msk [tilespmem:v6+s29+$0x0], $0xffff;
	_ =	sdelay $0x2  }
0x113: {  	v52 =	vor.u32 $0x3, v2;
	_ =	sdelay $0x1  }
0x114: {  	v4 =	vmul.f32 v4, v3;
	_ =	sdelay $0x1  }
0x115: {  	[tilespmem:v6+s1+$0x0] =	vst.idx.msk $0xffff, v4  }
0x116: {  	v4 =	vld.idx.msk [tilespmem:v52+s29+$0x0], $0xffff;
	_ =	sdelay $0x2  }
0x117: {  	v53 =	vor.u32 $0x4, v2;
	_ =	sdelay $0x1  }
0x118: {  	v4 =	vmul.f32 v4, v3;
	_ =	sdelay $0x1  }
0x119: {  	[tilespmem:v52+s1+$0x0] =	vst.idx.msk $0xffff, v4  }
0x11a: {  	v4 =	vld.idx.msk [tilespmem:v53+s29+$0x0], $0xffff;
	_ =	sdelay $0x2  }
0x11b: {  	v54 =	vor.u32 $0x5, v2;
	_ =	sdelay $0x1  }
0x11c: {  	v4 =	vmul.f32 v4, v3;
	_ =	sdelay $0x1  }
0x11d: {  	[tilespmem:v53+s1+$0x0] =	vst.idx.msk $0xffff, v4  }
0x11e: {  	v4 =	vld.idx.msk [tilespmem:v54+s29+$0x0], $0xffff;
	_ =	sdelay $0x2  }
0x11f: {  	v55 =	vor.u32 $0x6, v2;
	_ =	sdelay $0x1  }
0x120: {  	v4 =	vmul.f32 v4, v3;
	_ =	sdelay $0x1  }
0x121: {  	[tilespmem:v54+s1+$0x0] =	vst.idx.msk $0xffff, v4  }
0x122: {  	v4 =	vld.idx.msk [tilespmem:v55+s29+$0x0], $0xffff;
	_ =	sdelay $0x2  }
0x123: {  	v56 =	vor.u32 $0x7, v2;
	_ =	sdelay $0x1  }
0x124: {  	v4 =	vmul.f32 v4, v3;
	_ =	sdelay $0x1  }
0x125: {  	[tilespmem:v55+s1+$0x0] =	vst.idx.msk $0xffff, v4  }
0x126: {  	v4 =	vld.idx.msk [tilespmem:v56+s29+$0x0], $0xffff;
	_ =	sdelay $0x2  }
0x127: {  	v57 =	vor.u32 $0x8, v2;
	_ =	sdelay $0x1  }
0x128: {  	v4 =	vmul.f32 v4, v3;
	_ =	sdelay $0x1  }
0x129: {  	[tilespmem:v56+s1+$0x0] =	vst.idx.msk $0xffff, v4  }
0x12a: {  	v4 =	vld.idx.msk [tilespmem:v57+s29+$0x0], $0xffff;
	_ =	sdelay $0x2  }
0x12b: {  	v58 =	vor.u32 $0x9, v2;
	_ =	sdelay $0x1  }
0x12c: {  	v4 =	vmul.f32 v4, v3;
	_ =	sdelay $0x1  }
0x12d: {  	[tilespmem:v57+s1+$0x0] =	vst.idx.msk $0xffff, v4  }
0x12e: {  	v4 =	vld.idx.msk [tilespmem:v58+s29+$0x0], $0xffff;
	_ =	sdelay $0x2  }
0x12f: {  	v59 =	vor.u32 $0xA, v2;
	_ =	sdelay $0x1  }
0x130: {  	v4 =	vmul.f32 v4, v3;
	_ =	sdelay $0x1  }
0x131: {  	[tilespmem:v58+s1+$0x0] =	vst.idx.msk $0xffff, v4  }
0x132: {  	v4 =	vld.idx.msk [tilespmem:v59+s29+$0x0], $0xffff;
	_ =	sdelay $0x2  }
0x133: {  	v60 =	vor.u32 $0xB, v2;
	_ =	sdelay $0x1  }
0x134: {  	v4 =	vmul.f32 v4, v3;
	_ =	sdelay $0x1  }
0x135: {  	[tilespmem:v59+s1+$0x0] =	vst.idx.msk $0xffff, v4  }
0x136: {  	v4 =	vld.idx.msk [tilespmem:v60+s29+$0x0], $0xffff;
	_ =	sdelay $0x2  }
0x137: {  	v61 =	vor.u32 $0xC, v2;
	_ =	sdelay $0x1  }
0x138: {  	v4 =	vmul.f32 v4, v3;
	_ =	sdelay $0x1  }
0x139: {  	[tilespmem:v60+s1+$0x0] =	vst.idx.msk $0xffff, v4  }
0x13a: {  	v4 =	vld.idx.msk [tilespmem:v61+s29+$0x0], $0xffff;
	_ =	sdelay $0x2  }
0x13b: {  	v62 =	vor.u32 $0xD, v2;
	_ =	sdelay $0x1  }
0x13c: {  	v4 =	vmul.f32 v4, v3;
	_ =	sdelay $0x1  }
0x13d: {  	[tilespmem:v61+s1+$0x0] =	vst.idx.msk $0xffff, v4  }
0x13e: {  	v4 =	vld.idx.msk [tilespmem:v62+s29+$0x0], $0xffff;
	_ =	sdelay $0x2  }
0x13f: {  	v63 =	vor.u32 $0xE, v2;
	_ =	sdelay $0x1  }
0x140: {  	v4 =	vmul.f32 v4, v3;
	_ =	sdelay $0x1  }
0x141: {  	[tilespmem:v62+s1+$0x0] =	vst.idx.msk $0xffff, v4  }
0x142: {  	v4 =	vld.idx.msk [tilespmem:v63+s29+$0x0], $0xffff;
	_ =	sdelay $0x2  }
0x143: {  	v2 =	vor.u32 $0xF, v2;
	_ =	sdelay $0x1  }
0x144: {  	v4 =	vmul.f32 v4, v3;
	_ =	sdelay $0x1  }
0x145: {  	[tilespmem:v63+s1+$0x0] =	vst.idx.msk $0xffff, v4  }
0x146: {  	v4 =	vld.idx.msk [tilespmem:v2+s29+$0x0], $0xffff;
	_ =	sdelay $0x4  }
0x147: {  	s12 =	sadd.s32 $0x1, s12;
	v3 =	vmul.f32 v4, v3  }
0x148: {  	p0 =	sne.s32 s12, $0xA2  }
.Ltmp3:
0x149: {  	[tilespmem:v2+s1+$0x0] =	vst.idx.msk $0xffff, v3;
	(pc) =	sbr.rel @p0 .LBB2_6-.Ltmp3, $4  }
0x14a: {  	[spmem:s3] =	stream.indirect.scatter.add.f32 [tilespmem:s1], [sflag:$0x3], $0x20, s26, s28, $0xb8;
	[tilespmem:$0xF900] =	vst v63  }
0x14b: {  	_ =	swait.ge [sflag:s8], $0x800  }
0x14c: {  	[sflag:s8] =	ssyncset.done $0x0  }
0x14d: {  	[sflag:s8] =	ssyncadd.s32 $0xFFFFF800  }
0x14e: {  	s4 =	sadd.s32 $0x1, s4  }
0x14f: {  	p0 =	sne.s32 s4, s22  }
.Ltmp4:
0x150: {  	[bflag:$0x0] =	sbarrier.arrive $0xFFFF;
	s11 =	sshrl.u32 s10, $0x3;
	(pc) =	sbr.rel @p0 .LBB2_1-.Ltmp4, $4  }
0x151: {  	[hbm:s21], [sflag:s9] =	dma.local [spmem:s11], $0x2800  }
0x152: {  	_ =	swait.ge [sflag:s24], $0x2800  }
0x153: {  	[sflag:s24] =	ssyncset.done $0x0  }
0x154: {  	[sflag:s24] =	ssyncadd.s32 $0xFFFFD800  }
0x155: {  	_ =	sfence.sel $0x180000  }
0x156: {  	[bflag:$0x0] =	sbarrier.arrive $0xFFFF  }
0x157: {  	_ =	strace $0x9000004A  }
0x158: {  	s0 =	stileid.u32;
	[bflag:$0x2] =	sbarrier.arrive $0xFFFF  }
0x159: {  	p0 =	sne.s32 s0, $0x0;
	s0 =	rddreg [dreg:$0x3]  }
0x15a: {  	s0 =	sadd.s32 @!p0 $0x100000, s0  }
0x15b: {  	[sflag:s0] =	ssyncadd.tile.s32 @!p0 $0x1;
	_ =	shalt  }
.Lfunc_end2:
_tile_overlayer_lowered:
.L_overlay_start_2:
0x15c: {  	(tag) =	ssettag $0x2  }
0x15d: {  	s0 =	rddreg [dreg:$0x0];
	s2 =	stileid.u32  }
0x15e: {  	s1 =	rddreg [dreg:$0x1];
	p0 =	sne.s32 s2, $0x0  }
0x15f: {  	s3 =	rddreg [dreg:$0x2];
	[bflag:$0x3] =	sbarrier.arrive $0xFFFF;
	s2 =	simm.s32 @!p0 $0x1C04  }
0x160: {  	[timem:s3], [sflag:s2] =	dma.local @!p0 [hbm:s0], s1  }
0x161: {  	s0 =	simm.s32 @!p0 $0x4  }
0x162: {  	_ =	swait.ge @!p0 [sflag:s0], s1  }
0x163: {  	s1 =	ssub.s32 @!p0 $0x0, s1;
	[sflag:s0] =	ssyncset.done @!p0 $0x0  }
0x164: {  	[sflag:s0] =	ssyncadd.s32 @!p0 s1  }
0x165: {  	[bflag:$0x3] =	sbarrier.arrive $0xFFFF  }
0x166: {  	_ =	shalt  }

// kernel: kernel.7.cloned.1.call-start
scs
__scs_entry_jumppad:
0x0: {  	(pc) =	sbr.rel $0x88, $3  }
0x1: {  	(tag) =	ssettag $0x0;
	lr =	simm.s32 $0x1  }
0x2: {  	[smem:$0x3F93] =	sst lr;
	_ =	strace $0xD0000000  }
0x3: {  	_ = 	snop  }
0x4: {  	_ = 	snop  }
0x5: {  	_ = 	snop  }
0x6: {  	_ = 	snop  }
0x7: {  	_ = 	snop  }
__scs_overlays_trampoline_lowered:
0x8: {  	[smem:$0x3FA2] =	sst s0  }
0x9: {  	[smem:$0x3FA3] =	sst s1  }
0xa: {  	[smem:$0x3FA4] =	sst s2  }
0xb: {  	[smem:$0x3FA5] =	sst s3  }
0xc: {  	[smem:$0x3FA6] =	sst s4  }
0xd: {  	[smem:$0x3FA7] =	sst s5  }
0xe: {  	[smem:$0x3FA8] =	sst s6  }
0xf: {  	[smem:$0x3FA9] =	sst s7  }
0x10: {  	[smem:$0x3FAA] =	sst s8  }
0x11: {  	[smem:$0x3FAB] =	sst s9;
	s0 =	simm.s32 @!p0 $0x0  }
0x12: {  	s1 =	sld [smem:$0x3F91];
	s0 =	simm.s32 @p0 $0x1  }
0x13: {  	[smem:$0x3FAC] =	sst s0;
	s0 =	simm.s32 @!p1 $0x0  }
0x14: {  	s2 =	sld [smem:$0x3F90];
	s0 =	simm.s32 @p1 $0x1  }
0x15: {  	[smem:$0x3FAD] =	sst s0;
	s0 =	simm.s32 @!p2 $0x0  }
0x16: {  	s3 =	sld [smem:$0x3FDB];
	s0 =	simm.s32 @p2 $0x1  }
0x17: {  	s4 =	simm.s32 $0x1BF5;
	[smem:$0x3FAF] =	sst s0  }
0x18: {  	s0 =	sld [smem:$0x3F92];
	_ =	swait.ge [sflag:s4], $0x0  }
0x19: {  	s7 =	sld [smem:$0x3F93]  }
0x1a: {  	s8 =	sadd.s32 $0xFFFFE003, lr  }
0x1b: {  	s9 =	sadd.s32 $0xFFFFFEF7, lr;
	s5 =	simm.s32 $0xFFFFFFFF;
	p2 =	slt.u32 s8, $0xFFFFF086  }
0x1c: {  	p1 =	slt.u32 s9, $0xF7A;
	s5 =	simm.s32 @!p2 $0x0  }
0x1d: {  	s5 =	simm.s32 @p1 $0x1;
	p0 =	seq.s32 s7, s2  }
0x1e: {  	s7 =	smul.u32 @!p0 $0xF7A, s2;
	p2 =	seq.s32 @!p0 s5, $0x0  }
0x1f: {  	s9 =	smul.u32 $0xF7A, s1;
	s8 =	simm.s32 @!p0 $0x1BF5;
	p2 =	por !p2, p0  }
0x20: {  	[sflag:s8] =	ssyncset.s32 @!p0 $0xFFFFF086;
	s6 =	sadd.s32 @!p0 s3, s7;
	s7 =	simm.s32 @!p0 $0x108  }
0x21: {  	s3 =	sadd.s32 s3, s9;
	s6 =	sadd.s32 @!p0 $0x88, s6;
	s7 =	simm.s32 @p2 $0x1082  }
0x22: {  	[simem:s7], [sflag:s8] =	dma.local @!p0 [hbm:s6], $0xF7A  }
0x23: {  	s9 =	sor.u32 $0xD0000000, s2;
	s6 =	simm.s32 $0x108;
	_ =	swait.ge @!p0 [sflag:s8], $0x0  }
0x24: {  	s3 =	sadd.s32 $0x88, s3;
	s6 =	simm.s32 @!p1 $0x1082;
	[sflag:s4] =	ssyncset.s32 $0xFFFFF086  }
0x25: {  	[simem:s6], [sflag:s4] =	dma.local [hbm:s3], $0xF7A  }
0x26: {  	[smem:$0x3F93] =	sst s1;
	(tag) =	ssettag s2;
	_ =	strace s9  }
0x27: {  	s1 =	sld [smem:$0x3FA3]  }
0x28: {  	s2 =	sld [smem:$0x3FA4]  }
0x29: {  	s4 =	sld [smem:$0x3FA6]  }
0x2a: {  	p0 =	seq.s32 s5, $0x0;
	s5 =	sld [smem:$0x3FA7]  }
0x2b: {  	s6 =	sld [smem:$0x3FA8]  }
0x2c: {  	s7 =	sld [smem:$0x3FA9]  }
0x2d: {  	s3 =	simm.s32 $0x108;
	s8 =	sld [smem:$0x3FAA]  }
0x2e: {  	s3 =	simm.s32 @!p0 $0x1082;
	s9 =	sld [smem:$0x3FAB]  }
0x2f: {  	lr =	sadd.s32 s0, s3;
	s0 =	sld [smem:$0x3FA2]  }
0x30: {  	s3 =	sld [smem:$0x3FA5]  }
0x31: {  	[smem:$0x3FAE] =	sst s10  }
0x32: {  	s10 =	sld [smem:$0x3FAC];
	_ =	sdelay $0x3  }
0x33: {  	p0 =	seq.s32 s10, $0x1;
	s10 =	sld [smem:$0x3FAE];
	_ =	sdelay $0x3  }
0x34: {  	[smem:$0x3FAE] =	sst s10  }
0x35: {  	s10 =	sld [smem:$0x3FAD];
	_ =	sdelay $0x3  }
0x36: {  	p1 =	seq.s32 s10, $0x1;
	s10 =	sld [smem:$0x3FAE];
	_ =	sdelay $0x3  }
0x37: {  	[smem:$0x3FAE] =	sst s10  }
0x38: {  	s10 =	sld [smem:$0x3FAF]  }
0x39: {  	_ = 	snop;
	(pc) =	sbr.ind lr, $3  }
0x3a: {  	_ = 	snop  }
0x3b: {  	_ = 	snop  }
0x3c: {  	p2 =	seq.s32 s10, $0x1;
	s10 =	sld [smem:$0x3FAE]  }
0x3d: {  	_ =	shalt  }
0x3e: {  	_ =	shalt  }
0x3f: {  	_ =	shalt  }
0x40: {  	_ =	shalt  }
0x41: {  	_ =	shalt  }
0x42: {  	_ =	shalt  }
0x43: {  	_ =	shalt  }
0x44: {  	_ =	shalt  }
0x45: {  	_ =	shalt  }
0x46: {  	_ =	shalt  }
0x47: {  	_ =	shalt  }
0x48: {  	_ =	shalt  }
0x49: {  	_ =	shalt  }
0x4a: {  	_ =	shalt  }
0x4b: {  	_ =	shalt  }
0x4c: {  	_ =	shalt  }
0x4d: {  	_ =	shalt  }
0x4e: {  	_ =	shalt  }
0x4f: {  	_ =	shalt  }
0x50: {  	_ =	shalt  }
0x51: {  	_ =	shalt  }
0x52: {  	_ =	shalt  }
0x53: {  	_ =	shalt  }
0x54: {  	_ =	shalt  }
0x55: {  	_ =	shalt  }
0x56: {  	_ =	shalt  }
0x57: {  	_ =	shalt  }
0x58: {  	_ =	shalt  }
0x59: {  	_ =	shalt  }
0x5a: {  	_ =	shalt  }
0x5b: {  	_ =	shalt  }
0x5c: {  	_ =	shalt  }
0x5d: {  	_ =	shalt  }
0x5e: {  	_ =	shalt  }
0x5f: {  	_ =	shalt  }
0x60: {  	_ =	shalt  }
0x61: {  	_ =	shalt  }
0x62: {  	_ =	shalt  }
0x63: {  	_ =	shalt  }
0x64: {  	_ =	shalt  }
0x65: {  	_ =	shalt  }
0x66: {  	_ =	shalt  }
0x67: {  	_ =	shalt  }
0x68: {  	_ =	shalt  }
0x69: {  	_ =	shalt  }
0x6a: {  	_ =	shalt  }
0x6b: {  	_ =	shalt  }
0x6c: {  	_ =	shalt  }
0x6d: {  	_ =	shalt  }
0x6e: {  	_ =	shalt  }
0x6f: {  	_ =	shalt  }
0x70: {  	_ =	shalt  }
0x71: {  	_ =	shalt  }
0x72: {  	_ =	shalt  }
0x73: {  	_ =	shalt  }
0x74: {  	_ =	shalt  }
0x75: {  	_ =	shalt  }
0x76: {  	_ =	shalt  }
0x77: {  	_ =	shalt  }
0x78: {  	_ =	shalt  }
0x79: {  	_ =	shalt  }
0x7a: {  	_ =	shalt  }
0x7b: {  	_ =	shalt  }
0x7c: {  	_ =	shalt  }
0x7d: {  	_ =	shalt  }
0x7e: {  	_ =	shalt  }
0x7f: {  	_ =	shalt  }
0x80: {  	_ =	shalt  }
0x81: {  	_ =	shalt  }
0x82: {  	_ =	shalt  }
0x83: {  	_ =	shalt  }
0x84: {  	_ =	shalt  }
0x85: {  	_ =	shalt  }
0x86: {  	_ =	shalt  }
0x87: {  	_ =	shalt  }
.Lfunc_end0:
.L_simem_size_0:
called_computation_lowered:
.L_overlay_start_0:
0x88: {  	s2 =	sld [smem:$0x3FD9]  }
0x89: {  	s3 =	sld [smem:$0x3FFE];
	_ =	sdelay $0x1  }
0x8a: {  	s1 =	srdreg.scid  }
0x8b: {  	s0 =	sand.u32 $0x1, s1  }
0x8c: {  	s16 =	sshll.u32 s0, $0xA;
	s2 =	sadd.s32 s3, s2  }
0x8d: {  	s2 =	sadd.s32 s2, s16  }
0x8e: {  	[smem:$0x3FBA] =	sst s2  }
0x8f: {  	_ = 	snop  }
0x90: {  	(tm) =	ssettm $0x1  }
0x91: {  	s17 =	sld [smem:$0x3FFB];
	_ =	sdelay $0x3  }
0x92: {  	_ =	strace s17  }
0x93: {  	s2 =	sld [smem:$0x3FFC];
	_ =	sdelay $0x3  }
0x94: {  	_ =	strace s2  }
0x95: {  	s2 =	sld [smem:$0x3FFD];
	_ =	sdelay $0x3  }
0x96: {  	_ =	strace s2  }
0x97: {  	_ =	strace $0x8FFFFFFF  }
0x98: {  	s18 =	sld [smem:$0x3FDB];
	_ =	sdelay $0x1  }
0x99: {  	s19 =	simm.s32 $_scs_section_size  }
0x9a: {  	s4 =	simm.s32 $_size__tile_overlayer_lowered;
	s5 =	simm.s32 $_tile_overlayer_lowered  }
0x9b: {  	s22 =	simm.s32 $0x1BFF;
	s21 =	sshll.u32 s5, $0x1;
	s2 =	sadd.s32 s19, s18  }
0x9c: {  	s6 =	simm.s32 $0x0;
	s20 =	sshll.u32 s4, $0x1;
	s4 =	sadd.s32 s21, s2  }
0x9d: {  	[timem:s6], [sflag:s22] =	dma.local [hbm:s4], s20  }
0x9e: {  	_ =	swait.ge [sflag:s22], s20  }
0x9f: {  	s3 =	ssub.s32 $0x0, s20;
	[sflag:s22] =	ssyncset.done $0x0  }
0xa0: {  	[sflag:s22] =	ssyncadd.s32 s3;
	_ =	sdelay $0x1  }
0xa1: {  	s23 =	simm.s32 $0x1B8B  }
0xa2: {  	_ =	swait.ge [sflag:s23], $0x1  }
0xa3: {  	[sflag:s23] =	ssyncset.done $0x0  }
0xa4: {  	s25 =	simm.s32 $0x1B8E;
	s24 =	sld [smem:$0x3FFE];
	[sflag:s23] =	ssyncadd.s32 $0xFFFFFFFF  }
0xa5: {  	s26 =	simm.s32 $execute0_lowered;
	[smem:$0x3FD2] =	sst s25  }
0xa6: {  	s4 =	sshll.u32 s26, $0x1;
	_ =	strace $0x80000046;
	[dreg:$0x1] =	wrdreg $0xFFFFFFFF  }
0xa7: {  	s28 =	simm.s32 $_size_execute0_lowered;
	s2 =	sadd.s32 s2, s4;
	[dreg:$0x0] =	wrdreg $0x0  }
0xa8: {  	s4 =	sshll.u32 s28, $0x1;
	[dreg:$0x2] =	wrdreg s2  }
0xa9: {  	[dreg:$0x3] =	wrdreg s4  }
0xaa: {  	[dreg:$0x4] =	wrdreg $0xC0  }
0xab: {  	_ =	task [dreg:s6], $0x5FFFF  }
0xac: {  	[dreg:$0x1] =	wrdreg $0xFFFFFFFF  }
0xad: {  	[dreg:$0x0] =	wrdreg $0x60  }
0xae: {  	[dreg:$0x2] =	wrdreg s24  }
0xaf: {  	[dreg:$0x3] =	wrdreg $0x81000  }
0xb0: {  	[dreg:$0x4] =	wrdreg $0xA9000  }
0xb1: {  	[dreg:$0x5] =	wrdreg $0x9  }
0xb2: {  	_ =	task.clear_ibuf [dreg:s6], $0x6FFFF;
	_ =	strace $0x90000046  }
0xb3: {  	s29 =	simm.s32 $0x9;
	_ =	strace $0x80000048  }
0xb4: {  	_ =	swait.ge [sflag:s29], $0x1  }
0xb5: {  	[sflag:s29] =	ssyncadd.s32 $0xFFFFFFFF  }
0xb6: {  	_ =	strace $0x90000048  }
0xb7: {  	_ =	sfence  }
0xb8: {  	s30 =	sld [smem:$0x0];
	_ =	sdelay $0x2  }
0xb9: {  	s31 =	sshll.u32 s1, $0xD;
	s1 =	sshrl.u32 s1, $0x2  }
0xba: {  	s3 =	sand.u32 $0x4000, s31;
	s1 =	sadd.s32 s1, s30  }
0xbb: {  	s0 =	sor.u32 s3, s0;
	s1 =	sshll.u32 s1, $0x11  }
0xbc: {  	s0 =	sor.u32 s1, s0  }
0xbd: {  	s0 =	sadd.s32 $0x8F2B, s0  }
0xbe: {  	[sflag:s0] =	ssyncadd.remote.s32 $0x1  }
0xbf: {  	_ =	sfence.sel $0xFFFF  }
0xc0: {  	[dreg:$0x0] =	wrdreg $0xFFFFFFFF;
	(pc) =	sbr.abs _section_cstart, $3  }
0xc1: {  	[dreg:$0x1] =	wrdreg $0xFFFFFFFF  }
0xc2: {  	_ =	task.clear_ibuf [dreg:s6], $0x2FFFF;
	_ =	strace $0x9FFFFFFF  }
0xc3: {  	(tm) =	ssettm $0x7FFFFFFF  }
tec
execute0_lowered:
.L_overlay_start_1:
0x0: {  	(tag) =	ssettag $0x1  }
0x1: {  	s0 =	rddreg [dreg:$0x0]  }
0x2: {  	s2 =	rddreg [dreg:$0x1]  }
0x3: {  	s3 =	rddreg [dreg:$0x2]  }
0x4: {  	s15 =	stileid.u32;
	s1 =	srdreg.scid;
	s4 =	simm.s32 $0x0  }
0x5: {  	s28 =	simm.s32 $0x40;
	s29 =	simm.s32 $0x100;
	s30 =	simm.s32 $0x2100  }
0x6: {  	s31 =	simm.s32 $0x1;
	s8 =	smul.u32 $0x14000, s15;
	s1 =	sand.u32 $0x1, s1  }
0x7: {  	[smem:$0x7FF] =	sst s4;
	s5 =	sadd.s32 $0x2600, s0;
	s6 =	sadd.s32 $0xC800, s0  }
0x8: {  	s7 =	sadd.s32 $0x16A00, s0;
	s13 =	sshll.u32 s15, $0x1;
	s14 =	smul.u32 $0x50000, s15  }
0x9: {  	s21 =	sshll.u32 s15, $0x6;
	s9 =	smul.u32 $0x140000, s1;
	_ =	strace $0x80000047  }
0xa: {  	s11 =	ssub.s32 $0x2, s1;
	s1 =	sor.u32 s1, s13;
	s10 =	sshrl.u32 s8, $0x3  }
0xb: {  	s12 =	sshrl.u32 s11, $0x1;
	s22 =	sshrl.u32 s14, $0x2;
	s20 =	smul.u32 $0x2880, s1  }
0xc: {  	s1 =	simm.s32 $0x4100;
	s9 =	sadd.s32 s8, s9;
	s10 =	sadd.s32 s10, s0  }
0xd: {  	s11 =	ssub.s32 s11, s12;
	s12 =	sadd.s32 s8, s2;
	s13 =	sadd.s32 s22, s3  }
0xe: {  	s9 =	sshrl.u32 s9, $0x3;
	s10 =	sadd.s32 $0x3EA00, s10;
	s23 =	sadd.s32 $0x2000, s13  }
0xf: {  	s24 =	sadd.s32 $0x4000, s13;
	s25 =	sadd.s32 $0x6000, s13;
	s26 =	sadd.s32 $0x8000, s13  }
0x10: {  	s15 =	sadd.s32 $0xA000, s13;
	s16 =	sadd.s32 $0xC000, s13;
	[dreg:$0x4] =	wrdreg s10  }
0x11: {  	s17 =	sadd.s32 $0xE000, s13;
	s18 =	sadd.s32 $0x10000, s13;
	[dreg:$0x5] =	wrdreg s23  }
0x12: {  	s19 =	sadd.s32 $0x12000, s13;
	s22 =	smax.u32 s11, $0x1;
	[dreg:$0x6] =	wrdreg s24  }
0x13: {  	s0 =	sadd.s32 s9, s0;
	s9 =	sor.u32 $0x1C04, s21;
	[dreg:$0x7] =	wrdreg s25  }
0x14: {  	s10 =	sadd.s32 s8, s3;
	[dreg:$0x8] =	wrdreg s26;
	s23 =	sshrl.u32 s12, $0x3  }
0x15: {  	v1 =	vlaneseq.u32;
	s24 =	simm.s32 $0x4;
	s25 =	simm.s32 $0x6100;
	s26 =	simm.s32 $0x80  }
0x16: {  	v0 =	vimm.f32 $0.0e+00;
	v1 =	vmul.u32 $0x80, v1;
	s8 =	simm.s32 $0x3;
	s21 =	sadd.s32 $0x66A00, s0;
	s0 =	simm.s32 $0x2  }
.LBB2_1:
0x17: {  	s12 =	simm.s32 $0x200;
	s11 =	simm.s32 $0x0  }
.LBB2_2:
0x18: {  	p0 =	sne.s32 s12, $0x7E00;
	[tilespmem:s11+$0x6140] =	vst v0;
	s13 =	smov.u32 s12;
	s12 =	sadd.s32 $0x200, s12  }
.Ltmp0:
0x19: {  	[tilespmem:s11+$0x6130] =	vst v0;
	(pc) =	sbr.rel @p0 .LBB2_2-.Ltmp0, $4  }
0x1a: {  	[tilespmem:s11+$0x6120] =	vst v0  }
0x1b: {  	[tilespmem:s11+$0x6100] =	vst v0  }
0x1c: {  	[tilespmem:s11+$0x6110] =	vst v0  }
0x1d: {  	s11 =	sshra.s32 s13, $0x2  }
0x1e: {  	[tilespmem:s11+$0x6140] =	vst v0  }
0x1f: {  	[tilespmem:s11+$0x6130] =	vst v0  }
0x20: {  	[tilespmem:s11+$0x6120] =	vst v0  }
0x21: {  	[tilespmem:s11+$0x6100] =	vst v0  }
0x22: {  	[tilespmem:s11+$0x6110] =	vst v0;
	s12 =	simm.s32 $0x200;
	s11 =	simm.s32 $0x0  }
.LBB2_4:
0x23: {  	p0 =	sne.s32 s12, $0x7E00;
	[tilespmem:s11+$0x4140] =	vst v0;
	s13 =	smov.u32 s12;
	s12 =	sadd.s32 $0x200, s12  }
.Ltmp1:
0x24: {  	[tilespmem:s11+$0x4130] =	vst v0;
	(pc) =	sbr.rel @p0 .LBB2_4-.Ltmp1, $4  }
0x25: {  	[tilespmem:s11+$0x4120] =	vst v0  }
0x26: {  	[tilespmem:s11+$0x4100] =	vst v0  }
0x27: {  	[tilespmem:s11+$0x4110] =	vst v0  }
0x28: {  	s11 =	sshra.s32 s13, $0x2  }
0x29: {  	[tilespmem:s11+$0x4140] =	vst v0  }
0x2a: {  	[tilespmem:s11+$0x4130] =	vst v0  }
0x2b: {  	[tilespmem:s11+$0x4120] =	vst v0  }
0x2c: {  	[tilespmem:s11+$0x4100] =	vst v0  }
0x2d: {  	[tilespmem:s11+$0x4110] =	vst v0;
	s13 =	rddreg [dreg:$0x4]  }
0x2e: {  	[spmem:s23], [sflag:s9] =	dma.local [hbm:s13], $0x2800  }
0x2f: {  	_ =	swait.ge [sflag:s24], $0x2800  }
0x30: {  	[sflag:s24] =	ssyncset.done $0x0  }
0x31: {  	[sflag:s24] =	ssyncadd.s32 $0xFFFFD800  }
0x32: {  	[spmem:s10] =	stream.linear.scatter [tilespmem:s25], [sflag:$0x4], $0x2000, $0x38;
	[tilespmem:$0x17100] =	vst v63  }
0x33: {  	_ =	swait.ge [sflag:s24], $0x2000  }
0x34: {  	[sflag:s24] =	ssyncset.done $0x0  }
0x35: {  	s14 =	rddreg [dreg:$0x5];
	[sflag:s24] =	ssyncadd.s32 $0xFFFFE000  }
0x36: {  	[spmem:s14] =	stream.linear.scatter [tilespmem:s25], [sflag:$0x4], $0x2000, $0x38;
	[tilespmem:$0x17100] =	vst v63  }
0x37: {  	_ =	swait.ge [sflag:s24], $0x2000  }
0x38: {  	[sflag:s24] =	ssyncset.done $0x0  }
0x39: {  	s12 =	rddreg [dreg:$0x6];
	[sflag:s24] =	ssyncadd.s32 $0xFFFFE000  }
0x3a: {  	[spmem:s12] =	stream.linear.scatter [tilespmem:s25], [sflag:$0x4], $0x2000, $0x38;
	[tilespmem:$0x17100] =	vst v63  }
0x3b: {  	_ =	swait.ge [sflag:s24], $0x2000  }
0x3c: {  	[sflag:s24] =	ssyncset.done $0x0  }
0x3d: {  	s13 =	rddreg [dreg:$0x7];
	[sflag:s24] =	ssyncadd.s32 $0xFFFFE000  }
0x3e: {  	[spmem:s13] =	stream.linear.scatter [tilespmem:s25], [sflag:$0x4], $0x2000, $0x38;
	[tilespmem:$0x17100] =	vst v63  }
0x3f: {  	_ =	swait.ge [sflag:s24], $0x2000  }
0x40: {  	[sflag:s24] =	ssyncset.done $0x0  }
0x41: {  	s14 =	rddreg [dreg:$0x8];
	[sflag:s24] =	ssyncadd.s32 $0xFFFFE000  }
0x42: {  	[spmem:s14] =	stream.linear.scatter [tilespmem:s25], [sflag:$0x4], $0x2000, $0x38;
	[tilespmem:$0x17100] =	vst v63  }
0x43: {  	_ =	swait.ge [sflag:s24], $0x2000  }
0x44: {  	[sflag:s24] =	ssyncset.done $0x0  }
0x45: {  	[sflag:s24] =	ssyncadd.s32 $0xFFFFE000  }
0x46: {  	[spmem:s15] =	stream.linear.scatter [tilespmem:s25], [sflag:$0x4], $0x2000, $0x38;
	[tilespmem:$0x17100] =	vst v63  }
0x47: {  	_ =	swait.ge [sflag:s24], $0x2000  }
0x48: {  	[sflag:s24] =	ssyncset.done $0x0  }
0x49: {  	[sflag:s24] =	ssyncadd.s32 $0xFFFFE000  }
0x4a: {  	[spmem:s16] =	stream.linear.scatter [tilespmem:s25], [sflag:$0x4], $0x2000, $0x38;
	[tilespmem:$0x17100] =	vst v63  }
0x4b: {  	_ =	swait.ge [sflag:s24], $0x2000  }
0x4c: {  	[sflag:s24] =	ssyncset.done $0x0  }
0x4d: {  	[sflag:s24] =	ssyncadd.s32 $0xFFFFE000  }
0x4e: {  	[spmem:s17] =	stream.linear.scatter [tilespmem:s25], [sflag:$0x4], $0x2000, $0x38;
	[tilespmem:$0x17100] =	vst v63  }
0x4f: {  	_ =	swait.ge [sflag:s24], $0x2000  }
0x50: {  	[sflag:s24] =	ssyncset.done $0x0  }
0x51: {  	[sflag:s24] =	ssyncadd.s32 $0xFFFFE000  }
0x52: {  	[spmem:s18] =	stream.linear.scatter [tilespmem:s25], [sflag:$0x4], $0x2000, $0x38;
	[tilespmem:$0x17100] =	vst v63  }
0x53: {  	_ =	swait.ge [sflag:s24], $0x2000  }
0x54: {  	[sflag:s24] =	ssyncset.done $0x0  }
0x55: {  	[sflag:s24] =	ssyncadd.s32 $0xFFFFE000  }
0x56: {  	[spmem:s19] =	stream.linear.scatter [tilespmem:s25], [sflag:$0x4], $0x2000, $0x38;
	[tilespmem:$0x17100] =	vst v63  }
0x57: {  	_ =	swait.ge [sflag:s24], $0x2000  }
0x58: {  	[sflag:s24] =	ssyncset.done $0x0  }
0x59: {  	[sflag:s24] =	ssyncadd.s32 $0xFFFFE000  }
0x5a: {  	s11 =	simm.s32 $0x0;
	s12 =	simm.s32 $0x0;
	[bflag:$0x0] =	sbarrier.arrive $0xFFFF  }
.LBB2_6:
0x5b: {  	s13 =	sshll.u32 s12, $0x6  }
0x5c: {  	s13 =	sadd.s32 s20, s13  }
0x5d: {  	s13 =	sshrl.u32 s13, $0x3  }
0x5e: {  	s14 =	sadd.s32 s5, s13  }
0x5f: {  	[tilespmem:s11], [sflag:$0x4] =	stream.linear.gather [hbm4b:s14+s11], $0x40, $0x38;
	[tilespmem:$0x17100] =	vst v63  }
0x60: {  	_ =	swait.ge [sflag:s24], $0x40  }
0x61: {  	[sflag:s24] =	ssyncset.done $0x0  }
0x62: {  	s13 =	sadd.s32 s6, s13;
	[sflag:s24] =	ssyncadd.s32 $0xFFFFFFC0  }
0x63: {  	[tilespmem:s26], [sflag:$0x4] =	stream.linear.gather [hbm4b:s13+s11], $0x40, $0x38;
	[tilespmem:$0x17100] =	vst v63  }
0x64: {  	_ =	swait.ge [sflag:s24], $0x40  }
0x65: {  	[sflag:s24] =	ssyncset.done $0x0  }
0x66: {  	[sflag:s24] =	ssyncadd.s32 $0xFFFFFFC0  }
0x67: {  	[tilespmem:s29], [sflag:$0x1] =	stream.indirect.gather [hbm4b:s7+s28], $0x80, s11, s28, $0xb8;
	[tilespmem:$0x17100] =	vst v63  }
0x68: {  	_ = 	snop  }
0x69: {  	[tilespmem:s30], [sflag:$0x2] =	stream.indirect.gather [spmem:s2], $0x10, s26, s28, $0xb8;
	[tilespmem:$0x17100] =	vst v63  }
0x6a: {  	_ =	swait.ge [sflag:s31], $0x2000  }
0x6b: {  	[sflag:s31] =	ssyncset.done $0x0  }
0x6c: {  	[sflag:s31] =	ssyncadd.s32 $0xFFFFE000  }
0x6d: {  	_ =	swait.ge [sflag:s0], $0x400  }
0x6e: {  	[sflag:s0] =	ssyncset.done $0x0  }
0x6f: {  	s13 =	simm.s32 $0x0;
	[sflag:s0] =	ssyncadd.s32 $0xFFFFFC00  }
.LBB2_7:
0x70: {  	v2 =	vmov s13  }
0x71: {  	v2 =	vshll.u32 v2, $0x7  }
0x72: {  	v2 =	vor.u32 v1, v2  }
0x73: {  	v3 =	vor.u32 $0x40, v2;
	_ =	sdelay $0x3  }
0x74: {  	v5 =	vld.idx.msk [tilespmem:v2+s30+$0x0], $0xffff  }
0x75: {  	v4 =	vld.idx.msk [tilespmem:v3+s29+$0x0], $0xffff;
	_ =	sdelay $0x4  }
0x76: {  	v4 =	vadd.f32 v5, v4;
	_ =	sdelay $0x1  }
0x77: {  	v5 =	vmul.f32 $2.000000030e-01, v4;
	_ =	sdelay $0x1  }
0x78: {  	v4 =	vmax.f32 v4, v5  }
0x79: {  	v4 =	vmul.f32 $1.442695020e+00, v4;
	_ =	sdelay $0x1  }
0x7a: {  	(erf) = vpow2.f32 v4;
	_ =	sdelay $0x5  }
0x7b: {  	v50 =	vor.u32 $0x41, v2  }
0x7c: {  	v9 =	vor.u32 $0x1, v2;
	_ =	sdelay $0x1  }
0x7d: {  	v10 =	vpop (erf)  }
0x7e: {  	[tilespmem:v3+s1+$0x0] =	vst.idx.msk $0xffff, v10  }
0x7f: {  	v3 =	vld.idx.msk [tilespmem:v50+s29+$0x0], $0xffff  }
0x80: {  	v51 =	vld.idx.msk [tilespmem:v9+s30+$0x0], $0xffff;
	_ =	sdelay $0x4  }
0x81: {  	v3 =	vadd.f32 v51, v3;
	_ =	sdelay $0x1  }
0x82: {  	v5 =	vmul.f32 $2.000000030e-01, v3;
	_ =	sdelay $0x1  }
0x83: {  	v3 =	vmax.f32 v3, v5  }
0x84: {  	v3 =	vmul.f32 $1.442695020e+00, v3;
	_ =	sdelay $0x1  }
0x85: {  	(erf) = vpow2.f32 v3;
	_ =	sdelay $0x5  }
0x86: {  	v3 =	vor.u32 $0x42, v2  }
0x87: {  	v11 =	vor.u32 $0x2, v2;
	_ =	sdelay $0x1  }
0x88: {  	v12 =	vpop (erf)  }
0x89: {  	[tilespmem:v50+s1+$0x0] =	vst.idx.msk $0xffff, v12  }
0x8a: {  	v4 =	vld.idx.msk [tilespmem:v3+s29+$0x0], $0xffff  }
0x8b: {  	v52 =	vld.idx.msk [tilespmem:v11+s30+$0x0], $0xffff;
	_ =	sdelay $0x4  }
0x8c: {  	v4 =	vadd.f32 v52, v4;
	_ =	sdelay $0x1  }
0x8d: {  	v5 =	vmul.f32 $2.000000030e-01, v4;
	_ =	sdelay $0x1  }
0x8e: {  	v4 =	vmax.f32 v4, v5  }
0x8f: {  	v4 =	vmul.f32 $1.442695020e+00, v4;
	_ =	sdelay $0x1  }
0x90: {  	(erf) = vpow2.f32 v4;
	_ =	sdelay $0x5  }
0x91: {  	v53 =	vor.u32 $0x43, v2  }
0x92: {  	v13 =	vor.u32 $0x3, v2;
	_ =	sdelay $0x1  }
0x93: {  	v8 =	vpop (erf)  }
0x94: {  	[tilespmem:v3+s1+$0x0] =	vst.idx.msk $0xffff, v8  }
0x95: {  	v3 =	vld.idx.msk [tilespmem:v53+s29+$0x0], $0xffff  }
0x96: {  	v54 =	vld.idx.msk [tilespmem:v13+s30+$0x0], $0xffff;
	_ =	sdelay $0x4  }
0x97: {  	v3 =	vadd.f32 v54, v3;
	_ =	sdelay $0x1  }
0x98: {  	v5 =	vmul.f32 $2.000000030e-01, v3;
	_ =	sdelay $0x1  }
0x99: {  	v3 =	vmax.f32 v3, v5  }
0x9a: {  	v3 =	vmul.f32 $1.442695020e+00, v3;
	_ =	sdelay $0x1  }
0x9b: {  	(erf) = vpow2.f32 v3;
	_ =	sdelay $0x5  }
0x9c: {  	v3 =	vor.u32 $0x44, v2  }
0x9d: {  	v14 =	vor.u32 $0x4, v2;
	_ =	sdelay $0x1  }
0x9e: {  	v7 =	vpop (erf)  }
0x9f: {  	[tilespmem:v53+s1+$0x0] =	vst.idx.msk $0xffff, v7  }
0xa0: {  	v4 =	vld.idx.msk [tilespmem:v3+s29+$0x0], $0xffff  }
0xa1: {  	v55 =	vld.idx.msk [tilespmem:v14+s30+$0x0], $0xffff;
	_ =	sdelay $0x4  }
0xa2: {  	v4 =	vadd.f32 v55, v4;
	_ =	sdelay $0x1  }
0xa3: {  	v5 =	vmul.f32 $2.000000030e-01, v4;
	_ =	sdelay $0x1  }
0xa4: {  	v4 =	vmax.f32 v4, v5  }
0xa5: {  	v4 =	vmul.f32 $1.442695020e+00, v4;
	_ =	sdelay $0x1  }
0xa6: {  	(erf) = vpow2.f32 v4;
	_ =	sdelay $0x5  }
0xa7: {  	v56 =	vor.u32 $0x45, v2  }
0xa8: {  	v15 =	vor.u32 $0x5, v2;
	_ =	sdelay $0x1  }
0xa9: {  	v6 =	vpop (erf)  }
0xaa: {  	[tilespmem:v3+s1+$0x0] =	vst.idx.msk $0xffff, v6  }
0xab: {  	v3 =	vld.idx.msk [tilespmem:v56+s29+$0x0], $0xffff  }
0xac: {  	v57 =	vld.idx.msk [tilespmem:v15+s30+$0x0], $0xffff;
	_ =	sdelay $0x4  }
0xad: {  	v3 =	vadd.f32 v57, v3;
	_ =	sdelay $0x1  }
0xae: {  	v5 =	vmul.f32 $2.000000030e-01, v3;
	_ =	sdelay $0x1  }
0xaf: {  	v3 =	vmax.f32 v3, v5  }
0xb0: {  	v3 =	vmul.f32 $1.442695020e+00, v3;
	_ =	sdelay $0x1  }
0xb1: {  	(erf) = vpow2.f32 v3;
	_ =	sdelay $0x5  }
0xb2: {  	v3 =	vor.u32 $0x46, v2  }
0xb3: {  	v16 =	vor.u32 $0x6, v2;
	_ =	sdelay $0x1  }
0xb4: {  	v58 =	vpop (erf)  }
0xb5: {  	[tilespmem:v56+s1+$0x0] =	vst.idx.msk $0xffff, v58  }
0xb6: {  	v4 =	vld.idx.msk [tilespmem:v3+s29+$0x0], $0xffff  }
0xb7: {  	v17 =	vld.idx.msk [tilespmem:v16+s30+$0x0], $0xffff;
	_ =	sdelay $0x4  }
0xb8: {  	v4 =	vadd.f32 v17, v4;
	_ =	sdelay $0x1  }
0xb9: {  	v17 =	vmul.f32 $2.000000030e-01, v4;
	_ =	sdelay $0x1  }
0xba: {  	v4 =	vmax.f32 v4, v17  }
0xbb: {  	v4 =	vmul.f32 $1.442695020e+00, v4;
	_ =	sdelay $0x1  }
0xbc: {  	(erf) = vpow2.f32 v4;
	_ =	sdelay $0x5  }
0xbd: {  	v59 =	vor.u32 $0x47, v2  }
0xbe: {  	v18 =	vor.u32 $0x7, v2;
	_ =	sdelay $0x1  }
0xbf: {  	v4 =	vpop (erf)  }
0xc0: {  	[tilespmem:v3+s1+$0x0] =	vst.idx.msk $0xffff, v4  }
0xc1: {  	v3 =	vld.idx.msk [tilespmem:v59+s29+$0x0], $0xffff  }
0xc2: {  	v19 =	vld.idx.msk [tilespmem:v18+s30+$0x0], $0xffff;
	_ =	sdelay $0x4  }
0xc3: {  	v3 =	vadd.f32 v19, v3;
	_ =	sdelay $0x1  }
0xc4: {  	v19 =	vmul.f32 $2.000000030e-01, v3;
	_ =	sdelay $0x1  }
0xc5: {  	v3 =	vmax.f32 v3, v19  }
0xc6: {  	v3 =	vmul.f32 $1.442695020e+00, v3;
	_ =	sdelay $0x1  }
0xc7: {  	(erf) = vpow2.f32 v3;
	_ =	sdelay $0x8  }
0xc8: {  	v3 =	vpop (erf)  }
0xc9: {  	[tilespmem:v59+s1+$0x0] =	vst.idx.msk $0xffff, v3  }
0xca: {  	v17 =	vld.idx.msk [tilespmem:v2+s29+$0x0], $0xffff;
	_ =	sdelay $0x4  }
0xcb: {  	v17 =	vmul.f32 v17, v10;
	_ =	sdelay $0x1  }
0xcc: {  	[tilespmem:v2+s1+$0x0] =	vst.idx.msk $0xffff, v17  }
0xcd: {  	v17 =	vld.idx.msk [tilespmem:v9+s29+$0x0], $0xffff;
	_ =	sdelay $0x4  }
0xce: {  	v17 =	vmul.f32 v17, v10;
	_ =	sdelay $0x1  }
0xcf: {  	[tilespmem:v9+s1+$0x0] =	vst.idx.msk $0xffff, v17  }
0xd0: {  	v9 =	vld.idx.msk [tilespmem:v11+s29+$0x0], $0xffff;
	_ =	sdelay $0x4  }
0xd1: {  	v9 =	vmul.f32 v9, v10;
	_ =	sdelay $0x1  }
0xd2: {  	[tilespmem:v11+s1+$0x0] =	vst.idx.msk $0xffff, v9  }
0xd3: {  	v9 =	vld.idx.msk [tilespmem:v13+s29+$0x0], $0xffff;
	_ =	sdelay $0x4  }
0xd4: {  	v9 =	vmul.f32 v9, v10;
	_ =	sdelay $0x1  }
0xd5: {  	[tilespmem:v13+s1+$0x0] =	vst.idx.msk $0xffff, v9  }
0xd6: {  	v9 =	vld.idx.msk [tilespmem:v14+s29+$0x0], $0xffff;
	_ =	sdelay $0x4  }
0xd7: {  	v9 =	vmul.f32 v9, v10;
	_ =	sdelay $0x1  }
0xd8: {  	[tilespmem:v14+s1+$0x0] =	vst.idx.msk $0xffff, v9  }
0xd9: {  	v9 =	vld.idx.msk [tilespmem:v15+s29+$0x0], $0xffff;
	_ =	sdelay $0x4  }
0xda: {  	v9 =	vmul.f32 v9, v10;
	_ =	sdelay $0x1  }
0xdb: {  	[tilespmem:v15+s1+$0x0] =	vst.idx.msk $0xffff, v9  }
0xdc: {  	v9 =	vld.idx.msk [tilespmem:v16+s29+$0x0], $0xffff;
	_ =	sdelay $0x4  }
0xdd: {  	v9 =	vmul.f32 v9, v10;
	_ =	sdelay $0x1  }
0xde: {  	[tilespmem:v16+s1+$0x0] =	vst.idx.msk $0xffff, v9  }
0xdf: {  	v9 =	vld.idx.msk [tilespmem:v18+s29+$0x0], $0xffff;
	_ =	sdelay $0x2  }
0xe0: {  	v60 =	vor.u32 $0x8, v2;
	_ =	sdelay $0x1  }
0xe1: {  	v9 =	vmul.f32 v9, v10;
	_ =	sdelay $0x1  }
0xe2: {  	[tilespmem:v18+s1+$0x0] =	vst.idx.msk $0xffff, v9  }
0xe3: {  	v9 =	vld.idx.msk [tilespmem:v60+s29+$0x0], $0xffff;
	_ =	sdelay $0x2  }
0xe4: {  	v61 =	vor.u32 $0x9, v2;
	_ =	sdelay $0x1  }
0xe5: {  	v9 =	vmul.f32 v9, v12;
	_ =	sdelay $0x1  }
0xe6: {  	[tilespmem:v60+s1+$0x0] =	vst.idx.msk $0xffff, v9  }
0xe7: {  	v9 =	vld.idx.msk [tilespmem:v61+s29+$0x0], $0xffff;
	_ =	sdelay $0x2  }
0xe8: {  	v62 =	vor.u32 $0xA, v2;
	_ =	sdelay $0x1  }
0xe9: {  	v9 =	vmul.f32 v9, v12;
	_ =	sdelay $0x1  }
0xea: {  	[tilespmem:v61+s1+$0x0] =	vst.idx.msk $0xffff, v9  }
0xeb: {  	v9 =	vld.idx.msk [tilespmem:v62+s29+$0x0], $0xffff;
	_ =	sdelay $0x2  }
0xec: {  	v63 =	vor.u32 $0xB, v2;
	_ =	sdelay $0x1  }
0xed: {  	v9 =	vmul.f32 v9, v12;
	_ =	sdelay $0x1  }
0xee: {  	[tilespmem:v62+s1+$0x0] =	vst.idx.msk $0xffff, v9  }
0xef: {  	v9 =	vld.idx.msk [tilespmem:v63+s29+$0x0], $0xffff;
	_ =	sdelay $0x2  }
0xf0: {  	v13 =	vor.u32 $0xC, v2;
	_ =	sdelay $0x1  }
0xf1: {  	v9 =	vmul.f32 v9, v12;
	_ =	sdelay $0x1  }
0xf2: {  	[tilespmem:v63+s1+$0x0] =	vst.idx.msk $0xffff, v9  }
0xf3: {  	v9 =	vld.idx.msk [tilespmem:v13+s29+$0x0], $0xffff;
	_ =	sdelay $0x2  }
0xf4: {  	v14 =	vor.u32 $0xD, v2;
	_ =	sdelay $0x1  }
0xf5: {  	v9 =	vmul.f32 v9, v12;
	_ =	sdelay $0x1  }
0xf6: {  	[tilespmem:v13+s1+$0x0] =	vst.idx.msk $0xffff, v9  }
0xf7: {  	v9 =	vld.idx.msk [tilespmem:v14+s29+$0x0], $0xffff;
	_ =	sdelay $0x2  }
0xf8: {  	v15 =	vor.u32 $0xE, v2;
	_ =	sdelay $0x1  }
0xf9: {  	v9 =	vmul.f32 v9, v12;
	_ =	sdelay $0x1  }
0xfa: {  	[tilespmem:v14+s1+$0x0] =	vst.idx.msk $0xffff, v9  }
0xfb: {  	v9 =	vld.idx.msk [tilespmem:v15+s29+$0x0], $0xffff;
	_ =	sdelay $0x2  }
0xfc: {  	v16 =	vor.u32 $0xF, v2;
	_ =	sdelay $0x1  }
0xfd: {  	v9 =	vmul.f32 v9, v12;
	_ =	sdelay $0x1  }
0xfe: {  	[tilespmem:v15+s1+$0x0] =	vst.idx.msk $0xffff, v9  }
0xff: {  	v9 =	vld.idx.msk [tilespmem:v16+s29+$0x0], $0xffff;
	_ =	sdelay $0x2  }
0x100: {  	v17 =	vor.u32 $0x10, v2;
	_ =	sdelay $0x1  }
0x101: {  	v9 =	vmul.f32 v9, v12;
	_ =	sdelay $0x1  }
0x102: {  	[tilespmem:v16+s1+$0x0] =	vst.idx.msk $0xffff, v9  }
0x103: {  	v9 =	vld.idx.msk [tilespmem:v17+s29+$0x0], $0xffff;
	_ =	sdelay $0x2  }
0x104: {  	v18 =	vor.u32 $0x11, v2;
	_ =	sdelay $0x1  }
0x105: {  	v9 =	vmul.f32 v9, v8;
	_ =	sdelay $0x1  }
0x106: {  	[tilespmem:v17+s1+$0x0] =	vst.idx.msk $0xffff, v9  }
0x107: {  	v9 =	vld.idx.msk [tilespmem:v18+s29+$0x0], $0xffff;
	_ =	sdelay $0x2  }
0x108: {  	v19 =	vor.u32 $0x12, v2;
	_ =	sdelay $0x1  }
0x109: {  	v9 =	vmul.f32 v9, v8;
	_ =	sdelay $0x1  }
0x10a: {  	[tilespmem:v18+s1+$0x0] =	vst.idx.msk $0xffff, v9  }
0x10b: {  	v9 =	vld.idx.msk [tilespmem:v19+s29+$0x0], $0xffff;
	_ =	sdelay $0x2  }
0x10c: {  	v20 =	vor.u32 $0x13, v2;
	_ =	sdelay $0x1  }
0x10d: {  	v9 =	vmul.f32 v9, v8;
	_ =	sdelay $0x1  }
0x10e: {  	[tilespmem:v19+s1+$0x0] =	vst.idx.msk $0xffff, v9  }
0x10f: {  	v9 =	vld.idx.msk [tilespmem:v20+s29+$0x0], $0xffff;
	_ =	sdelay $0x2  }
0x110: {  	v21 =	vor.u32 $0x14, v2;
	_ =	sdelay $0x1  }
0x111: {  	v9 =	vmul.f32 v9, v8;
	_ =	sdelay $0x1  }
0x112: {  	[tilespmem:v20+s1+$0x0] =	vst.idx.msk $0xffff, v9  }
0x113: {  	v9 =	vld.idx.msk [tilespmem:v21+s29+$0x0], $0xffff;
	_ =	sdelay $0x2  }
0x114: {  	v22 =	vor.u32 $0x15, v2;
	_ =	sdelay $0x1  }
0x115: {  	v9 =	vmul.f32 v9, v8;
	_ =	sdelay $0x1  }
0x116: {  	[tilespmem:v21+s1+$0x0] =	vst.idx.msk $0xffff, v9  }
0x117: {  	v9 =	vld.idx.msk [tilespmem:v22+s29+$0x0], $0xffff;
	_ =	sdelay $0x2  }
0x118: {  	v23 =	vor.u32 $0x16, v2;
	_ =	sdelay $0x1  }
0x119: {  	v9 =	vmul.f32 v9, v8;
	_ =	sdelay $0x1  }
0x11a: {  	[tilespmem:v22+s1+$0x0] =	vst.idx.msk $0xffff, v9  }
0x11b: {  	v9 =	vld.idx.msk [tilespmem:v23+s29+$0x0], $0xffff;
	_ =	sdelay $0x2  }
0x11c: {  	v24 =	vor.u32 $0x17, v2;
	_ =	sdelay $0x1  }
0x11d: {  	v9 =	vmul.f32 v9, v8;
	_ =	sdelay $0x1  }
0x11e: {  	[tilespmem:v23+s1+$0x0] =	vst.idx.msk $0xffff, v9  }
0x11f: {  	v9 =	vld.idx.msk [tilespmem:v24+s29+$0x0], $0xffff;
	_ =	sdelay $0x2  }
0x120: {  	v25 =	vor.u32 $0x18, v2;
	_ =	sdelay $0x1  }
0x121: {  	v8 =	vmul.f32 v9, v8;
	_ =	sdelay $0x1  }
0x122: {  	[tilespmem:v24+s1+$0x0] =	vst.idx.msk $0xffff, v8  }
0x123: {  	v8 =	vld.idx.msk [tilespmem:v25+s29+$0x0], $0xffff;
	_ =	sdelay $0x2  }
0x124: {  	v26 =	vor.u32 $0x19, v2;
	_ =	sdelay $0x1  }
0x125: {  	v8 =	vmul.f32 v8, v7;
	_ =	sdelay $0x1  }
0x126: {  	[tilespmem:v25+s1+$0x0] =	vst.idx.msk $0xffff, v8  }
0x127: {  	v8 =	vld.idx.msk [tilespmem:v26+s29+$0x0], $0xffff;
	_ =	sdelay $0x2  }
0x128: {  	v27 =	vor.u32 $0x1A, v2;
	_ =	sdelay $0x1  }
0x129: {  	v8 =	vmul.f32 v8, v7;
	_ =	sdelay $0x1  }
0x12a: {  	[tilespmem:v26+s1+$0x0] =	vst.idx.msk $0xffff, v8  }
0x12b: {  	v8 =	vld.idx.msk [tilespmem:v27+s29+$0x0], $0xffff;
	_ =	sdelay $0x2  }
0x12c: {  	v28 =	vor.u32 $0x1B, v2;
	_ =	sdelay $0x1  }
0x12d: {  	v8 =	vmul.f32 v8, v7;
	_ =	sdelay $0x1  }
0x12e: {  	[tilespmem:v27+s1+$0x0] =	vst.idx.msk $0xffff, v8  }
0x12f: {  	v8 =	vld.idx.msk [tilespmem:v28+s29+$0x0], $0xffff;
	_ =	sdelay $0x2  }
0x130: {  	v29 =	vor.u32 $0x1C, v2;
	_ =	sdelay $0x1  }
0x131: {  	v8 =	vmul.f32 v8, v7;
	_ =	sdelay $0x1  }
0x132: {  	[tilespmem:v28+s1+$0x0] =	vst.idx.msk $0xffff, v8  }
0x133: {  	v8 =	vld.idx.msk [tilespmem:v29+s29+$0x0], $0xffff;
	_ =	sdelay $0x2  }
0x134: {  	v30 =	vor.u32 $0x1D, v2;
	_ =	sdelay $0x1  }
0x135: {  	v8 =	vmul.f32 v8, v7;
	_ =	sdelay $0x1  }
0x136: {  	[tilespmem:v29+s1+$0x0] =	vst.idx.msk $0xffff, v8  }
0x137: {  	v8 =	vld.idx.msk [tilespmem:v30+s29+$0x0], $0xffff;
	_ =	sdelay $0x2  }
0x138: {  	v31 =	vor.u32 $0x1E, v2;
	_ =	sdelay $0x1  }
0x139: {  	v8 =	vmul.f32 v8, v7;
	_ =	sdelay $0x1  }
0x13a: {  	[tilespmem:v30+s1+$0x0] =	vst.idx.msk $0xffff, v8  }
0x13b: {  	v8 =	vld.idx.msk [tilespmem:v31+s29+$0x0], $0xffff;
	_ =	sdelay $0x2  }
0x13c: {  	v32 =	vor.u32 $0x1F, v2;
	_ =	sdelay $0x1  }
0x13d: {  	v8 =	vmul.f32 v8, v7;
	_ =	sdelay $0x1  }
0x13e: {  	[tilespmem:v31+s1+$0x0] =	vst.idx.msk $0xffff, v8  }
0x13f: {  	v8 =	vld.idx.msk [tilespmem:v32+s29+$0x0], $0xffff;
	_ =	sdelay $0x2  }
0x140: {  	v33 =	vor.u32 $0x20, v2;
	_ =	sdelay $0x1  }
0x141: {  	v7 =	vmul.f32 v8, v7;
	_ =	sdelay $0x1  }
0x142: {  	[tilespmem:v32+s1+$0x0] =	vst.idx.msk $0xffff, v7  }
0x143: {  	v7 =	vld.idx.msk [tilespmem:v33+s29+$0x0], $0xffff;
	_ =	sdelay $0x2  }
0x144: {  	v34 =	vor.u32 $0x21, v2;
	_ =	sdelay $0x1  }
0x145: {  	v7 =	vmul.f32 v7, v6;
	_ =	sdelay $0x1  }
0x146: {  	[tilespmem:v33+s1+$0x0] =	vst.idx.msk $0xffff, v7  }
0x147: {  	v7 =	vld.idx.msk [tilespmem:v34+s29+$0x0], $0xffff;
	_ =	sdelay $0x2  }
0x148: {  	v35 =	vor.u32 $0x22, v2;
	_ =	sdelay $0x1  }
0x149: {  	v7 =	vmul.f32 v7, v6;
	_ =	sdelay $0x1  }
0x14a: {  	[tilespmem:v34+s1+$0x0] =	vst.idx.msk $0xffff, v7  }
0x14b: {  	v7 =	vld.idx.msk [tilespmem:v35+s29+$0x0], $0xffff;
	_ =	sdelay $0x2  }
0x14c: {  	v36 =	vor.u32 $0x23, v2;
	_ =	sdelay $0x1  }
0x14d: {  	v7 =	vmul.f32 v7, v6;
	_ =	sdelay $0x1  }
0x14e: {  	[tilespmem:v35+s1+$0x0] =	vst.idx.msk $0xffff, v7  }
0x14f: {  	v7 =	vld.idx.msk [tilespmem:v36+s29+$0x0], $0xffff;
	_ =	sdelay $0x2  }
0x150: {  	v37 =	vor.u32 $0x24, v2;
	_ =	sdelay $0x1  }
0x151: {  	v7 =	vmul.f32 v7, v6;
	_ =	sdelay $0x1  }
0x152: {  	[tilespmem:v36+s1+$0x0] =	vst.idx.msk $0xffff, v7  }
0x153: {  	v7 =	vld.idx.msk [tilespmem:v37+s29+$0x0], $0xffff;
	_ =	sdelay $0x2  }
0x154: {  	v38 =	vor.u32 $0x25, v2;
	_ =	sdelay $0x1  }
0x155: {  	v7 =	vmul.f32 v7, v6;
	_ =	sdelay $0x1  }
0x156: {  	[tilespmem:v37+s1+$0x0] =	vst.idx.msk $0xffff, v7  }
0x157: {  	v7 =	vld.idx.msk [tilespmem:v38+s29+$0x0], $0xffff;
	_ =	sdelay $0x2  }
0x158: {  	v39 =	vor.u32 $0x26, v2;
	_ =	sdelay $0x1  }
0x159: {  	v7 =	vmul.f32 v7, v6;
	_ =	sdelay $0x1  }
0x15a: {  	[tilespmem:v38+s1+$0x0] =	vst.idx.msk $0xffff, v7  }
0x15b: {  	v7 =	vld.idx.msk [tilespmem:v39+s29+$0x0], $0xffff;
	_ =	sdelay $0x2  }
0x15c: {  	v40 =	vor.u32 $0x27, v2;
	_ =	sdelay $0x1  }
0x15d: {  	v7 =	vmul.f32 v7, v6;
	_ =	sdelay $0x1  }
0x15e: {  	[tilespmem:v39+s1+$0x0] =	vst.idx.msk $0xffff, v7  }
0x15f: {  	v7 =	vld.idx.msk [tilespmem:v40+s29+$0x0], $0xffff;
	_ =	sdelay $0x2  }
0x160: {  	v41 =	vor.u32 $0x28, v2;
	_ =	sdelay $0x1  }
0x161: {  	v6 =	vmul.f32 v7, v6;
	_ =	sdelay $0x1  }
0x162: {  	[tilespmem:v40+s1+$0x0] =	vst.idx.msk $0xffff, v6  }
0x163: {  	v6 =	vld.idx.msk [tilespmem:v41+s29+$0x0], $0xffff;
	_ =	sdelay $0x2  }
0x164: {  	v42 =	vor.u32 $0x29, v2;
	_ =	sdelay $0x1  }
0x165: {  	v6 =	vmul.f32 v6, v58;
	_ =	sdelay $0x1  }
0x166: {  	[tilespmem:v41+s1+$0x0] =	vst.idx.msk $0xffff, v6  }
0x167: {  	v6 =	vld.idx.msk [tilespmem:v42+s29+$0x0], $0xffff;
	_ =	sdelay $0x2  }
0x168: {  	v43 =	vor.u32 $0x2A, v2;
	_ =	sdelay $0x1  }
0x169: {  	v6 =	vmul.f32 v6, v58;
	_ =	sdelay $0x1  }
0x16a: {  	[tilespmem:v42+s1+$0x0] =	vst.idx.msk $0xffff, v6  }
0x16b: {  	v6 =	vld.idx.msk [tilespmem:v43+s29+$0x0], $0xffff;
	_ =	sdelay $0x2  }
0x16c: {  	v44 =	vor.u32 $0x2B, v2;
	_ =	sdelay $0x1  }
0x16d: {  	v6 =	vmul.f32 v6, v58;
	_ =	sdelay $0x1  }
0x16e: {  	[tilespmem:v43+s1+$0x0] =	vst.idx.msk $0xffff, v6  }
0x16f: {  	v6 =	vld.idx.msk [tilespmem:v44+s29+$0x0], $0xffff;
	_ =	sdelay $0x2  }
0x170: {  	v45 =	vor.u32 $0x2C, v2;
	_ =	sdelay $0x1  }
0x171: {  	v6 =	vmul.f32 v6, v58;
	_ =	sdelay $0x1  }
0x172: {  	[tilespmem:v44+s1+$0x0] =	vst.idx.msk $0xffff, v6  }
0x173: {  	v6 =	vld.idx.msk [tilespmem:v45+s29+$0x0], $0xffff;
	_ =	sdelay $0x2  }
0x174: {  	v46 =	vor.u32 $0x2D, v2;
	_ =	sdelay $0x1  }
0x175: {  	v6 =	vmul.f32 v6, v58;
	_ =	sdelay $0x1  }
0x176: {  	[tilespmem:v45+s1+$0x0] =	vst.idx.msk $0xffff, v6  }
0x177: {  	v6 =	vld.idx.msk [tilespmem:v46+s29+$0x0], $0xffff;
	_ =	sdelay $0x2  }
0x178: {  	v47 =	vor.u32 $0x2E, v2;
	_ =	sdelay $0x1  }
0x179: {  	v6 =	vmul.f32 v6, v58;
	_ =	sdelay $0x1  }
0x17a: {  	[tilespmem:v46+s1+$0x0] =	vst.idx.msk $0xffff, v6  }
0x17b: {  	v6 =	vld.idx.msk [tilespmem:v47+s29+$0x0], $0xffff;
	_ =	sdelay $0x2  }
0x17c: {  	v48 =	vor.u32 $0x2F, v2;
	_ =	sdelay $0x1  }
0x17d: {  	v6 =	vmul.f32 v6, v58;
	_ =	sdelay $0x1  }
0x17e: {  	[tilespmem:v47+s1+$0x0] =	vst.idx.msk $0xffff, v6  }
0x17f: {  	v6 =	vld.idx.msk [tilespmem:v48+s29+$0x0], $0xffff;
	_ =	sdelay $0x2  }
0x180: {  	v49 =	vor.u32 $0x30, v2;
	_ =	sdelay $0x1  }
0x181: {  	v5 =	vmul.f32 v6, v58;
	_ =	sdelay $0x1  }
0x182: {  	[tilespmem:v48+s1+$0x0] =	vst.idx.msk $0xffff, v5  }
0x183: {  	v5 =	vld.idx.msk [tilespmem:v49+s29+$0x0], $0xffff;
	_ =	sdelay $0x2  }
0x184: {  	v50 =	vor.u32 $0x31, v2;
	_ =	sdelay $0x1  }
0x185: {  	v5 =	vmul.f32 v5, v4;
	_ =	sdelay $0x1  }
0x186: {  	[tilespmem:v49+s1+$0x0] =	vst.idx.msk $0xffff, v5  }
0x187: {  	v5 =	vld.idx.msk [tilespmem:v50+s29+$0x0], $0xffff;
	_ =	sdelay $0x2  }
0x188: {  	v51 =	vor.u32 $0x32, v2;
	_ =	sdelay $0x1  }
0x189: {  	v5 =	vmul.f32 v5, v4;
	_ =	sdelay $0x1  }
0x18a: {  	[tilespmem:v50+s1+$0x0] =	vst.idx.msk $0xffff, v5  }
0x18b: {  	v5 =	vld.idx.msk [tilespmem:v51+s29+$0x0], $0xffff;
	_ =	sdelay $0x2  }
0x18c: {  	v52 =	vor.u32 $0x33, v2;
	_ =	sdelay $0x1  }
0x18d: {  	v5 =	vmul.f32 v5, v4;
	_ =	sdelay $0x1  }
0x18e: {  	[tilespmem:v51+s1+$0x0] =	vst.idx.msk $0xffff, v5  }
0x18f: {  	v5 =	vld.idx.msk [tilespmem:v52+s29+$0x0], $0xffff;
	_ =	sdelay $0x2  }
0x190: {  	v53 =	vor.u32 $0x34, v2;
	_ =	sdelay $0x1  }
0x191: {  	v5 =	vmul.f32 v5, v4;
	_ =	sdelay $0x1  }
0x192: {  	[tilespmem:v52+s1+$0x0] =	vst.idx.msk $0xffff, v5  }
0x193: {  	v5 =	vld.idx.msk [tilespmem:v53+s29+$0x0], $0xffff;
	_ =	sdelay $0x2  }
0x194: {  	v54 =	vor.u32 $0x35, v2;
	_ =	sdelay $0x1  }
0x195: {  	v5 =	vmul.f32 v5, v4;
	_ =	sdelay $0x1  }
0x196: {  	[tilespmem:v53+s1+$0x0] =	vst.idx.msk $0xffff, v5  }
0x197: {  	v5 =	vld.idx.msk [tilespmem:v54+s29+$0x0], $0xffff;
	_ =	sdelay $0x2  }
0x198: {  	v55 =	vor.u32 $0x36, v2;
	_ =	sdelay $0x1  }
0x199: {  	v5 =	vmul.f32 v5, v4;
	_ =	sdelay $0x1  }
0x19a: {  	[tilespmem:v54+s1+$0x0] =	vst.idx.msk $0xffff, v5  }
0x19b: {  	v5 =	vld.idx.msk [tilespmem:v55+s29+$0x0], $0xffff;
	_ =	sdelay $0x2  }
0x19c: {  	v56 =	vor.u32 $0x37, v2;
	_ =	sdelay $0x1  }
0x19d: {  	v5 =	vmul.f32 v5, v4;
	_ =	sdelay $0x1  }
0x19e: {  	[tilespmem:v55+s1+$0x0] =	vst.idx.msk $0xffff, v5  }
0x19f: {  	v5 =	vld.idx.msk [tilespmem:v56+s29+$0x0], $0xffff;
	_ =	sdelay $0x2  }
0x1a0: {  	v57 =	vor.u32 $0x38, v2;
	_ =	sdelay $0x1  }
0x1a1: {  	v4 =	vmul.f32 v5, v4;
	_ =	sdelay $0x1  }
0x1a2: {  	[tilespmem:v56+s1+$0x0] =	vst.idx.msk $0xffff, v4  }
0x1a3: {  	v4 =	vld.idx.msk [tilespmem:v57+s29+$0x0], $0xffff;
	_ =	sdelay $0x2  }
0x1a4: {  	v58 =	vor.u32 $0x39, v2;
	_ =	sdelay $0x1  }
0x1a5: {  	v4 =	vmul.f32 v4, v3;
	_ =	sdelay $0x1  }
0x1a6: {  	[tilespmem:v57+s1+$0x0] =	vst.idx.msk $0xffff, v4  }
0x1a7: {  	v4 =	vld.idx.msk [tilespmem:v58+s29+$0x0], $0xffff;
	_ =	sdelay $0x2  }
0x1a8: {  	v59 =	vor.u32 $0x3A, v2;
	_ =	sdelay $0x1  }
0x1a9: {  	v4 =	vmul.f32 v4, v3;
	_ =	sdelay $0x1  }
0x1aa: {  	[tilespmem:v58+s1+$0x0] =	vst.idx.msk $0xffff, v4  }
0x1ab: {  	v4 =	vld.idx.msk [tilespmem:v59+s29+$0x0], $0xffff;
	_ =	sdelay $0x2  }
0x1ac: {  	v60 =	vor.u32 $0x3B, v2;
	_ =	sdelay $0x1  }
0x1ad: {  	v4 =	vmul.f32 v4, v3;
	_ =	sdelay $0x1  }
0x1ae: {  	[tilespmem:v59+s1+$0x0] =	vst.idx.msk $0xffff, v4  }
0x1af: {  	v4 =	vld.idx.msk [tilespmem:v60+s29+$0x0], $0xffff;
	_ =	sdelay $0x2  }
0x1b0: {  	v61 =	vor.u32 $0x3C, v2;
	_ =	sdelay $0x1  }
0x1b1: {  	v4 =	vmul.f32 v4, v3;
	_ =	sdelay $0x1  }
0x1b2: {  	[tilespmem:v60+s1+$0x0] =	vst.idx.msk $0xffff, v4  }
0x1b3: {  	v4 =	vld.idx.msk [tilespmem:v61+s29+$0x0], $0xffff;
	_ =	sdelay $0x2  }
0x1b4: {  	v62 =	vor.u32 $0x3D, v2;
	_ =	sdelay $0x1  }
0x1b5: {  	v4 =	vmul.f32 v4, v3;
	_ =	sdelay $0x1  }
0x1b6: {  	[tilespmem:v61+s1+$0x0] =	vst.idx.msk $0xffff, v4  }
0x1b7: {  	v4 =	vld.idx.msk [tilespmem:v62+s29+$0x0], $0xffff;
	_ =	sdelay $0x2  }
0x1b8: {  	v63 =	vor.u32 $0x3E, v2;
	_ =	sdelay $0x1  }
0x1b9: {  	v4 =	vmul.f32 v4, v3;
	_ =	sdelay $0x1  }
0x1ba: {  	[tilespmem:v62+s1+$0x0] =	vst.idx.msk $0xffff, v4  }
0x1bb: {  	v4 =	vld.idx.msk [tilespmem:v63+s29+$0x0], $0xffff;
	_ =	sdelay $0x2  }
0x1bc: {  	v2 =	vor.u32 $0x3F, v2;
	_ =	sdelay $0x1  }
0x1bd: {  	v4 =	vmul.f32 v4, v3;
	_ =	sdelay $0x1  }
0x1be: {  	[tilespmem:v63+s1+$0x0] =	vst.idx.msk $0xffff, v4  }
0x1bf: {  	v4 =	vld.idx.msk [tilespmem:v2+s29+$0x0], $0xffff;
	_ =	sdelay $0x1  }
0x1c0: {  	p0 =	sne.s32 s13, $0x30  }
.Ltmp2:
0x1c1: {  	_ = 	snop;
	(pc) =	sbr.rel @p0 .LBB2_7-.Ltmp2, $3  }
0x1c2: {  	_ = 	snop  }
0x1c3: {  	v3 =	vmul.f32 v4, v3;
	_ =	sdelay $0x1  }
0x1c4: {  	s13 =	sadd.s32 $0x10, s13;
	[tilespmem:v2+s1+$0x0] =	vst.idx.msk $0xffff, v3  }
0x1c5: {  	s12 =	sadd.s32 $0x1, s12  }
0x1c6: {  	p0 =	sne.s32 s12, $0xA2  }
.Ltmp3:
0x1c7: {  	_ = 	snop;
	(pc) =	sbr.rel @p0 .LBB2_6-.Ltmp3, $4  }
0x1c8: {  	[spmem:s3] =	stream.indirect.scatter.add.f32 [tilespmem:s1], [sflag:$0x3], $0x50, s26, s28, $0xb8;
	[tilespmem:$0x17100] =	vst v63  }
0x1c9: {  	_ =	swait.ge [sflag:s8], $0x1400  }
0x1ca: {  	[sflag:s8] =	ssyncset.done $0x0  }
0x1cb: {  	[sflag:s8] =	ssyncadd.s32 $0xFFFFEC00  }
0x1cc: {  	s4 =	sadd.s32 $0x1, s4  }
0x1cd: {  	p0 =	sne.s32 s4, s22  }
.Ltmp4:
0x1ce: {  	[bflag:$0x0] =	sbarrier.arrive $0xFFFF;
	s11 =	sshrl.u32 s10, $0x3;
	(pc) =	sbr.rel @p0 .LBB2_1-.Ltmp4, $4  }
0x1cf: {  	[hbm:s21], [sflag:s9] =	dma.local [spmem:s11], $0x2800  }
0x1d0: {  	_ =	swait.ge [sflag:s24], $0x2800  }
0x1d1: {  	[sflag:s24] =	ssyncset.done $0x0  }
0x1d2: {  	[sflag:s24] =	ssyncadd.s32 $0xFFFFD800  }
0x1d3: {  	_ =	sfence.sel $0x180000  }
0x1d4: {  	[bflag:$0x0] =	sbarrier.arrive $0xFFFF  }
0x1d5: {  	_ =	strace $0x90000047  }
0x1d6: {  	s0 =	stileid.u32;
	[bflag:$0x2] =	sbarrier.arrive $0xFFFF  }
0x1d7: {  	p0 =	sne.s32 s0, $0x0;
	s0 =	rddreg [dreg:$0x3]  }
0x1d8: {  	s0 =	sadd.s32 @!p0 $0x100000, s0  }
0x1d9: {  	[sflag:s0] =	ssyncadd.tile.s32 @!p0 $0x1;
	_ =	shalt  }
.Lfunc_end2:
_tile_overlayer_lowered:
.L_overlay_start_2:
0x1da: {  	(tag) =	ssettag $0x2  }
0x1db: {  	s0 =	rddreg [dreg:$0x0];
	s2 =	stileid.u32  }
0x1dc: {  	s1 =	rddreg [dreg:$0x1];
	p0 =	sne.s32 s2, $0x0  }
0x1dd: {  	s3 =	rddreg [dreg:$0x2];
	[bflag:$0x3] =	sbarrier.arrive $0xFFFF;
	s2 =	simm.s32 @!p0 $0x1C04  }
0x1de: {  	[timem:s3], [sflag:s2] =	dma.local @!p0 [hbm:s0], s1  }
0x1df: {  	s0 =	simm.s32 @!p0 $0x4  }
0x1e0: {  	_ =	swait.ge @!p0 [sflag:s0], s1  }
0x1e1: {  	s1 =	ssub.s32 @!p0 $0x0, s1;
	[sflag:s0] =	ssyncset.done @!p0 $0x0  }
0x1e2: {  	[sflag:s0] =	ssyncadd.s32 @!p0 s1  }
0x1e3: {  	[bflag:$0x3] =	sbarrier.arrive $0xFFFF  }
0x1e4: {  	_ =	shalt  }

</sc_bundles>
